<compile_context>
chip_gen: v7x
topology: tpu7x:2x2x1
jax: 0.10.2.dev20260603
libtpu: 0.0.44.dev20260713+nightly
codegen_flags: <defaults>
</compile_context>

<pallas_src>
import functools

import jax
import jax.numpy as jnp
from jax import lax
from jax.experimental import pallas as pl
from jax.experimental.pallas import tpu as pltpu
from jax.experimental.pallas import tpu_sc as plsc

N_NODES = 10000
D = 128
DP = D // 2
E = 320000
NC = 2
NS = 16
NW = NC * NS
E_PER_W = E // NW
CHUNK = 128
N_CHUNKS = E_PER_W // CHUNK
LANES = 16
P_BLKS = DP // LANES
GROUPS = CHUNK // LANES
TAIL = E_PER_W - N_CHUNKS * CHUNK
NBUF = 3
HI_MASK = -65536


def _sc_kernel(x_hbm, src_hbm, dst_hbm, out_hbm,
               idx_u, idx_v,
               rows_u0, rows_v0, rows_u1, rows_v1, rows_u2, rows_v2,
               tail_u, tail_v, accbuf, out_vmem,
               sem0, sem1, sem2, sem_t):
    sid = lax.axis_index("s")
    wid = sid * NC + lax.axis_index("c")
    base = pl.multiple_of(wid * E_PER_W, 8)
    lane_iota = lax.broadcasted_iota(jnp.int32, (LANES,), 0)

    pltpu.sync_copy(src_hbm.at[pl.ds(base, E_PER_W)], idx_u)
    pltpu.sync_copy(dst_hbm.at[pl.ds(base, E_PER_W)], idx_v)

    def start(ci, ru, rv, sem):
        off = pl.multiple_of(ci * CHUNK, 8)
        pltpu.async_copy(x_hbm.at[idx_u.at[pl.ds(off, CHUNK)]], ru, sem)
        pltpu.async_copy(x_hbm.at[idx_v.at[pl.ds(off, CHUNK)]], rv, sem)

    def wait(ru, rv, sem):
        pltpu.make_async_copy(x_hbm.at[idx_u.at[pl.ds(0, CHUNK)]], ru,
                              sem).wait()
        pltpu.make_async_copy(x_hbm.at[idx_v.at[pl.ds(0, CHUNK)]], rv,
                              sem).wait()

    row_base = lane_iota * LANES

    def dot_block(u_pk, v_pk):
        ub = plsc.bitcast(u_pk, jnp.bfloat16)
        vb = plsc.bitcast(v_pk, jnp.bfloat16)
        pi = plsc.bitcast(ub * vb, jnp.int32)
        plo = plsc.bitcast(pi << 16, jnp.float32)
        phi = plsc.bitcast(pi & HI_MASK, jnp.float32)
        return plo + phi

    def edge_acc(i, ru, rv):
        acc = dot_block(ru[i, pl.ds(0, LANES)], rv[i, pl.ds(0, LANES)])
        for k in range(1, P_BLKS):
            acc = acc + dot_block(ru[i, pl.ds(k * LANES, LANES)],
                                  rv[i, pl.ds(k * LANES, LANES)])
        accbuf[pl.ds(i * LANES, LANES)] = acc

    def transpose_out(t, out_off):
        rb = row_base + t * (LANES * LANES)
        outacc = plsc.load_gather(accbuf, [rb])
        for l in range(1, LANES):
            outacc = outacc + plsc.load_gather(accbuf, [rb + l])
        out_vmem[pl.ds(out_off, LANES)] = outacc

    def compute(ci, ru, rv):
        @plsc.parallel_loop(0, CHUNK, 1, unroll=4)
        def _edges(i):
            edge_acc(i, ru, rv)

        @plsc.parallel_loop(0, GROUPS, 1, unroll=2)
        def _groups(t):
            transpose_out(t, ci * CHUNK + t * LANES)

    toff = pl.multiple_of(N_CHUNKS * CHUNK, 8)
    pltpu.async_copy(x_hbm.at[idx_u.at[pl.ds(toff, TAIL)]], tail_u, sem_t)
    pltpu.async_copy(x_hbm.at[idx_v.at[pl.ds(toff, TAIL)]], tail_v, sem_t)

    slots = ((rows_u0, rows_v0, sem0), (rows_u1, rows_v1, sem1),
             (rows_u2, rows_v2, sem2))
    for j in range(NBUF - 1):
        start(j, *slots[j])

    def ring_body(t, _):
        for j in range(NBUF):
            c = NBUF * t + j
            nxt = c + NBUF - 1

            @pl.when(nxt < N_CHUNKS)
            def _start():
                start(nxt, *slots[(j + NBUF - 1) % NBUF])

            wait(*slots[j])
            compute(c, slots[j][0], slots[j][1])
        return _

    lax.fori_loop(0, N_CHUNKS // NBUF, ring_body, 0)
    for c in range((N_CHUNKS // NBUF) * NBUF, N_CHUNKS):
        wait(*slots[c % NBUF])
        compute(c, slots[c % NBUF][0], slots[c % NBUF][1])

    pltpu.make_async_copy(x_hbm.at[idx_u.at[pl.ds(0, TAIL)]], tail_u,
                          sem_t).wait()
    pltpu.make_async_copy(x_hbm.at[idx_v.at[pl.ds(0, TAIL)]], tail_v,
                          sem_t).wait()
    for i in range(TAIL):
        edge_acc(i, tail_u, tail_v)
    transpose_out(0, N_CHUNKS * CHUNK)

    pltpu.sync_copy(out_vmem, out_hbm.at[pl.ds(base, E_PER_W)])


def kernel(x, edge_index):
    ei = edge_index.astype(jnp.int32)
    src = ei[0]
    dst = ei[1]
    xp = lax.bitcast_convert_type(
        x.astype(jnp.bfloat16).reshape(N_NODES, DP, 2), jnp.float32)

    mesh = plsc.VectorSubcoreMesh(core_axis_name="c", subcore_axis_name="s")
    k = functools.partial(
        pl.kernel,
        mesh=mesh,
        out_type=jax.ShapeDtypeStruct((E,), jnp.float32),
        compiler_params=pltpu.CompilerParams(needs_layout_passes=False,
                                             use_tc_tiling_on_sc=False,
                                             disable_bounds_checks=True),
        scratch_types=[
            pltpu.VMEM((E_PER_W,), jnp.int32),
            pltpu.VMEM((E_PER_W,), jnp.int32),
            pltpu.VMEM((CHUNK, DP), jnp.float32),
            pltpu.VMEM((CHUNK, DP), jnp.float32),
            pltpu.VMEM((CHUNK, DP), jnp.float32),
            pltpu.VMEM((CHUNK, DP), jnp.float32),
            pltpu.VMEM((CHUNK, DP), jnp.float32),
            pltpu.VMEM((CHUNK, DP), jnp.float32),
            pltpu.VMEM((TAIL, DP), jnp.float32),
            pltpu.VMEM((TAIL, DP), jnp.float32),
            pltpu.VMEM((CHUNK * LANES,), jnp.float32),
            pltpu.VMEM((E_PER_W,), jnp.float32),
            pltpu.SemaphoreType.DMA,
            pltpu.SemaphoreType.DMA,
            pltpu.SemaphoreType.DMA,
            pltpu.SemaphoreType.DMA,
        ],
    )(_sc_kernel)
    return k(xp, src, dst)

# --- scband reference (transcript-rebuilt; emitter-appended) ---
"""Pipeline reference for scband-link-score-predictor-1709396984518 (READ-ONLY COPY).

The authoritative reference and input builder live on the scoring server;
editing this copy changes nothing except your own understanding.
"""

import jax, jax.numpy as jnp
import numpy as np


def setup_inputs(seed: int = 0) -> dict:
    key = jax.random.key(seed)
    k1, k2 = jax.random.split(key)
    x = jax.random.normal(k1, (10000, 128), dtype=jnp.float32)
    edge_index = jax.random.randint(k2, (2, 320000), 0, 10000, dtype=jnp.int64)
    return {"x": x, "edge_index": edge_index}


def reference(x, edge_index):
    # DGL u_dot_v('x', 'x', 'score'): for each edge (u, v), score = dot(x[u], x[v])
    src = edge_index[0]
    dst = edge_index[1]
    xu = jnp.take(x, src, axis=0)   # [E, d] gather
    xv = jnp.take(x, dst, axis=0)   # [E, d] gather
    score = jnp.sum(xu * xv, axis=-1)  # [E]
    return score

if __name__ == "__main__":
    import jax
    _d = setup_inputs()
    print(jax.jit(kernel)(*tuple(_d.values())))

</pallas_src>

<mosaic_0001>
#map = affine_map<(d0, d1) -> (0, 0)>
#map1 = affine_map<(d0, d1) -> (0)>
module attributes {stable_mosaic.version = 14 : i64} {
  func.func @_sc_kernel(%arg0: i32, %arg1: i32, %arg2: memref<10000x64xf32, #tpu.memory_space<hbm>>, %arg3: memref<320000xi32, #tpu.memory_space<hbm>>, %arg4: memref<320000xi32, #tpu.memory_space<hbm>>, %arg5: memref<320000xf32, #tpu.memory_space<hbm>>, %arg6: memref<10000xi32, #tpu.memory_space<vmem>>, %arg7: memref<10000xi32, #tpu.memory_space<vmem>>, %arg8: memref<128x64xf32, #tpu.memory_space<vmem>>, %arg9: memref<128x64xf32, #tpu.memory_space<vmem>>, %arg10: memref<128x64xf32, #tpu.memory_space<vmem>>, %arg11: memref<128x64xf32, #tpu.memory_space<vmem>>, %arg12: memref<128x64xf32, #tpu.memory_space<vmem>>, %arg13: memref<128x64xf32, #tpu.memory_space<vmem>>, %arg14: memref<16x64xf32, #tpu.memory_space<vmem>>, %arg15: memref<16x64xf32, #tpu.memory_space<vmem>>, %arg16: memref<2048xf32, #tpu.memory_space<vmem>>, %arg17: memref<10000xf32, #tpu.memory_space<vmem>>, %arg18: memref<!tpu.dma_semaphore, #tpu.memory_space<semaphore_mem>>, %arg19: memref<!tpu.dma_semaphore, #tpu.memory_space<semaphore_mem>>, %arg20: memref<!tpu.dma_semaphore, #tpu.memory_space<semaphore_mem>>, %arg21: memref<!tpu.dma_semaphore, #tpu.memory_space<semaphore_mem>>) attributes {dimension_semantics = [#tpu.dimension_semantics<core_parallel>, #tpu.dimension_semantics<subcore_parallel>], iteration_bounds = array<i64: 2, 16>, scalar_prefetch = 0 : i64, scratch_operands = 16 : i64, tpu.core_type = #tpu.core_type<sc_vector_subcore>, window_params = [{transform_indices = #map}, {transform_indices = #map1}, {transform_indices = #map1}, {transform_indices = #map1}]} {
    %mul3A = arith.constant 2 : i32
    %mul3A_0 = arith.muli %arg1, %mul3A : i32
    %add3A = arith.addi %mul3A_0, %arg0 : i32
    %mul3A_1 = arith.constant 10000 : i32
    %mul3A_2 = arith.muli %add3A, %mul3A_1 : i32
    %multiple_of3A = tpu.assume_multiple %mul3A_2, 8 : i32
    %iota3A = tpu.iota {dimensions = array<i32: 0>} : vector<16xi32>
    "tpu.region"() ({
      %run_scoped3A = tpu.sem_alloc : memref<!tpu.dma_semaphore, #tpu.memory_space<semaphore_mem>>
      %dma_start3A_1548 = tpu.memref_slice %arg3[%multiple_of3A] : memref<320000xi32, #tpu.memory_space<hbm>> -> memref<10000xi32, #tpu.memory_space<hbm>>
      %dma_start3A_1549 = tpu.memref_slice %arg3[%multiple_of3A] : memref<320000xi32, #tpu.memory_space<hbm>> -> memref<10000xi32, #tpu.memory_space<hbm>>
      tpu.enqueue_dma source(%dma_start3A_1549 : memref<10000xi32, #tpu.memory_space<hbm>>) target(%arg6 : memref<10000xi32, #tpu.memory_space<vmem>>) target_semaphore(%run_scoped3A : memref<!tpu.dma_semaphore, #tpu.memory_space<semaphore_mem>>)
      %dma_wait3A_1550 = tpu.memref_slice %arg3[%multiple_of3A] : memref<320000xi32, #tpu.memory_space<hbm>> -> memref<10000xi32, #tpu.memory_space<hbm>>
      %dma_wait3A_1551 = tpu.memref_slice %arg3[%multiple_of3A] : memref<320000xi32, #tpu.memory_space<hbm>> -> memref<10000xi32, #tpu.memory_space<hbm>>
      tpu.wait_dma2 semaphore(%run_scoped3A : memref<!tpu.dma_semaphore, #tpu.memory_space<semaphore_mem>>) src(%dma_wait3A_1551 : memref<10000xi32, #tpu.memory_space<hbm>>) dst(%arg6 : memref<10000xi32, #tpu.memory_space<vmem>>)
      tpu.yield
    }) : () -> ()
    "tpu.region"() ({
      %run_scoped3A = tpu.sem_alloc : memref<!tpu.dma_semaphore, #tpu.memory_space<semaphore_mem>>
      %dma_start3A_1548 = tpu.memref_slice %arg4[%multiple_of3A] : memref<320000xi32, #tpu.memory_space<hbm>> -> memref<10000xi32, #tpu.memory_space<hbm>>
      %dma_start3A_1549 = tpu.memref_slice %arg4[%multiple_of3A] : memref<320000xi32, #tpu.memory_space<hbm>> -> memref<10000xi32, #tpu.memory_space<hbm>>
      tpu.enqueue_dma source(%dma_start3A_1549 : memref<10000xi32, #tpu.memory_space<hbm>>) target(%arg7 : memref<10000xi32, #tpu.memory_space<vmem>>) target_semaphore(%run_scoped3A : memref<!tpu.dma_semaphore, #tpu.memory_space<semaphore_mem>>)
      %dma_wait3A_1550 = tpu.memref_slice %arg4[%multiple_of3A] : memref<320000xi32, #tpu.memory_space<hbm>> -> memref<10000xi32, #tpu.memory_space<hbm>>
      %dma_wait3A_1551 = tpu.memref_slice %arg4[%multiple_of3A] : memref<320000xi32, #tpu.memory_space<hbm>> -> memref<10000xi32, #tpu.memory_space<hbm>>
      tpu.wait_dma2 semaphore(%run_scoped3A : memref<!tpu.dma_semaphore, #tpu.memory_space<semaphore_mem>>) src(%dma_wait3A_1551 : memref<10000xi32, #tpu.memory_space<hbm>>) dst(%arg7 : memref<10000xi32, #tpu.memory_space<vmem>>)
      tpu.yield
    }) : () -> ()
    %mul3A_3 = arith.constant 16 : i32
    %mul3A_4 = vector.broadcast %mul3A_3 : i32 to vector<16xi32>
    %mul3A_5 = arith.muli %iota3A, %mul3A_4 : vector<16xi32>
    %multiple_of3A_6 = arith.constant 9984 : i32
    %multiple_of3A_7 = tpu.assume_multiple %multiple_of3A_6, 8 : i32
    %dma_start3A = tpu.memref_slice %arg6[%multiple_of3A_7] : memref<10000xi32, #tpu.memory_space<vmem>> -> memref<16xi32, #tpu.memory_space<vmem>>
    %dma_start3A_8 = arith.constant 0 : i32
    %dma_start3A_9 = arith.constant 0 : i32
    %dma_start3A_10 = tpu.memref_slice %arg2[%dma_start3A_8, %dma_start3A_9] : memref<10000x64xf32, #tpu.memory_space<hbm>> -> memref<10000x64xf32, #tpu.memory_space<hbm>>
    tpu.enqueue_indirect_dma source(%dma_start3A_10 : memref<10000x64xf32, #tpu.memory_space<hbm>>) target(%arg14 : memref<16x64xf32, #tpu.memory_space<vmem>>) offsets(%dma_start3A : memref<16xi32, #tpu.memory_space<vmem>>) semaphore(%arg21 : memref<!tpu.dma_semaphore, #tpu.memory_space<semaphore_mem>>)
    %dma_start3A_11 = tpu.memref_slice %arg7[%multiple_of3A_7] : memref<10000xi32, #tpu.memory_space<vmem>> -> memref<16xi32, #tpu.memory_space<vmem>>
    %dma_start3A_12 = arith.constant 0 : i32
    %dma_start3A_13 = arith.constant 0 : i32
    %dma_start3A_14 = tpu.memref_slice %arg2[%dma_start3A_12, %dma_start3A_13] : memref<10000x64xf32, #tpu.memory_space<hbm>> -> memref<10000x64xf32, #tpu.memory_space<hbm>>
    tpu.enqueue_indirect_dma source(%dma_start3A_14 : memref<10000x64xf32, #tpu.memory_space<hbm>>) target(%arg15 : memref<16x64xf32, #tpu.memory_space<vmem>>) offsets(%dma_start3A_11 : memref<16xi32, #tpu.memory_space<vmem>>) semaphore(%arg21 : memref<!tpu.dma_semaphore, #tpu.memory_space<semaphore_mem>>)
    %multiple_of3A_15 = arith.constant 0 : i32
    %multiple_of3A_16 = tpu.assume_multiple %multiple_of3A_15, 8 : i32
    %dma_start3A_17 = tpu.memref_slice %arg6[%multiple_of3A_16] : memref<10000xi32, #tpu.memory_space<vmem>> -> memref<128xi32, #tpu.memory_space<vmem>>
    %dma_start3A_18 = arith.constant 0 : i32
    %dma_start3A_19 = arith.constant 0 : i32
    %dma_start3A_20 = tpu.memref_slice %arg2[%dma_start3A_18, %dma_start3A_19] : memref<10000x64xf32, #tpu.memory_space<hbm>> -> memref<10000x64xf32, #tpu.memory_space<hbm>>
    tpu.enqueue_indirect_dma source(%dma_start3A_20 : memref<10000x64xf32, #tpu.memory_space<hbm>>) target(%arg8 : memref<128x64xf32, #tpu.memory_space<vmem>>) offsets(%dma_start3A_17 : memref<128xi32, #tpu.memory_space<vmem>>) semaphore(%arg18 : memref<!tpu.dma_semaphore, #tpu.memory_space<semaphore_mem>>)
    %dma_start3A_21 = tpu.memref_slice %arg7[%multiple_of3A_16] : memref<10000xi32, #tpu.memory_space<vmem>> -> memref<128xi32, #tpu.memory_space<vmem>>
    %dma_start3A_22 = arith.constant 0 : i32
    %dma_start3A_23 = arith.constant 0 : i32
    %dma_start3A_24 = tpu.memref_slice %arg2[%dma_start3A_22, %dma_start3A_23] : memref<10000x64xf32, #tpu.memory_space<hbm>> -> memref<10000x64xf32, #tpu.memory_space<hbm>>
    tpu.enqueue_indirect_dma source(%dma_start3A_24 : memref<10000x64xf32, #tpu.memory_space<hbm>>) target(%arg9 : memref<128x64xf32, #tpu.memory_space<vmem>>) offsets(%dma_start3A_21 : memref<128xi32, #tpu.memory_space<vmem>>) semaphore(%arg18 : memref<!tpu.dma_semaphore, #tpu.memory_space<semaphore_mem>>)
    %multiple_of3A_25 = arith.constant 128 : i32
    %multiple_of3A_26 = tpu.assume_multiple %multiple_of3A_25, 8 : i32
    %dma_start3A_27 = tpu.memref_slice %arg6[%multiple_of3A_26] : memref<10000xi32, #tpu.memory_space<vmem>> -> memref<128xi32, #tpu.memory_space<vmem>>
    %dma_start3A_28 = arith.constant 0 : i32
    %dma_start3A_29 = arith.constant 0 : i32
    %dma_start3A_30 = tpu.memref_slice %arg2[%dma_start3A_28, %dma_start3A_29] : memref<10000x64xf32, #tpu.memory_space<hbm>> -> memref<10000x64xf32, #tpu.memory_space<hbm>>
    tpu.enqueue_indirect_dma source(%dma_start3A_30 : memref<10000x64xf32, #tpu.memory_space<hbm>>) target(%arg10 : memref<128x64xf32, #tpu.memory_space<vmem>>) offsets(%dma_start3A_27 : memref<128xi32, #tpu.memory_space<vmem>>) semaphore(%arg19 : memref<!tpu.dma_semaphore, #tpu.memory_space<semaphore_mem>>)
    %dma_start3A_31 = tpu.memref_slice %arg7[%multiple_of3A_26] : memref<10000xi32, #tpu.memory_space<vmem>> -> memref<128xi32, #tpu.memory_space<vmem>>
    %dma_start3A_32 = arith.constant 0 : i32
    %dma_start3A_33 = arith.constant 0 : i32
    %dma_start3A_34 = tpu.memref_slice %arg2[%dma_start3A_32, %dma_start3A_33] : memref<10000x64xf32, #tpu.memory_space<hbm>> -> memref<10000x64xf32, #tpu.memory_space<hbm>>
    tpu.enqueue_indirect_dma source(%dma_start3A_34 : memref<10000x64xf32, #tpu.memory_space<hbm>>) target(%arg11 : memref<128x64xf32, #tpu.memory_space<vmem>>) offsets(%dma_start3A_31 : memref<128xi32, #tpu.memory_space<vmem>>) semaphore(%arg19 : memref<!tpu.dma_semaphore, #tpu.memory_space<semaphore_mem>>)
    %scan3A = arith.constant 0 : i32
    %scan3A_35 = arith.constant 0 : i32
    %scan3A_36 = arith.constant 26 : i32
    %scan3A_37 = arith.addi %scan3A_35, %scan3A_36 : i32
    %scan3A_38 = arith.constant 1 : i32
    scf.for %scan3A_1548 = %scan3A_35 to %scan3A_37 step %scan3A_38  : i32 {
      %mul3A_1549 = arith.constant 3 : i32
      %mul3A_1550 = arith.muli %mul3A_1549, %scan3A_1548 : i32
      %add3A_1551 = arith.constant 0 : i32
      %add3A_1552 = arith.addi %mul3A_1550, %add3A_1551 : i32
      %add3A_1553 = arith.constant 3 : i32
      %add3A_1554 = arith.addi %add3A_1552, %add3A_1553 : i32
      %sub3A = arith.constant 1 : i32
      %sub3A_1555 = arith.subi %add3A_1554, %sub3A : i32
      %lt3A = arith.constant 78 : i32
      %lt3A_1556 = arith.cmpi slt, %sub3A_1555, %lt3A : i32
      %convert_element_type3A = arith.extui %lt3A_1556 : i1 to i32
      %cond3A = arith.constant 0 : i32
      %cond3A_1557 = arith.cmpi ne, %convert_element_type3A, %cond3A : i32
      scf.if %cond3A_1557 {
        %mul3A_1631 = arith.constant 128 : i32
        %mul3A_1632 = arith.muli %sub3A_1555, %mul3A_1631 : i32
        %multiple_of3A_1633 = tpu.assume_multiple %mul3A_1632, 8 : i32
        %dma_start3A_1634 = tpu.memref_slice %arg6[%multiple_of3A_1633] : memref<10000xi32, #tpu.memory_space<vmem>> -> memref<128xi32, #tpu.memory_space<vmem>>
        %dma_start3A_1635 = arith.constant 0 : i32
        %dma_start3A_1636 = arith.constant 0 : i32
        %dma_start3A_1637 = tpu.memref_slice %arg2[%dma_start3A_1635, %dma_start3A_1636] : memref<10000x64xf32, #tpu.memory_space<hbm>> -> memref<10000x64xf32, #tpu.memory_space<hbm>>
        tpu.enqueue_indirect_dma source(%dma_start3A_1637 : memref<10000x64xf32, #tpu.memory_space<hbm>>) target(%arg12 : memref<128x64xf32, #tpu.memory_space<vmem>>) offsets(%dma_start3A_1634 : memref<128xi32, #tpu.memory_space<vmem>>) semaphore(%arg20 : memref<!tpu.dma_semaphore, #tpu.memory_space<semaphore_mem>>)
        %dma_start3A_1638 = tpu.memref_slice %arg7[%multiple_of3A_1633] : memref<10000xi32, #tpu.memory_space<vmem>> -> memref<128xi32, #tpu.memory_space<vmem>>
        %dma_start3A_1639 = arith.constant 0 : i32
        %dma_start3A_1640 = arith.constant 0 : i32
        %dma_start3A_1641 = tpu.memref_slice %arg2[%dma_start3A_1639, %dma_start3A_1640] : memref<10000x64xf32, #tpu.memory_space<hbm>> -> memref<10000x64xf32, #tpu.memory_space<hbm>>
        tpu.enqueue_indirect_dma source(%dma_start3A_1641 : memref<10000x64xf32, #tpu.memory_space<hbm>>) target(%arg13 : memref<128x64xf32, #tpu.memory_space<vmem>>) offsets(%dma_start3A_1638 : memref<128xi32, #tpu.memory_space<vmem>>) semaphore(%arg20 : memref<!tpu.dma_semaphore, #tpu.memory_space<semaphore_mem>>)
      } else {
      }
      %dma_wait3A_1558 = arith.constant 0 : i32
      %dma_wait3A_1559 = tpu.memref_slice %arg6[%dma_wait3A_1558] : memref<10000xi32, #tpu.memory_space<vmem>> -> memref<128xi32, #tpu.memory_space<vmem>>
      %dma_wait3A_1560 = arith.constant 0 : i32
      %dma_wait3A_1561 = arith.constant 0 : i32
      %dma_wait3A_1562 = tpu.memref_slice %arg2[%dma_wait3A_1560, %dma_wait3A_1561] : memref<10000x64xf32, #tpu.memory_space<hbm>> -> memref<10000x64xf32, #tpu.memory_space<hbm>>
      tpu.wait_indirect_dma semaphore(%arg18 : memref<!tpu.dma_semaphore, #tpu.memory_space<semaphore_mem>>) src(%dma_wait3A_1562 : memref<10000x64xf32, #tpu.memory_space<hbm>>) dst(%arg8 : memref<128x64xf32, #tpu.memory_space<vmem>>)
      %dma_wait3A_1563 = arith.constant 0 : i32
      %dma_wait3A_1564 = tpu.memref_slice %arg7[%dma_wait3A_1563] : memref<10000xi32, #tpu.memory_space<vmem>> -> memref<128xi32, #tpu.memory_space<vmem>>
      %dma_wait3A_1565 = arith.constant 0 : i32
      %dma_wait3A_1566 = arith.constant 0 : i32
      %dma_wait3A_1567 = tpu.memref_slice %arg2[%dma_wait3A_1565, %dma_wait3A_1566] : memref<10000x64xf32, #tpu.memory_space<hbm>> -> memref<10000x64xf32, #tpu.memory_space<hbm>>
      tpu.wait_indirect_dma semaphore(%arg18 : memref<!tpu.dma_semaphore, #tpu.memory_space<semaphore_mem>>) src(%dma_wait3A_1567 : memref<10000x64xf32, #tpu.memory_space<hbm>>) dst(%arg9 : memref<128x64xf32, #tpu.memory_space<vmem>>)
      %parallel_loop3A = arith.constant 0 : i32
      %parallel_loop3A_1568 = arith.constant 128 : i32
      %parallel_loop3A_1569 = arith.constant 1 : i32
      scf.for %parallel_loop3A_1631 = %parallel_loop3A to %parallel_loop3A_1568 step %parallel_loop3A_1569  : i32 {
        %parallel_loop3A_1632 = arith.index_cast %parallel_loop3A_1631 : i32 to index
        %parallel_loop3A_1633 = arith.constant 0 : index
        %parallel_loop3A_1634 = tpu.vector_load %arg8[%parallel_loop3A_1632, %parallel_loop3A_1633] {strides = array<i32>} : memref<128x64xf32, #tpu.memory_space<vmem>>, vector<16xf32>,
        %parallel_loop3A_1635 = arith.index_cast %parallel_loop3A_1631 : i32 to index
        %parallel_loop3A_1636 = arith.constant 0 : index
        %parallel_loop3A_1637 = tpu.vector_load %arg9[%parallel_loop3A_1635, %parallel_loop3A_1636] {strides = array<i32>} : memref<128x64xf32, #tpu.memory_space<vmem>>, vector<16xf32>,
        %parallel_loop3A_1638 = vector.bitcast %parallel_loop3A_1634 : vector<16xf32> to vector<32xbf16>
        %parallel_loop3A_1639 = vector.bitcast %parallel_loop3A_1637 : vector<16xf32> to vector<32xbf16>
        %parallel_loop3A_1640 = arith.mulf %parallel_loop3A_1638, %parallel_loop3A_1639 : vector<32xbf16>
        %parallel_loop3A_1641 = vector.bitcast %parallel_loop3A_1640 : vector<32xbf16> to vector<16xi32>
        %parallel_loop3A_1642 = arith.constant 16 : i32
        %parallel_loop3A_1643 = vector.broadcast %parallel_loop3A_1642 : i32 to vector<16xi32>
        %parallel_loop3A_1644 = arith.shli %parallel_loop3A_1641, %parallel_loop3A_1643 : vector<16xi32>
        %parallel_loop3A_1645 = vector.bitcast %parallel_loop3A_1644 : vector<16xi32> to vector<16xf32>
        %parallel_loop3A_1646 = arith.constant -65536 : i32
        %parallel_loop3A_1647 = vector.broadcast %parallel_loop3A_1646 : i32 to vector<16xi32>
        %parallel_loop3A_1648 = arith.andi %parallel_loop3A_1641, %parallel_loop3A_1647 : vector<16xi32>
        %parallel_loop3A_1649 = vector.bitcast %parallel_loop3A_1648 : vector<16xi32> to vector<16xf32>
        %parallel_loop3A_1650 = arith.addf %parallel_loop3A_1645, %parallel_loop3A_1649 : vector<16xf32>
        %parallel_loop3A_1651 = arith.index_cast %parallel_loop3A_1631 : i32 to index
        %parallel_loop3A_1652 = arith.constant 16 : index
        %parallel_loop3A_1653 = tpu.vector_load %arg8[%parallel_loop3A_1651, %parallel_loop3A_1652] {strides = array<i32>} : memref<128x64xf32, #tpu.memory_space<vmem>>, vector<16xf32>,
        %parallel_loop3A_1654 = arith.index_cast %parallel_loop3A_1631 : i32 to index
        %parallel_loop3A_1655 = arith.constant 16 : index
        %parallel_loop3A_1656 = tpu.vector_load %arg9[%parallel_loop3A_1654, %parallel_loop3A_1655] {strides = array<i32>} : memref<128x64xf32, #tpu.memory_space<vmem>>, vector<16xf32>,
        %parallel_loop3A_1657 = vector.bitcast %parallel_loop3A_1653 : vector<16xf32> to vector<32xbf16>
        %parallel_loop3A_1658 = vector.bitcast %parallel_loop3A_1656 : vector<16xf32> to vector<32xbf16>
        %parallel_loop3A_1659 = arith.mulf %parallel_loop3A_1657, %parallel_loop3A_1658 : vector<32xbf16>
        %parallel_loop3A_1660 = vector.bitcast %parallel_loop3A_1659 : vector<32xbf16> to vector<16xi32>
        %parallel_loop3A_1661 = arith.constant 16 : i32
        %parallel_loop3A_1662 = vector.broadcast %parallel_loop3A_1661 : i32 to vector<16xi32>
        %parallel_loop3A_1663 = arith.shli %parallel_loop3A_1660, %parallel_loop3A_1662 : vector<16xi32>
        %parallel_loop3A_1664 = vector.bitcast %parallel_loop3A_1663 : vector<16xi32> to vector<16xf32>
        %parallel_loop3A_1665 = arith.constant -65536 : i32
        %parallel_loop3A_1666 = vector.broadcast %parallel_loop3A_1665 : i32 to vector<16xi32>
        %parallel_loop3A_1667 = arith.andi %parallel_loop3A_1660, %parallel_loop3A_1666 : vector<16xi32>
        %parallel_loop3A_1668 = vector.bitcast %parallel_loop3A_1667 : vector<16xi32> to vector<16xf32>
        %parallel_loop3A_1669 = arith.addf %parallel_loop3A_1664, %parallel_loop3A_1668 : vector<16xf32>
        %parallel_loop3A_1670 = arith.addf %parallel_loop3A_1650, %parallel_loop3A_1669 : vector<16xf32>
        %parallel_loop3A_1671 = arith.index_cast %parallel_loop3A_1631 : i32 to index
        %parallel_loop3A_1672 = arith.constant 32 : index
        %parallel_loop3A_1673 = tpu.vector_load %arg8[%parallel_loop3A_1671, %parallel_loop3A_1672] {strides = array<i32>} : memref<128x64xf32, #tpu.memory_space<vmem>>, vector<16xf32>,
        %parallel_loop3A_1674 = arith.index_cast %parallel_loop3A_1631 : i32 to index
        %parallel_loop3A_1675 = arith.constant 32 : index
        %parallel_loop3A_1676 = tpu.vector_load %arg9[%parallel_loop3A_1674, %parallel_loop3A_1675] {strides = array<i32>} : memref<128x64xf32, #tpu.memory_space<vmem>>, vector<16xf32>,
        %parallel_loop3A_1677 = vector.bitcast %parallel_loop3A_1673 : vector<16xf32> to vector<32xbf16>
        %parallel_loop3A_1678 = vector.bitcast %parallel_loop3A_1676 : vector<16xf32> to vector<32xbf16>
        %parallel_loop3A_1679 = arith.mulf %parallel_loop3A_1677, %parallel_loop3A_1678 : vector<32xbf16>
        %parallel_loop3A_1680 = vector.bitcast %parallel_loop3A_1679 : vector<32xbf16> to vector<16xi32>
        %parallel_loop3A_1681 = arith.constant 16 : i32
        %parallel_loop3A_1682 = vector.broadcast %parallel_loop3A_1681 : i32 to vector<16xi32>
        %parallel_loop3A_1683 = arith.shli %parallel_loop3A_1680, %parallel_loop3A_1682 : vector<16xi32>
        %parallel_loop3A_1684 = vector.bitcast %parallel_loop3A_1683 : vector<16xi32> to vector<16xf32>
        %parallel_loop3A_1685 = arith.constant -65536 : i32
        %parallel_loop3A_1686 = vector.broadcast %parallel_loop3A_1685 : i32 to vector<16xi32>
        %parallel_loop3A_1687 = arith.andi %parallel_loop3A_1680, %parallel_loop3A_1686 : vector<16xi32>
        %parallel_loop3A_1688 = vector.bitcast %parallel_loop3A_1687 : vector<16xi32> to vector<16xf32>
        %parallel_loop3A_1689 = arith.addf %parallel_loop3A_1684, %parallel_loop3A_1688 : vector<16xf32>
        %parallel_loop3A_1690 = arith.addf %parallel_loop3A_1670, %parallel_loop3A_1689 : vector<16xf32>
        %parallel_loop3A_1691 = arith.index_cast %parallel_loop3A_1631 : i32 to index
        %parallel_loop3A_1692 = arith.constant 48 : index
        %parallel_loop3A_1693 = tpu.vector_load %arg8[%parallel_loop3A_1691, %parallel_loop3A_1692] {strides = array<i32>} : memref<128x64xf32, #tpu.memory_space<vmem>>, vector<16xf32>,
        %parallel_loop3A_1694 = arith.index_cast %parallel_loop3A_1631 : i32 to index
        %parallel_loop3A_1695 = arith.constant 48 : index
        %parallel_loop3A_1696 = tpu.vector_load %arg9[%parallel_loop3A_1694, %parallel_loop3A_1695] {strides = array<i32>} : memref<128x64xf32, #tpu.memory_space<vmem>>, vector<16xf32>,
        %parallel_loop3A_1697 = vector.bitcast %parallel_loop3A_1693 : vector<16xf32> to vector<32xbf16>
        %parallel_loop3A_1698 = vector.bitcast %parallel_loop3A_1696 : vector<16xf32> to vector<32xbf16>
        %parallel_loop3A_1699 = arith.mulf %parallel_loop3A_1697, %parallel_loop3A_1698 : vector<32xbf16>
        %parallel_loop3A_1700 = vector.bitcast %parallel_loop3A_1699 : vector<32xbf16> to vector<16xi32>
        %parallel_loop3A_1701 = arith.constant 16 : i32
        %parallel_loop3A_1702 = vector.broadcast %parallel_loop3A_1701 : i32 to vector<16xi32>
        %parallel_loop3A_1703 = arith.shli %parallel_loop3A_1700, %parallel_loop3A_1702 : vector<16xi32>
        %parallel_loop3A_1704 = vector.bitcast %parallel_loop3A_1703 : vector<16xi32> to vector<16xf32>
        %parallel_loop3A_1705 = arith.constant -65536 : i32
        %parallel_loop3A_1706 = vector.broadcast %parallel_loop3A_1705 : i32 to vector<16xi32>
        %parallel_loop3A_1707 = arith.andi %parallel_loop3A_1700, %parallel_loop3A_1706 : vector<16xi32>
        %parallel_loop3A_1708 = vector.bitcast %parallel_loop3A_1707 : vector<16xi32> to vector<16xf32>
        %parallel_loop3A_1709 = arith.addf %parallel_loop3A_1704, %parallel_loop3A_1708 : vector<16xf32>
        %parallel_loop3A_1710 = arith.addf %parallel_loop3A_1690, %parallel_loop3A_1709 : vector<16xf32>
        %parallel_loop3A_1711 = arith.constant 16 : i32
        %parallel_loop3A_1712 = arith.muli %parallel_loop3A_1631, %parallel_loop3A_1711 : i32
        %parallel_loop3A_1713 = arith.index_cast %parallel_loop3A_1712 : i32 to index
        %parallel_loop3A_1714 = tpu.vector_load %arg16[%parallel_loop3A_1713] {strides = array<i32>} : memref<2048xf32, #tpu.memory_space<vmem>>, vector<16xf32>,
        tpu.vector_store %arg16[%parallel_loop3A_1713], %parallel_loop3A_1710 {strides = array<i32>} : memref<2048xf32, #tpu.memory_space<vmem>>, vector<16xf32>,
      } {sc.loop_unroll_factor = 4 : i64, sc.parallel_access}
      %parallel_loop3A_1570 = arith.constant 0 : i32
      %parallel_loop3A_1571 = arith.constant 8 : i32
      %parallel_loop3A_1572 = arith.constant 1 : i32
      scf.for %parallel_loop3A_1631 = %parallel_loop3A_1570 to %parallel_loop3A_1571 step %parallel_loop3A_1572  : i32 {
        %parallel_loop3A_1632 = arith.constant 128 : i32
        %parallel_loop3A_1633 = arith.muli %add3A_1552, %parallel_loop3A_1632 : i32
        %parallel_loop3A_1634 = arith.constant 16 : i32
        %parallel_loop3A_1635 = arith.muli %parallel_loop3A_1631, %parallel_loop3A_1634 : i32
        %parallel_loop3A_1636 = arith.addi %parallel_loop3A_1633, %parallel_loop3A_1635 : i32
        %parallel_loop3A_1637 = arith.constant 256 : i32
        %parallel_loop3A_1638 = arith.muli %parallel_loop3A_1631, %parallel_loop3A_1637 : i32
        %parallel_loop3A_1639 = vector.broadcast %parallel_loop3A_1638 : i32 to vector<16xi32>
        %parallel_loop3A_1640 = arith.addi %mul3A_5, %parallel_loop3A_1639 : vector<16xi32>
        %parallel_loop3A_1641 = tpu.vector_load_idx %arg16[%parallel_loop3A_1640] : memref<2048xf32, #tpu.memory_space<vmem>>[vector<16xi32>], vector<16xf32>,
        %parallel_loop3A_1642 = arith.constant 1 : i32
        %parallel_loop3A_1643 = vector.broadcast %parallel_loop3A_1642 : i32 to vector<16xi32>
        %parallel_loop3A_1644 = arith.addi %parallel_loop3A_1640, %parallel_loop3A_1643 : vector<16xi32>
        %parallel_loop3A_1645 = tpu.vector_load_idx %arg16[%parallel_loop3A_1644] : memref<2048xf32, #tpu.memory_space<vmem>>[vector<16xi32>], vector<16xf32>,
        %parallel_loop3A_1646 = arith.addf %parallel_loop3A_1641, %parallel_loop3A_1645 : vector<16xf32>
        %parallel_loop3A_1647 = arith.constant 2 : i32
        %parallel_loop3A_1648 = vector.broadcast %parallel_loop3A_1647 : i32 to vector<16xi32>
        %parallel_loop3A_1649 = arith.addi %parallel_loop3A_1640, %parallel_loop3A_1648 : vector<16xi32>
        %parallel_loop3A_1650 = tpu.vector_load_idx %arg16[%parallel_loop3A_1649] : memref<2048xf32, #tpu.memory_space<vmem>>[vector<16xi32>], vector<16xf32>,
        %parallel_loop3A_1651 = arith.addf %parallel_loop3A_1646, %parallel_loop3A_1650 : vector<16xf32>
        %parallel_loop3A_1652 = arith.constant 3 : i32
        %parallel_loop3A_1653 = vector.broadcast %parallel_loop3A_1652 : i32 to vector<16xi32>
        %parallel_loop3A_1654 = arith.addi %parallel_loop3A_1640, %parallel_loop3A_1653 : vector<16xi32>
        %parallel_loop3A_1655 = tpu.vector_load_idx %arg16[%parallel_loop3A_1654] : memref<2048xf32, #tpu.memory_space<vmem>>[vector<16xi32>], vector<16xf32>,
        %parallel_loop3A_1656 = arith.addf %parallel_loop3A_1651, %parallel_loop3A_1655 : vector<16xf32>
        %parallel_loop3A_1657 = arith.constant 4 : i32
        %parallel_loop3A_1658 = vector.broadcast %parallel_loop3A_1657 : i32 to vector<16xi32>
        %parallel_loop3A_1659 = arith.addi %parallel_loop3A_1640, %parallel_loop3A_1658 : vector<16xi32>
        %parallel_loop3A_1660 = tpu.vector_load_idx %arg16[%parallel_loop3A_1659] : memref<2048xf32, #tpu.memory_space<vmem>>[vector<16xi32>], vector<16xf32>,
        %parallel_loop3A_1661 = arith.addf %parallel_loop3A_1656, %parallel_loop3A_1660 : vector<16xf32>
        %parallel_loop3A_1662 = arith.constant 5 : i32
        %parallel_loop3A_1663 = vector.broadcast %parallel_loop3A_1662 : i32 to vector<16xi32>
        %parallel_loop3A_1664 = arith.addi %parallel_loop3A_1640, %parallel_loop3A_1663 : vector<16xi32>
        %parallel_loop3A_1665 = tpu.vector_load_idx %arg16[%parallel_loop3A_1664] : memref<2048xf32, #tpu.memory_space<vmem>>[vector<16xi32>], vector<16xf32>,
        %parallel_loop3A_1666 = arith.addf %parallel_loop3A_1661, %parallel_loop3A_1665 : vector<16xf32>
        %parallel_loop3A_1667 = arith.constant 6 : i32
        %parallel_loop3A_1668 = vector.broadcast %parallel_loop3A_1667 : i32 to vector<16xi32>
        %parallel_loop3A_1669 = arith.addi %parallel_loop3A_1640, %parallel_loop3A_1668 : vector<16xi32>
        %parallel_loop3A_1670 = tpu.vector_load_idx %arg16[%parallel_loop3A_1669] : memref<2048xf32, #tpu.memory_space<vmem>>[vector<16xi32>], vector<16xf32>,
        %parallel_loop3A_1671 = arith.addf %parallel_loop3A_1666, %parallel_loop3A_1670 : vector<16xf32>
        %parallel_loop3A_1672 = arith.constant 7 : i32
        %parallel_loop3A_1673 = vector.broadcast %parallel_loop3A_1672 : i32 to vector<16xi32>
        %parallel_loop3A_1674 = arith.addi %parallel_loop3A_1640, %parallel_loop3A_1673 : vector<16xi32>
        %parallel_loop3A_1675 = tpu.vector_load_idx %arg16[%parallel_loop3A_1674] : memref<2048xf32, #tpu.memory_space<vmem>>[vector<16xi32>], vector<16xf32>,
        %parallel_loop3A_1676 = arith.addf %parallel_loop3A_1671, %parallel_loop3A_1675 : vector<16xf32>
        %parallel_loop3A_1677 = arith.constant 8 : i32
        %parallel_loop3A_1678 = vector.broadcast %parallel_loop3A_1677 : i32 to vector<16xi32>
        %parallel_loop3A_1679 = arith.addi %parallel_loop3A_1640, %parallel_loop3A_1678 : vector<16xi32>
        %parallel_loop3A_1680 = tpu.vector_load_idx %arg16[%parallel_loop3A_1679] : memref<2048xf32, #tpu.memory_space<vmem>>[vector<16xi32>], vector<16xf32>,
        %parallel_loop3A_1681 = arith.addf %parallel_loop3A_1676, %parallel_loop3A_1680 : vector<16xf32>
        %parallel_loop3A_1682 = arith.constant 9 : i32
        %parallel_loop3A_1683 = vector.broadcast %parallel_loop3A_1682 : i32 to vector<16xi32>
        %parallel_loop3A_1684 = arith.addi %parallel_loop3A_1640, %parallel_loop3A_1683 : vector<16xi32>
        %parallel_loop3A_1685 = tpu.vector_load_idx %arg16[%parallel_loop3A_1684] : memref<2048xf32, #tpu.memory_space<vmem>>[vector<16xi32>], vector<16xf32>,
        %parallel_loop3A_1686 = arith.addf %parallel_loop3A_1681, %parallel_loop3A_1685 : vector<16xf32>
        %parallel_loop3A_1687 = arith.constant 10 : i32
        %parallel_loop3A_1688 = vector.broadcast %parallel_loop3A_1687 : i32 to vector<16xi32>
        %parallel_loop3A_1689 = arith.addi %parallel_loop3A_1640, %parallel_loop3A_1688 : vector<16xi32>
        %parallel_loop3A_1690 = tpu.vector_load_idx %arg16[%parallel_loop3A_1689] : memref<2048xf32, #tpu.memory_space<vmem>>[vector<16xi32>], vector<16xf32>,
        %parallel_loop3A_1691 = arith.addf %parallel_loop3A_1686, %parallel_loop3A_1690 : vector<16xf32>
        %parallel_loop3A_1692 = arith.constant 11 : i32
        %parallel_loop3A_1693 = vector.broadcast %parallel_loop3A_1692 : i32 to vector<16xi32>
        %parallel_loop3A_1694 = arith.addi %parallel_loop3A_1640, %parallel_loop3A_1693 : vector<16xi32>
        %parallel_loop3A_1695 = tpu.vector_load_idx %arg16[%parallel_loop3A_1694] : memref<2048xf32, #tpu.memory_space<vmem>>[vector<16xi32>], vector<16xf32>,
        %parallel_loop3A_1696 = arith.addf %parallel_loop3A_1691, %parallel_loop3A_1695 : vector<16xf32>
        %parallel_loop3A_1697 = arith.constant 12 : i32
        %parallel_loop3A_1698 = vector.broadcast %parallel_loop3A_1697 : i32 to vector<16xi32>
        %parallel_loop3A_1699 = arith.addi %parallel_loop3A_1640, %parallel_loop3A_1698 : vector<16xi32>
        %parallel_loop3A_1700 = tpu.vector_load_idx %arg16[%parallel_loop3A_1699] : memref<2048xf32, #tpu.memory_space<vmem>>[vector<16xi32>], vector<16xf32>,
        %parallel_loop3A_1701 = arith.addf %parallel_loop3A_1696, %parallel_loop3A_1700 : vector<16xf32>
        %parallel_loop3A_1702 = arith.constant 13 : i32
        %parallel_loop3A_1703 = vector.broadcast %parallel_loop3A_1702 : i32 to vector<16xi32>
        %parallel_loop3A_1704 = arith.addi %parallel_loop3A_1640, %parallel_loop3A_1703 : vector<16xi32>
        %parallel_loop3A_1705 = tpu.vector_load_idx %arg16[%parallel_loop3A_1704] : memref<2048xf32, #tpu.memory_space<vmem>>[vector<16xi32>], vector<16xf32>,
        %parallel_loop3A_1706 = arith.addf %parallel_loop3A_1701, %parallel_loop3A_1705 : vector<16xf32>
        %parallel_loop3A_1707 = arith.constant 14 : i32
        %parallel_loop3A_1708 = vector.broadcast %parallel_loop3A_1707 : i32 to vector<16xi32>
        %parallel_loop3A_1709 = arith.addi %parallel_loop3A_1640, %parallel_loop3A_1708 : vector<16xi32>
        %parallel_loop3A_1710 = tpu.vector_load_idx %arg16[%parallel_loop3A_1709] : memref<2048xf32, #tpu.memory_space<vmem>>[vector<16xi32>], vector<16xf32>,
        %parallel_loop3A_1711 = arith.addf %parallel_loop3A_1706, %parallel_loop3A_1710 : vector<16xf32>
        %parallel_loop3A_1712 = arith.constant 15 : i32
        %parallel_loop3A_1713 = vector.broadcast %parallel_loop3A_1712 : i32 to vector<16xi32>
        %parallel_loop3A_1714 = arith.addi %parallel_loop3A_1640, %parallel_loop3A_1713 : vector<16xi32>
        %parallel_loop3A_1715 = tpu.vector_load_idx %arg16[%parallel_loop3A_1714] : memref<2048xf32, #tpu.memory_space<vmem>>[vector<16xi32>], vector<16xf32>,
        %parallel_loop3A_1716 = arith.addf %parallel_loop3A_1711, %parallel_loop3A_1715 : vector<16xf32>
        %parallel_loop3A_1717 = arith.index_cast %parallel_loop3A_1636 : i32 to index
        %parallel_loop3A_1718 = tpu.vector_load %arg17[%parallel_loop3A_1717] {strides = array<i32>} : memref<10000xf32, #tpu.memory_space<vmem>>, vector<16xf32>,
        tpu.vector_store %arg17[%parallel_loop3A_1717], %parallel_loop3A_1716 {strides = array<i32>} : memref<10000xf32, #tpu.memory_space<vmem>>, vector<16xf32>,
      } {sc.loop_unroll_factor = 2 : i64, sc.parallel_access}
      %mul3A_1573 = arith.constant 3 : i32
      %mul3A_1574 = arith.muli %mul3A_1573, %scan3A_1548 : i32
      %add3A_1575 = arith.constant 1 : i32
      %add3A_1576 = arith.addi %mul3A_1574, %add3A_1575 : i32
      %add3A_1577 = arith.constant 3 : i32
      %add3A_1578 = arith.addi %add3A_1576, %add3A_1577 : i32
      %sub3A_1579 = arith.constant 1 : i32
      %sub3A_1580 = arith.subi %add3A_1578, %sub3A_1579 : i32
      %lt3A_1581 = arith.constant 78 : i32
      %lt3A_1582 = arith.cmpi slt, %sub3A_1580, %lt3A_1581 : i32
      %convert_element_type3A_1583 = arith.extui %lt3A_1582 : i1 to i32
      %cond3A_1584 = arith.constant 0 : i32
      %cond3A_1585 = arith.cmpi ne, %convert_element_type3A_1583, %cond3A_1584 : i32
      scf.if %cond3A_1585 {
        %mul3A_1631 = arith.constant 128 : i32
        %mul3A_1632 = arith.muli %sub3A_1580, %mul3A_1631 : i32
        %multiple_of3A_1633 = tpu.assume_multiple %mul3A_1632, 8 : i32
        %dma_start3A_1634 = tpu.memref_slice %arg6[%multiple_of3A_1633] : memref<10000xi32, #tpu.memory_space<vmem>> -> memref<128xi32, #tpu.memory_space<vmem>>
        %dma_start3A_1635 = arith.constant 0 : i32
        %dma_start3A_1636 = arith.constant 0 : i32
        %dma_start3A_1637 = tpu.memref_slice %arg2[%dma_start3A_1635, %dma_start3A_1636] : memref<10000x64xf32, #tpu.memory_space<hbm>> -> memref<10000x64xf32, #tpu.memory_space<hbm>>
        tpu.enqueue_indirect_dma source(%dma_start3A_1637 : memref<10000x64xf32, #tpu.memory_space<hbm>>) target(%arg8 : memref<128x64xf32, #tpu.memory_space<vmem>>) offsets(%dma_start3A_1634 : memref<128xi32, #tpu.memory_space<vmem>>) semaphore(%arg18 : memref<!tpu.dma_semaphore, #tpu.memory_space<semaphore_mem>>)
        %dma_start3A_1638 = tpu.memref_slice %arg7[%multiple_of3A_1633] : memref<10000xi32, #tpu.memory_space<vmem>> -> memref<128xi32, #tpu.memory_space<vmem>>
        %dma_start3A_1639 = arith.constant 0 : i32
        %dma_start3A_1640 = arith.constant 0 : i32
        %dma_start3A_1641 = tpu.memref_slice %arg2[%dma_start3A_1639, %dma_start3A_1640] : memref<10000x64xf32, #tpu.memory_space<hbm>> -> memref<10000x64xf32, #tpu.memory_space<hbm>>
        tpu.enqueue_indirect_dma source(%dma_start3A_1641 : memref<10000x64xf32, #tpu.memory_space<hbm>>) target(%arg9 : memref<128x64xf32, #tpu.memory_space<vmem>>) offsets(%dma_start3A_1638 : memref<128xi32, #tpu.memory_space<vmem>>) semaphore(%arg18 : memref<!tpu.dma_semaphore, #tpu.memory_space<semaphore_mem>>)
      } else {
      }
      %dma_wait3A_1586 = arith.constant 0 : i32
      %dma_wait3A_1587 = tpu.memref_slice %arg6[%dma_wait3A_1586] : memref<10000xi32, #tpu.memory_space<vmem>> -> memref<128xi32, #tpu.memory_space<vmem>>
      %dma_wait3A_1588 = arith.constant 0 : i32
      %dma_wait3A_1589 = arith.constant 0 : i32
      %dma_wait3A_1590 = tpu.memref_slice %arg2[%dma_wait3A_1588, %dma_wait3A_1589] : memref<10000x64xf32, #tpu.memory_space<hbm>> -> memref<10000x64xf32, #tpu.memory_space<hbm>>
      tpu.wait_indirect_dma semaphore(%arg19 : memref<!tpu.dma_semaphore, #tpu.memory_space<semaphore_mem>>) src(%dma_wait3A_1590 : memref<10000x64xf32, #tpu.memory_space<hbm>>) dst(%arg10 : memref<128x64xf32, #tpu.memory_space<vmem>>)
      %dma_wait3A_1591 = arith.constant 0 : i32
      %dma_wait3A_1592 = tpu.memref_slice %arg7[%dma_wait3A_1591] : memref<10000xi32, #tpu.memory_space<vmem>> -> memref<128xi32, #tpu.memory_space<vmem>>
      %dma_wait3A_1593 = arith.constant 0 : i32
      %dma_wait3A_1594 = arith.constant 0 : i32
      %dma_wait3A_1595 = tpu.memref_slice %arg2[%dma_wait3A_1593, %dma_wait3A_1594] : memref<10000x64xf32, #tpu.memory_space<hbm>> -> memref<10000x64xf32, #tpu.memory_space<hbm>>
      tpu.wait_indirect_dma semaphore(%arg19 : memref<!tpu.dma_semaphore, #tpu.memory_space<semaphore_mem>>) src(%dma_wait3A_1595 : memref<10000x64xf32, #tpu.memory_space<hbm>>) dst(%arg11 : memref<128x64xf32, #tpu.memory_space<vmem>>)
      %parallel_loop3A_1596 = arith.constant 0 : i32
      %parallel_loop3A_1597 = arith.constant 128 : i32
      %parallel_loop3A_1598 = arith.constant 1 : i32
      scf.for %parallel_loop3A_1631 = %parallel_loop3A_1596 to %parallel_loop3A_1597 step %parallel_loop3A_1598  : i32 {
        %parallel_loop3A_1632 = arith.index_cast %parallel_loop3A_1631 : i32 to index
        %parallel_loop3A_1633 = arith.constant 0 : index
        %parallel_loop3A_1634 = tpu.vector_load %arg10[%parallel_loop3A_1632, %parallel_loop3A_1633] {strides = array<i32>} : memref<128x64xf32, #tpu.memory_space<vmem>>, vector<16xf32>,
        %parallel_loop3A_1635 = arith.index_cast %parallel_loop3A_1631 : i32 to index
        %parallel_loop3A_1636 = arith.constant 0 : index
        %parallel_loop3A_1637 = tpu.vector_load %arg11[%parallel_loop3A_1635, %parallel_loop3A_1636] {strides = array<i32>} : memref<128x64xf32, #tpu.memory_space<vmem>>, vector<16xf32>,
        %parallel_loop3A_1638 = vector.bitcast %parallel_loop3A_1634 : vector<16xf32> to vector<32xbf16>
        %parallel_loop3A_1639 = vector.bitcast %parallel_loop3A_1637 : vector<16xf32> to vector<32xbf16>
        %parallel_loop3A_1640 = arith.mulf %parallel_loop3A_1638, %parallel_loop3A_1639 : vector<32xbf16>
        %parallel_loop3A_1641 = vector.bitcast %parallel_loop3A_1640 : vector<32xbf16> to vector<16xi32>
        %parallel_loop3A_1642 = arith.constant 16 : i32
        %parallel_loop3A_1643 = vector.broadcast %parallel_loop3A_1642 : i32 to vector<16xi32>
        %parallel_loop3A_1644 = arith.shli %parallel_loop3A_1641, %parallel_loop3A_1643 : vector<16xi32>
        %parallel_loop3A_1645 = vector.bitcast %parallel_loop3A_1644 : vector<16xi32> to vector<16xf32>
        %parallel_loop3A_1646 = arith.constant -65536 : i32
        %parallel_loop3A_1647 = vector.broadcast %parallel_loop3A_1646 : i32 to vector<16xi32>
        %parallel_loop3A_1648 = arith.andi %parallel_loop3A_1641, %parallel_loop3A_1647 : vector<16xi32>
        %parallel_loop3A_1649 = vector.bitcast %parallel_loop3A_1648 : vector<16xi32> to vector<16xf32>
        %parallel_loop3A_1650 = arith.addf %parallel_loop3A_1645, %parallel_loop3A_1649 : vector<16xf32>
        %parallel_loop3A_1651 = arith.index_cast %parallel_loop3A_1631 : i32 to index
        %parallel_loop3A_1652 = arith.constant 16 : index
        %parallel_loop3A_1653 = tpu.vector_load %arg10[%parallel_loop3A_1651, %parallel_loop3A_1652] {strides = array<i32>} : memref<128x64xf32, #tpu.memory_space<vmem>>, vector<16xf32>,
        %parallel_loop3A_1654 = arith.index_cast %parallel_loop3A_1631 : i32 to index
        %parallel_loop3A_1655 = arith.constant 16 : index
        %parallel_loop3A_1656 = tpu.vector_load %arg11[%parallel_loop3A_1654, %parallel_loop3A_1655] {strides = array<i32>} : memref<128x64xf32, #tpu.memory_space<vmem>>, vector<16xf32>,
        %parallel_loop3A_1657 = vector.bitcast %parallel_loop3A_1653 : vector<16xf32> to vector<32xbf16>
        %parallel_loop3A_1658 = vector.bitcast %parallel_loop3A_1656 : vector<16xf32> to vector<32xbf16>
        %parallel_loop3A_1659 = arith.mulf %parallel_loop3A_1657, %parallel_loop3A_1658 : vector<32xbf16>
        %parallel_loop3A_1660 = vector.bitcast %parallel_loop3A_1659 : vector<32xbf16> to vector<16xi32>
        %parallel_loop3A_1661 = arith.constant 16 : i32
        %parallel_loop3A_1662 = vector.broadcast %parallel_loop3A_1661 : i32 to vector<16xi32>
        %parallel_loop3A_1663 = arith.shli %parallel_loop3A_1660, %parallel_loop3A_1662 : vector<16xi32>
        %parallel_loop3A_1664 = vector.bitcast %parallel_loop3A_1663 : vector<16xi32> to vector<16xf32>
        %parallel_loop3A_1665 = arith.constant -65536 : i32
        %parallel_loop3A_1666 = vector.broadcast %parallel_loop3A_1665 : i32 to vector<16xi32>
        %parallel_loop3A_1667 = arith.andi %parallel_loop3A_1660, %parallel_loop3A_1666 : vector<16xi32>
        %parallel_loop3A_1668 = vector.bitcast %parallel_loop3A_1667 : vector<16xi32> to vector<16xf32>
        %parallel_loop3A_1669 = arith.addf %parallel_loop3A_1664, %parallel_loop3A_1668 : vector<16xf32>
        %parallel_loop3A_1670 = arith.addf %parallel_loop3A_1650, %parallel_loop3A_1669 : vector<16xf32>
        %parallel_loop3A_1671 = arith.index_cast %parallel_loop3A_1631 : i32 to index
        %parallel_loop3A_1672 = arith.constant 32 : index
        %parallel_loop3A_1673 = tpu.vector_load %arg10[%parallel_loop3A_1671, %parallel_loop3A_1672] {strides = array<i32>} : memref<128x64xf32, #tpu.memory_space<vmem>>, vector<16xf32>,
        %parallel_loop3A_1674 = arith.index_cast %parallel_loop3A_1631 : i32 to index
        %parallel_loop3A_1675 = arith.constant 32 : index
        %parallel_loop3A_1676 = tpu.vector_load %arg11[%parallel_loop3A_1674, %parallel_loop3A_1675] {strides = array<i32>} : memref<128x64xf32, #tpu.memory_space<vmem>>, vector<16xf32>,
        %parallel_loop3A_1677 = vector.bitcast %parallel_loop3A_1673 : vector<16xf32> to vector<32xbf16>
        %parallel_loop3A_1678 = vector.bitcast %parallel_loop3A_1676 : vector<16xf32> to vector<32xbf16>
        %parallel_loop3A_1679 = arith.mulf %parallel_loop3A_1677, %parallel_loop3A_1678 : vector<32xbf16>
        %parallel_loop3A_1680 = vector.bitcast %parallel_loop3A_1679 : vector<32xbf16> to vector<16xi32>
        %parallel_loop3A_1681 = arith.constant 16 : i32
        %parallel_loop3A_1682 = vector.broadcast %parallel_loop3A_1681 : i32 to vector<16xi32>
        %parallel_loop3A_1683 = arith.shli %parallel_loop3A_1680, %parallel_loop3A_1682 : vector<16xi32>
        %parallel_loop3A_1684 = vector.bitcast %parallel_loop3A_1683 : vector<16xi32> to vector<16xf32>
        %parallel_loop3A_1685 = arith.constant -65536 : i32
        %parallel_loop3A_1686 = vector.broadcast %parallel_loop3A_1685 : i32 to vector<16xi32>
        %parallel_loop3A_1687 = arith.andi %parallel_loop3A_1680, %parallel_loop3A_1686 : vector<16xi32>
        %parallel_loop3A_1688 = vector.bitcast %parallel_loop3A_1687 : vector<16xi32> to vector<16xf32>
        %parallel_loop3A_1689 = arith.addf %parallel_loop3A_1684, %parallel_loop3A_1688 : vector<16xf32>
        %parallel_loop3A_1690 = arith.addf %parallel_loop3A_1670, %parallel_loop3A_1689 : vector<16xf32>
        %parallel_loop3A_1691 = arith.index_cast %parallel_loop3A_1631 : i32 to index
        %parallel_loop3A_1692 = arith.constant 48 : index
        %parallel_loop3A_1693 = tpu.vector_load %arg10[%parallel_loop3A_1691, %parallel_loop3A_1692] {strides = array<i32>} : memref<128x64xf32, #tpu.memory_space<vmem>>, vector<16xf32>,
        %parallel_loop3A_1694 = arith.index_cast %parallel_loop3A_1631 : i32 to index
        %parallel_loop3A_1695 = arith.constant 48 : index
        %parallel_loop3A_1696 = tpu.vector_load %arg11[%parallel_loop3A_1694, %parallel_loop3A_1695] {strides = array<i32>} : memref<128x64xf32, #tpu.memory_space<vmem>>, vector<16xf32>,
        %parallel_loop3A_1697 = vector.bitcast %parallel_loop3A_1693 : vector<16xf32> to vector<32xbf16>
        %parallel_loop3A_1698 = vector.bitcast %parallel_loop3A_1696 : vector<16xf32> to vector<32xbf16>
        %parallel_loop3A_1699 = arith.mulf %parallel_loop3A_1697, %parallel_loop3A_1698 : vector<32xbf16>
        %parallel_loop3A_1700 = vector.bitcast %parallel_loop3A_1699 : vector<32xbf16> to vector<16xi32>
        %parallel_loop3A_1701 = arith.constant 16 : i32
        %parallel_loop3A_1702 = vector.broadcast %parallel_loop3A_1701 : i32 to vector<16xi32>
        %parallel_loop3A_1703 = arith.shli %parallel_loop3A_1700, %parallel_loop3A_1702 : vector<16xi32>
        %parallel_loop3A_1704 = vector.bitcast %parallel_loop3A_1703 : vector<16xi32> to vector<16xf32>
        %parallel_loop3A_1705 = arith.constant -65536 : i32
        %parallel_loop3A_1706 = vector.broadcast %parallel_loop3A_1705 : i32 to vector<16xi32>
        %parallel_loop3A_1707 = arith.andi %parallel_loop3A_1700, %parallel_loop3A_1706 : vector<16xi32>
        %parallel_loop3A_1708 = vector.bitcast %parallel_loop3A_1707 : vector<16xi32> to vector<16xf32>
        %parallel_loop3A_1709 = arith.addf %parallel_loop3A_1704, %parallel_loop3A_1708 : vector<16xf32>
        %parallel_loop3A_1710 = arith.addf %parallel_loop3A_1690, %parallel_loop3A_1709 : vector<16xf32>
        %parallel_loop3A_1711 = arith.constant 16 : i32
        %parallel_loop3A_1712 = arith.muli %parallel_loop3A_1631, %parallel_loop3A_1711 : i32
        %parallel_loop3A_1713 = arith.index_cast %parallel_loop3A_1712 : i32 to index
        %parallel_loop3A_1714 = tpu.vector_load %arg16[%parallel_loop3A_1713] {strides = array<i32>} : memref<2048xf32, #tpu.memory_space<vmem>>, vector<16xf32>,
        tpu.vector_store %arg16[%parallel_loop3A_1713], %parallel_loop3A_1710 {strides = array<i32>} : memref<2048xf32, #tpu.memory_space<vmem>>, vector<16xf32>,
      } {sc.loop_unroll_factor = 4 : i64, sc.parallel_access}
      %parallel_loop3A_1599 = arith.constant 0 : i32
      %parallel_loop3A_1600 = arith.constant 8 : i32
      %parallel_loop3A_1601 = arith.constant 1 : i32
      scf.for %parallel_loop3A_1631 = %parallel_loop3A_1599 to %parallel_loop3A_1600 step %parallel_loop3A_1601  : i32 {
        %parallel_loop3A_1632 = arith.constant 128 : i32
        %parallel_loop3A_1633 = arith.muli %add3A_1576, %parallel_loop3A_1632 : i32
        %parallel_loop3A_1634 = arith.constant 16 : i32
        %parallel_loop3A_1635 = arith.muli %parallel_loop3A_1631, %parallel_loop3A_1634 : i32
        %parallel_loop3A_1636 = arith.addi %parallel_loop3A_1633, %parallel_loop3A_1635 : i32
        %parallel_loop3A_1637 = arith.constant 256 : i32
        %parallel_loop3A_1638 = arith.muli %parallel_loop3A_1631, %parallel_loop3A_1637 : i32
        %parallel_loop3A_1639 = vector.broadcast %parallel_loop3A_1638 : i32 to vector<16xi32>
        %parallel_loop3A_1640 = arith.addi %mul3A_5, %parallel_loop3A_1639 : vector<16xi32>
        %parallel_loop3A_1641 = tpu.vector_load_idx %arg16[%parallel_loop3A_1640] : memref<2048xf32, #tpu.memory_space<vmem>>[vector<16xi32>], vector<16xf32>,
        %parallel_loop3A_1642 = arith.constant 1 : i32
        %parallel_loop3A_1643 = vector.broadcast %parallel_loop3A_1642 : i32 to vector<16xi32>
        %parallel_loop3A_1644 = arith.addi %parallel_loop3A_1640, %parallel_loop3A_1643 : vector<16xi32>
        %parallel_loop3A_1645 = tpu.vector_load_idx %arg16[%parallel_loop3A_1644] : memref<2048xf32, #tpu.memory_space<vmem>>[vector<16xi32>], vector<16xf32>,
        %parallel_loop3A_1646 = arith.addf %parallel_loop3A_1641, %parallel_loop3A_1645 : vector<16xf32>
        %parallel_loop3A_1647 = arith.constant 2 : i32
        %parallel_loop3A_1648 = vector.broadcast %parallel_loop3A_1647 : i32 to vector<16xi32>
        %parallel_loop3A_1649 = arith.addi %parallel_loop3A_1640, %parallel_loop3A_1648 : vector<16xi32>
        %parallel_loop3A_1650 = tpu.vector_load_idx %arg16[%parallel_loop3A_1649] : memref<2048xf32, #tpu.memory_space<vmem>>[vector<16xi32>], vector<16xf32>,
        %parallel_loop3A_1651 = arith.addf %parallel_loop3A_1646, %parallel_loop3A_1650 : vector<16xf32>
        %parallel_loop3A_1652 = arith.constant 3 : i32
        %parallel_loop3A_1653 = vector.broadcast %parallel_loop3A_1652 : i32 to vector<16xi32>
        %parallel_loop3A_1654 = arith.addi %parallel_loop3A_1640, %parallel_loop3A_1653 : vector<16xi32>
        %parallel_loop3A_1655 = tpu.vector_load_idx %arg16[%parallel_loop3A_1654] : memref<2048xf32, #tpu.memory_space<vmem>>[vector<16xi32>], vector<16xf32>,
        %parallel_loop3A_1656 = arith.addf %parallel_loop3A_1651, %parallel_loop3A_1655 : vector<16xf32>
        %parallel_loop3A_1657 = arith.constant 4 : i32
        %parallel_loop3A_1658 = vector.broadcast %parallel_loop3A_1657 : i32 to vector<16xi32>
        %parallel_loop3A_1659 = arith.addi %parallel_loop3A_1640, %parallel_loop3A_1658 : vector<16xi32>
        %parallel_loop3A_1660 = tpu.vector_load_idx %arg16[%parallel_loop3A_1659] : memref<2048xf32, #tpu.memory_space<vmem>>[vector<16xi32>], vector<16xf32>,
        %parallel_loop3A_1661 = arith.addf %parallel_loop3A_1656, %parallel_loop3A_1660 : vector<16xf32>
        %parallel_loop3A_1662 = arith.constant 5 : i32
        %parallel_loop3A_1663 = vector.broadcast %parallel_loop3A_1662 : i32 to vector<16xi32>
        %parallel_loop3A_1664 = arith.addi %parallel_loop3A_1640, %parallel_loop3A_1663 : vector<16xi32>
        %parallel_loop3A_1665 = tpu.vector_load_idx %arg16[%parallel_loop3A_1664] : memref<2048xf32, #tpu.memory_space<vmem>>[vector<16xi32>], vector<16xf32>,
        %parallel_loop3A_1666 = arith.addf %parallel_loop3A_1661, %parallel_loop3A_1665 : vector<16xf32>
        %parallel_loop3A_1667 = arith.constant 6 : i32
        %parallel_loop3A_1668 = vector.broadcast %parallel_loop3A_1667 : i32 to vector<16xi32>
        %parallel_loop3A_1669 = arith.addi %parallel_loop3A_1640, %parallel_loop3A_1668 : vector<16xi32>
        %parallel_loop3A_1670 = tpu.vector_load_idx %arg16[%parallel_loop3A_1669] : memref<2048xf32, #tpu.memory_space<vmem>>[vector<16xi32>], vector<16xf32>,
        %parallel_loop3A_1671 = arith.addf %parallel_loop3A_1666, %parallel_loop3A_1670 : vector<16xf32>
        %parallel_loop3A_1672 = arith.constant 7 : i32
        %parallel_loop3A_1673 = vector.broadcast %parallel_loop3A_1672 : i32 to vector<16xi32>
        %parallel_loop3A_1674 = arith.addi %parallel_loop3A_1640, %parallel_loop3A_1673 : vector<16xi32>
        %parallel_loop3A_1675 = tpu.vector_load_idx %arg16[%parallel_loop3A_1674] : memref<2048xf32, #tpu.memory_space<vmem>>[vector<16xi32>], vector<16xf32>,
        %parallel_loop3A_1676 = arith.addf %parallel_loop3A_1671, %parallel_loop3A_1675 : vector<16xf32>
        %parallel_loop3A_1677 = arith.constant 8 : i32
        %parallel_loop3A_1678 = vector.broadcast %parallel_loop3A_1677 : i32 to vector<16xi32>
        %parallel_loop3A_1679 = arith.addi %parallel_loop3A_1640, %parallel_loop3A_1678 : vector<16xi32>
        %parallel_loop3A_1680 = tpu.vector_load_idx %arg16[%parallel_loop3A_1679] : memref<2048xf32, #tpu.memory_space<vmem>>[vector<16xi32>], vector<16xf32>,
        %parallel_loop3A_1681 = arith.addf %parallel_loop3A_1676, %parallel_loop3A_1680 : vector<16xf32>
        %parallel_loop3A_1682 = arith.constant 9 : i32
        %parallel_loop3A_1683 = vector.broadcast %parallel_loop3A_1682 : i32 to vector<16xi32>
        %parallel_loop3A_1684 = arith.addi %parallel_loop3A_1640, %parallel_loop3A_1683 : vector<16xi32>
        %parallel_loop3A_1685 = tpu.vector_load_idx %arg16[%parallel_loop3A_1684] : memref<2048xf32, #tpu.memory_space<vmem>>[vector<16xi32>], vector<16xf32>,
        %parallel_loop3A_1686 = arith.addf %parallel_loop3A_1681, %parallel_loop3A_1685 : vector<16xf32>
        %parallel_loop3A_1687 = arith.constant 10 : i32
        %parallel_loop3A_1688 = vector.broadcast %parallel_loop3A_1687 : i32 to vector<16xi32>
        %parallel_loop3A_1689 = arith.addi %parallel_loop3A_1640, %parallel_loop3A_1688 : vector<16xi32>
        %parallel_loop3A_1690 = tpu.vector_load_idx %arg16[%parallel_loop3A_1689] : memref<2048xf32, #tpu.memory_space<vmem>>[vector<16xi32>], vector<16xf32>,
        %parallel_loop3A_1691 = arith.addf %parallel_loop3A_1686, %parallel_loop3A_1690 : vector<16xf32>
        %parallel_loop3A_1692 = arith.constant 11 : i32
        %parallel_loop3A_1693 = vector.broadcast %parallel_loop3A_1692 : i32 to vector<16xi32>
        %parallel_loop3A_1694 = arith.addi %parallel_loop3A_1640, %parallel_loop3A_1693 : vector<16xi32>
        %parallel_loop3A_1695 = tpu.vector_load_idx %arg16[%parallel_loop3A_1694] : memref<2048xf32, #tpu.memory_space<vmem>>[vector<16xi32>], vector<16xf32>,
        %parallel_loop3A_1696 = arith.addf %parallel_loop3A_1691, %parallel_loop3A_1695 : vector<16xf32>
        %parallel_loop3A_1697 = arith.constant 12 : i32
        %parallel_loop3A_1698 = vector.broadcast %parallel_loop3A_1697 : i32 to vector<16xi32>
        %parallel_loop3A_1699 = arith.addi %parallel_loop3A_1640, %parallel_loop3A_1698 : vector<16xi32>
        %parallel_loop3A_1700 = tpu.vector_load_idx %arg16[%parallel_loop3A_1699] : memref<2048xf32, #tpu.memory_space<vmem>>[vector<16xi32>], vector<16xf32>,
        %parallel_loop3A_1701 = arith.addf %parallel_loop3A_1696, %parallel_loop3A_1700 : vector<16xf32>
        %parallel_loop3A_1702 = arith.constant 13 : i32
        %parallel_loop3A_1703 = vector.broadcast %parallel_loop3A_1702 : i32 to vector<16xi32>
        %parallel_loop3A_1704 = arith.addi %parallel_loop3A_1640, %parallel_loop3A_1703 : vector<16xi32>
        %parallel_loop3A_1705 = tpu.vector_load_idx %arg16[%parallel_loop3A_1704] : memref<2048xf32, #tpu.memory_space<vmem>>[vector<16xi32>], vector<16xf32>,
        %parallel_loop3A_1706 = arith.addf %parallel_loop3A_1701, %parallel_loop3A_1705 : vector<16xf32>
        %parallel_loop3A_1707 = arith.constant 14 : i32
        %parallel_loop3A_1708 = vector.broadcast %parallel_loop3A_1707 : i32 to vector<16xi32>
        %parallel_loop3A_1709 = arith.addi %parallel_loop3A_1640, %parallel_loop3A_1708 : vector<16xi32>
        %parallel_loop3A_1710 = tpu.vector_load_idx %arg16[%parallel_loop3A_1709] : memref<2048xf32, #tpu.memory_space<vmem>>[vector<16xi32>], vector<16xf32>,
        %parallel_loop3A_1711 = arith.addf %parallel_loop3A_1706, %parallel_loop3A_1710 : vector<16xf32>
        %parallel_loop3A_1712 = arith.constant 15 : i32
        %parallel_loop3A_1713 = vector.broadcast %parallel_loop3A_1712 : i32 to vector<16xi32>
        %parallel_loop3A_1714 = arith.addi %parallel_loop3A_1640, %parallel_loop3A_1713 : vector<16xi32>
        %parallel_loop3A_1715 = tpu.vector_load_idx %arg16[%parallel_loop3A_1714] : memref<2048xf32, #tpu.memory_space<vmem>>[vector<16xi32>], vector<16xf32>,
        %parallel_loop3A_1716 = arith.addf %parallel_loop3A_1711, %parallel_loop3A_1715 : vector<16xf32>
        %parallel_loop3A_1717 = arith.index_cast %parallel_loop3A_1636 : i32 to index
        %parallel_loop3A_1718 = tpu.vector_load %arg17[%parallel_loop3A_1717] {strides = array<i32>} : memref<10000xf32, #tpu.memory_space<vmem>>, vector<16xf32>,
        tpu.vector_store %arg17[%parallel_loop3A_1717], %parallel_loop3A_1716 {strides = array<i32>} : memref<10000xf32, #tpu.memory_space<vmem>>, vector<16xf32>,
      } {sc.loop_unroll_factor = 2 : i64, sc.parallel_access}
      %mul3A_1602 = arith.constant 3 : i32
      %mul3A_1603 = arith.muli %mul3A_1602, %scan3A_1548 : i32
      %add3A_1604 = arith.constant 2 : i32
      %add3A_1605 = arith.addi %mul3A_1603, %add3A_1604 : i32
      %add3A_1606 = arith.constant 3 : i32
      %add3A_1607 = arith.addi %add3A_1605, %add3A_1606 : i32
      %sub3A_1608 = arith.constant 1 : i32
      %sub3A_1609 = arith.subi %add3A_1607, %sub3A_1608 : i32
      %lt3A_1610 = arith.constant 78 : i32
      %lt3A_1611 = arith.cmpi slt, %sub3A_1609, %lt3A_1610 : i32
      %convert_element_type3A_1612 = arith.extui %lt3A_1611 : i1 to i32
      %cond3A_1613 = arith.constant 0 : i32
      %cond3A_1614 = arith.cmpi ne, %convert_element_type3A_1612, %cond3A_1613 : i32
      scf.if %cond3A_1614 {
        %mul3A_1631 = arith.constant 128 : i32
        %mul3A_1632 = arith.muli %sub3A_1609, %mul3A_1631 : i32
        %multiple_of3A_1633 = tpu.assume_multiple %mul3A_1632, 8 : i32
        %dma_start3A_1634 = tpu.memref_slice %arg6[%multiple_of3A_1633] : memref<10000xi32, #tpu.memory_space<vmem>> -> memref<128xi32, #tpu.memory_space<vmem>>
        %dma_start3A_1635 = arith.constant 0 : i32
        %dma_start3A_1636 = arith.constant 0 : i32
        %dma_start3A_1637 = tpu.memref_slice %arg2[%dma_start3A_1635, %dma_start3A_1636] : memref<10000x64xf32, #tpu.memory_space<hbm>> -> memref<10000x64xf32, #tpu.memory_space<hbm>>
        tpu.enqueue_indirect_dma source(%dma_start3A_1637 : memref<10000x64xf32, #tpu.memory_space<hbm>>) target(%arg10 : memref<128x64xf32, #tpu.memory_space<vmem>>) offsets(%dma_start3A_1634 : memref<128xi32, #tpu.memory_space<vmem>>) semaphore(%arg19 : memref<!tpu.dma_semaphore, #tpu.memory_space<semaphore_mem>>)
        %dma_start3A_1638 = tpu.memref_slice %arg7[%multiple_of3A_1633] : memref<10000xi32, #tpu.memory_space<vmem>> -> memref<128xi32, #tpu.memory_space<vmem>>
        %dma_start3A_1639 = arith.constant 0 : i32
        %dma_start3A_1640 = arith.constant 0 : i32
        %dma_start3A_1641 = tpu.memref_slice %arg2[%dma_start3A_1639, %dma_start3A_1640] : memref<10000x64xf32, #tpu.memory_space<hbm>> -> memref<10000x64xf32, #tpu.memory_space<hbm>>
        tpu.enqueue_indirect_dma source(%dma_start3A_1641 : memref<10000x64xf32, #tpu.memory_space<hbm>>) target(%arg11 : memref<128x64xf32, #tpu.memory_space<vmem>>) offsets(%dma_start3A_1638 : memref<128xi32, #tpu.memory_space<vmem>>) semaphore(%arg19 : memref<!tpu.dma_semaphore, #tpu.memory_space<semaphore_mem>>)
      } else {
      }
      %dma_wait3A_1615 = arith.constant 0 : i32
      %dma_wait3A_1616 = tpu.memref_slice %arg6[%dma_wait3A_1615] : memref<10000xi32, #tpu.memory_space<vmem>> -> memref<128xi32, #tpu.memory_space<vmem>>
      %dma_wait3A_1617 = arith.constant 0 : i32
      %dma_wait3A_1618 = arith.constant 0 : i32
      %dma_wait3A_1619 = tpu.memref_slice %arg2[%dma_wait3A_1617, %dma_wait3A_1618] : memref<10000x64xf32, #tpu.memory_space<hbm>> -> memref<10000x64xf32, #tpu.memory_space<hbm>>
      tpu.wait_indirect_dma semaphore(%arg20 : memref<!tpu.dma_semaphore, #tpu.memory_space<semaphore_mem>>) src(%dma_wait3A_1619 : memref<10000x64xf32, #tpu.memory_space<hbm>>) dst(%arg12 : memref<128x64xf32, #tpu.memory_space<vmem>>)
      %dma_wait3A_1620 = arith.constant 0 : i32
      %dma_wait3A_1621 = tpu.memref_slice %arg7[%dma_wait3A_1620] : memref<10000xi32, #tpu.memory_space<vmem>> -> memref<128xi32, #tpu.memory_space<vmem>>
      %dma_wait3A_1622 = arith.constant 0 : i32
      %dma_wait3A_1623 = arith.constant 0 : i32
      %dma_wait3A_1624 = tpu.memref_slice %arg2[%dma_wait3A_1622, %dma_wait3A_1623] : memref<10000x64xf32, #tpu.memory_space<hbm>> -> memref<10000x64xf32, #tpu.memory_space<hbm>>
      tpu.wait_indirect_dma semaphore(%arg20 : memref<!tpu.dma_semaphore, #tpu.memory_space<semaphore_mem>>) src(%dma_wait3A_1624 : memref<10000x64xf32, #tpu.memory_space<hbm>>) dst(%arg13 : memref<128x64xf32, #tpu.memory_space<vmem>>)
      %parallel_loop3A_1625 = arith.constant 0 : i32
      %parallel_loop3A_1626 = arith.constant 128 : i32
      %parallel_loop3A_1627 = arith.constant 1 : i32
      scf.for %parallel_loop3A_1631 = %parallel_loop3A_1625 to %parallel_loop3A_1626 step %parallel_loop3A_1627  : i32 {
        %parallel_loop3A_1632 = arith.index_cast %parallel_loop3A_1631 : i32 to index
        %parallel_loop3A_1633 = arith.constant 0 : index
        %parallel_loop3A_1634 = tpu.vector_load %arg12[%parallel_loop3A_1632, %parallel_loop3A_1633] {strides = array<i32>} : memref<128x64xf32, #tpu.memory_space<vmem>>, vector<16xf32>,
        %parallel_loop3A_1635 = arith.index_cast %parallel_loop3A_1631 : i32 to index
        %parallel_loop3A_1636 = arith.constant 0 : index
        %parallel_loop3A_1637 = tpu.vector_load %arg13[%parallel_loop3A_1635, %parallel_loop3A_1636] {strides = array<i32>} : memref<128x64xf32, #tpu.memory_space<vmem>>, vector<16xf32>,
        %parallel_loop3A_1638 = vector.bitcast %parallel_loop3A_1634 : vector<16xf32> to vector<32xbf16>
        %parallel_loop3A_1639 = vector.bitcast %parallel_loop3A_1637 : vector<16xf32> to vector<32xbf16>
        %parallel_loop3A_1640 = arith.mulf %parallel_loop3A_1638, %parallel_loop3A_1639 : vector<32xbf16>
        %parallel_loop3A_1641 = vector.bitcast %parallel_loop3A_1640 : vector<32xbf16> to vector<16xi32>
        %parallel_loop3A_1642 = arith.constant 16 : i32
        %parallel_loop3A_1643 = vector.broadcast %parallel_loop3A_1642 : i32 to vector<16xi32>
        %parallel_loop3A_1644 = arith.shli %parallel_loop3A_1641, %parallel_loop3A_1643 : vector<16xi32>
        %parallel_loop3A_1645 = vector.bitcast %parallel_loop3A_1644 : vector<16xi32> to vector<16xf32>
        %parallel_loop3A_1646 = arith.constant -65536 : i32
        %parallel_loop3A_1647 = vector.broadcast %parallel_loop3A_1646 : i32 to vector<16xi32>
        %parallel_loop3A_1648 = arith.andi %parallel_loop3A_1641, %parallel_loop3A_1647 : vector<16xi32>
        %parallel_loop3A_1649 = vector.bitcast %parallel_loop3A_1648 : vector<16xi32> to vector<16xf32>
        %parallel_loop3A_1650 = arith.addf %parallel_loop3A_1645, %parallel_loop3A_1649 : vector<16xf32>
        %parallel_loop3A_1651 = arith.index_cast %parallel_loop3A_1631 : i32 to index
        %parallel_loop3A_1652 = arith.constant 16 : index
        %parallel_loop3A_1653 = tpu.vector_load %arg12[%parallel_loop3A_1651, %parallel_loop3A_1652] {strides = array<i32>} : memref<128x64xf32, #tpu.memory_space<vmem>>, vector<16xf32>,
        %parallel_loop3A_1654 = arith.index_cast %parallel_loop3A_1631 : i32 to index
        %parallel_loop3A_1655 = arith.constant 16 : index
        %parallel_loop3A_1656 = tpu.vector_load %arg13[%parallel_loop3A_1654, %parallel_loop3A_1655] {strides = array<i32>} : memref<128x64xf32, #tpu.memory_space<vmem>>, vector<16xf32>,
        %parallel_loop3A_1657 = vector.bitcast %parallel_loop3A_1653 : vector<16xf32> to vector<32xbf16>
        %parallel_loop3A_1658 = vector.bitcast %parallel_loop3A_1656 : vector<16xf32> to vector<32xbf16>
        %parallel_loop3A_1659 = arith.mulf %parallel_loop3A_1657, %parallel_loop3A_1658 : vector<32xbf16>
        %parallel_loop3A_1660 = vector.bitcast %parallel_loop3A_1659 : vector<32xbf16> to vector<16xi32>
        %parallel_loop3A_1661 = arith.constant 16 : i32
        %parallel_loop3A_1662 = vector.broadcast %parallel_loop3A_1661 : i32 to vector<16xi32>
        %parallel_loop3A_1663 = arith.shli %parallel_loop3A_1660, %parallel_loop3A_1662 : vector<16xi32>
        %parallel_loop3A_1664 = vector.bitcast %parallel_loop3A_1663 : vector<16xi32> to vector<16xf32>
        %parallel_loop3A_1665 = arith.constant -65536 : i32
        %parallel_loop3A_1666 = vector.broadcast %parallel_loop3A_1665 : i32 to vector<16xi32>
        %parallel_loop3A_1667 = arith.andi %parallel_loop3A_1660, %parallel_loop3A_1666 : vector<16xi32>
        %parallel_loop3A_1668 = vector.bitcast %parallel_loop3A_1667 : vector<16xi32> to vector<16xf32>
        %parallel_loop3A_1669 = arith.addf %parallel_loop3A_1664, %parallel_loop3A_1668 : vector<16xf32>
        %parallel_loop3A_1670 = arith.addf %parallel_loop3A_1650, %parallel_loop3A_1669 : vector<16xf32>
        %parallel_loop3A_1671 = arith.index_cast %parallel_loop3A_1631 : i32 to index
        %parallel_loop3A_1672 = arith.constant 32 : index
        %parallel_loop3A_1673 = tpu.vector_load %arg12[%parallel_loop3A_1671, %parallel_loop3A_1672] {strides = array<i32>} : memref<128x64xf32, #tpu.memory_space<vmem>>, vector<16xf32>,
        %parallel_loop3A_1674 = arith.index_cast %parallel_loop3A_1631 : i32 to index
        %parallel_loop3A_1675 = arith.constant 32 : index
        %parallel_loop3A_1676 = tpu.vector_load %arg13[%parallel_loop3A_1674, %parallel_loop3A_1675] {strides = array<i32>} : memref<128x64xf32, #tpu.memory_space<vmem>>, vector<16xf32>,
        %parallel_loop3A_1677 = vector.bitcast %parallel_loop3A_1673 : vector<16xf32> to vector<32xbf16>
        %parallel_loop3A_1678 = vector.bitcast %parallel_loop3A_1676 : vector<16xf32> to vector<32xbf16>
        %parallel_loop3A_1679 = arith.mulf %parallel_loop3A_1677, %parallel_loop3A_1678 : vector<32xbf16>
        %parallel_loop3A_1680 = vector.bitcast %parallel_loop3A_1679 : vector<32xbf16> to vector<16xi32>
        %parallel_loop3A_1681 = arith.constant 16 : i32
        %parallel_loop3A_1682 = vector.broadcast %parallel_loop3A_1681 : i32 to vector<16xi32>
        %parallel_loop3A_1683 = arith.shli %parallel_loop3A_1680, %parallel_loop3A_1682 : vector<16xi32>
        %parallel_loop3A_1684 = vector.bitcast %parallel_loop3A_1683 : vector<16xi32> to vector<16xf32>
        %parallel_loop3A_1685 = arith.constant -65536 : i32
        %parallel_loop3A_1686 = vector.broadcast %parallel_loop3A_1685 : i32 to vector<16xi32>
        %parallel_loop3A_1687 = arith.andi %parallel_loop3A_1680, %parallel_loop3A_1686 : vector<16xi32>
        %parallel_loop3A_1688 = vector.bitcast %parallel_loop3A_1687 : vector<16xi32> to vector<16xf32>
        %parallel_loop3A_1689 = arith.addf %parallel_loop3A_1684, %parallel_loop3A_1688 : vector<16xf32>
        %parallel_loop3A_1690 = arith.addf %parallel_loop3A_1670, %parallel_loop3A_1689 : vector<16xf32>
        %parallel_loop3A_1691 = arith.index_cast %parallel_loop3A_1631 : i32 to index
        %parallel_loop3A_1692 = arith.constant 48 : index
        %parallel_loop3A_1693 = tpu.vector_load %arg12[%parallel_loop3A_1691, %parallel_loop3A_1692] {strides = array<i32>} : memref<128x64xf32, #tpu.memory_space<vmem>>, vector<16xf32>,
        %parallel_loop3A_1694 = arith.index_cast %parallel_loop3A_1631 : i32 to index
        %parallel_loop3A_1695 = arith.constant 48 : index
        %parallel_loop3A_1696 = tpu.vector_load %arg13[%parallel_loop3A_1694, %parallel_loop3A_1695] {strides = array<i32>} : memref<128x64xf32, #tpu.memory_space<vmem>>, vector<16xf32>,
        %parallel_loop3A_1697 = vector.bitcast %parallel_loop3A_1693 : vector<16xf32> to vector<32xbf16>
        %parallel_loop3A_1698 = vector.bitcast %parallel_loop3A_1696 : vector<16xf32> to vector<32xbf16>
        %parallel_loop3A_1699 = arith.mulf %parallel_loop3A_1697, %parallel_loop3A_1698 : vector<32xbf16>
        %parallel_loop3A_1700 = vector.bitcast %parallel_loop3A_1699 : vector<32xbf16> to vector<16xi32>
        %parallel_loop3A_1701 = arith.constant 16 : i32
        %parallel_loop3A_1702 = vector.broadcast %parallel_loop3A_1701 : i32 to vector<16xi32>
        %parallel_loop3A_1703 = arith.shli %parallel_loop3A_1700, %parallel_loop3A_1702 : vector<16xi32>
        %parallel_loop3A_1704 = vector.bitcast %parallel_loop3A_1703 : vector<16xi32> to vector<16xf32>
        %parallel_loop3A_1705 = arith.constant -65536 : i32
        %parallel_loop3A_1706 = vector.broadcast %parallel_loop3A_1705 : i32 to vector<16xi32>
        %parallel_loop3A_1707 = arith.andi %parallel_loop3A_1700, %parallel_loop3A_1706 : vector<16xi32>
        %parallel_loop3A_1708 = vector.bitcast %parallel_loop3A_1707 : vector<16xi32> to vector<16xf32>
        %parallel_loop3A_1709 = arith.addf %parallel_loop3A_1704, %parallel_loop3A_1708 : vector<16xf32>
        %parallel_loop3A_1710 = arith.addf %parallel_loop3A_1690, %parallel_loop3A_1709 : vector<16xf32>
        %parallel_loop3A_1711 = arith.constant 16 : i32
        %parallel_loop3A_1712 = arith.muli %parallel_loop3A_1631, %parallel_loop3A_1711 : i32
        %parallel_loop3A_1713 = arith.index_cast %parallel_loop3A_1712 : i32 to index
        %parallel_loop3A_1714 = tpu.vector_load %arg16[%parallel_loop3A_1713] {strides = array<i32>} : memref<2048xf32, #tpu.memory_space<vmem>>, vector<16xf32>,
        tpu.vector_store %arg16[%parallel_loop3A_1713], %parallel_loop3A_1710 {strides = array<i32>} : memref<2048xf32, #tpu.memory_space<vmem>>, vector<16xf32>,
      } {sc.loop_unroll_factor = 4 : i64, sc.parallel_access}
      %parallel_loop3A_1628 = arith.constant 0 : i32
      %parallel_loop3A_1629 = arith.constant 8 : i32
      %parallel_loop3A_1630 = arith.constant 1 : i32
      scf.for %parallel_loop3A_1631 = %parallel_loop3A_1628 to %parallel_loop3A_1629 step %parallel_loop3A_1630  : i32 {
        %parallel_loop3A_1632 = arith.constant 128 : i32
        %parallel_loop3A_1633 = arith.muli %add3A_1605, %parallel_loop3A_1632 : i32
        %parallel_loop3A_1634 = arith.constant 16 : i32
        %parallel_loop3A_1635 = arith.muli %parallel_loop3A_1631, %parallel_loop3A_1634 : i32
        %parallel_loop3A_1636 = arith.addi %parallel_loop3A_1633, %parallel_loop3A_1635 : i32
        %parallel_loop3A_1637 = arith.constant 256 : i32
        %parallel_loop3A_1638 = arith.muli %parallel_loop3A_1631, %parallel_loop3A_1637 : i32
        %parallel_loop3A_1639 = vector.broadcast %parallel_loop3A_1638 : i32 to vector<16xi32>
        %parallel_loop3A_1640 = arith.addi %mul3A_5, %parallel_loop3A_1639 : vector<16xi32>
        %parallel_loop3A_1641 = tpu.vector_load_idx %arg16[%parallel_loop3A_1640] : memref<2048xf32, #tpu.memory_space<vmem>>[vector<16xi32>], vector<16xf32>,
        %parallel_loop3A_1642 = arith.constant 1 : i32
        %parallel_loop3A_1643 = vector.broadcast %parallel_loop3A_1642 : i32 to vector<16xi32>
        %parallel_loop3A_1644 = arith.addi %parallel_loop3A_1640, %parallel_loop3A_1643 : vector<16xi32>
        %parallel_loop3A_1645 = tpu.vector_load_idx %arg16[%parallel_loop3A_1644] : memref<2048xf32, #tpu.memory_space<vmem>>[vector<16xi32>], vector<16xf32>,
        %parallel_loop3A_1646 = arith.addf %parallel_loop3A_1641, %parallel_loop3A_1645 : vector<16xf32>
        %parallel_loop3A_1647 = arith.constant 2 : i32
        %parallel_loop3A_1648 = vector.broadcast %parallel_loop3A_1647 : i32 to vector<16xi32>
        %parallel_loop3A_1649 = arith.addi %parallel_loop3A_1640, %parallel_loop3A_1648 : vector<16xi32>
        %parallel_loop3A_1650 = tpu.vector_load_idx %arg16[%parallel_loop3A_1649] : memref<2048xf32, #tpu.memory_space<vmem>>[vector<16xi32>], vector<16xf32>,
        %parallel_loop3A_1651 = arith.addf %parallel_loop3A_1646, %parallel_loop3A_1650 : vector<16xf32>
        %parallel_loop3A_1652 = arith.constant 3 : i32
        %parallel_loop3A_1653 = vector.broadcast %parallel_loop3A_1652 : i32 to vector<16xi32>
        %parallel_loop3A_1654 = arith.addi %parallel_loop3A_1640, %parallel_loop3A_1653 : vector<16xi32>
        %parallel_loop3A_1655 = tpu.vector_load_idx %arg16[%parallel_loop3A_1654] : memref<2048xf32, #tpu.memory_space<vmem>>[vector<16xi32>], vector<16xf32>,
        %parallel_loop3A_1656 = arith.addf %parallel_loop3A_1651, %parallel_loop3A_1655 : vector<16xf32>
        %parallel_loop3A_1657 = arith.constant 4 : i32
        %parallel_loop3A_1658 = vector.broadcast %parallel_loop3A_1657 : i32 to vector<16xi32>
        %parallel_loop3A_1659 = arith.addi %parallel_loop3A_1640, %parallel_loop3A_1658 : vector<16xi32>
        %parallel_loop3A_1660 = tpu.vector_load_idx %arg16[%parallel_loop3A_1659] : memref<2048xf32, #tpu.memory_space<vmem>>[vector<16xi32>], vector<16xf32>,
        %parallel_loop3A_1661 = arith.addf %parallel_loop3A_1656, %parallel_loop3A_1660 : vector<16xf32>
        %parallel_loop3A_1662 = arith.constant 5 : i32
        %parallel_loop3A_1663 = vector.broadcast %parallel_loop3A_1662 : i32 to vector<16xi32>
        %parallel_loop3A_1664 = arith.addi %parallel_loop3A_1640, %parallel_loop3A_1663 : vector<16xi32>
        %parallel_loop3A_1665 = tpu.vector_load_idx %arg16[%parallel_loop3A_1664] : memref<2048xf32, #tpu.memory_space<vmem>>[vector<16xi32>], vector<16xf32>,
        %parallel_loop3A_1666 = arith.addf %parallel_loop3A_1661, %parallel_loop3A_1665 : vector<16xf32>
        %parallel_loop3A_1667 = arith.constant 6 : i32
        %parallel_loop3A_1668 = vector.broadcast %parallel_loop3A_1667 : i32 to vector<16xi32>
        %parallel_loop3A_1669 = arith.addi %parallel_loop3A_1640, %parallel_loop3A_1668 : vector<16xi32>
        %parallel_loop3A_1670 = tpu.vector_load_idx %arg16[%parallel_loop3A_1669] : memref<2048xf32, #tpu.memory_space<vmem>>[vector<16xi32>], vector<16xf32>,
        %parallel_loop3A_1671 = arith.addf %parallel_loop3A_1666, %parallel_loop3A_1670 : vector<16xf32>
        %parallel_loop3A_1672 = arith.constant 7 : i32
        %parallel_loop3A_1673 = vector.broadcast %parallel_loop3A_1672 : i32 to vector<16xi32>
        %parallel_loop3A_1674 = arith.addi %parallel_loop3A_1640, %parallel_loop3A_1673 : vector<16xi32>
        %parallel_loop3A_1675 = tpu.vector_load_idx %arg16[%parallel_loop3A_1674] : memref<2048xf32, #tpu.memory_space<vmem>>[vector<16xi32>], vector<16xf32>,
        %parallel_loop3A_1676 = arith.addf %parallel_loop3A_1671, %parallel_loop3A_1675 : vector<16xf32>
        %parallel_loop3A_1677 = arith.constant 8 : i32
        %parallel_loop3A_1678 = vector.broadcast %parallel_loop3A_1677 : i32 to vector<16xi32>
        %parallel_loop3A_1679 = arith.addi %parallel_loop3A_1640, %parallel_loop3A_1678 : vector<16xi32>
        %parallel_loop3A_1680 = tpu.vector_load_idx %arg16[%parallel_loop3A_1679] : memref<2048xf32, #tpu.memory_space<vmem>>[vector<16xi32>], vector<16xf32>,
        %parallel_loop3A_1681 = arith.addf %parallel_loop3A_1676, %parallel_loop3A_1680 : vector<16xf32>
        %parallel_loop3A_1682 = arith.constant 9 : i32
        %parallel_loop3A_1683 = vector.broadcast %parallel_loop3A_1682 : i32 to vector<16xi32>
        %parallel_loop3A_1684 = arith.addi %parallel_loop3A_1640, %parallel_loop3A_1683 : vector<16xi32>
        %parallel_loop3A_1685 = tpu.vector_load_idx %arg16[%parallel_loop3A_1684] : memref<2048xf32, #tpu.memory_space<vmem>>[vector<16xi32>], vector<16xf32>,
        %parallel_loop3A_1686 = arith.addf %parallel_loop3A_1681, %parallel_loop3A_1685 : vector<16xf32>
        %parallel_loop3A_1687 = arith.constant 10 : i32
        %parallel_loop3A_1688 = vector.broadcast %parallel_loop3A_1687 : i32 to vector<16xi32>
        %parallel_loop3A_1689 = arith.addi %parallel_loop3A_1640, %parallel_loop3A_1688 : vector<16xi32>
        %parallel_loop3A_1690 = tpu.vector_load_idx %arg16[%parallel_loop3A_1689] : memref<2048xf32, #tpu.memory_space<vmem>>[vector<16xi32>], vector<16xf32>,
        %parallel_loop3A_1691 = arith.addf %parallel_loop3A_1686, %parallel_loop3A_1690 : vector<16xf32>
        %parallel_loop3A_1692 = arith.constant 11 : i32
        %parallel_loop3A_1693 = vector.broadcast %parallel_loop3A_1692 : i32 to vector<16xi32>
        %parallel_loop3A_1694 = arith.addi %parallel_loop3A_1640, %parallel_loop3A_1693 : vector<16xi32>
        %parallel_loop3A_1695 = tpu.vector_load_idx %arg16[%parallel_loop3A_1694] : memref<2048xf32, #tpu.memory_space<vmem>>[vector<16xi32>], vector<16xf32>,
        %parallel_loop3A_1696 = arith.addf %parallel_loop3A_1691, %parallel_loop3A_1695 : vector<16xf32>
        %parallel_loop3A_1697 = arith.constant 12 : i32
        %parallel_loop3A_1698 = vector.broadcast %parallel_loop3A_1697 : i32 to vector<16xi32>
        %parallel_loop3A_1699 = arith.addi %parallel_loop3A_1640, %parallel_loop3A_1698 : vector<16xi32>
        %parallel_loop3A_1700 = tpu.vector_load_idx %arg16[%parallel_loop3A_1699] : memref<2048xf32, #tpu.memory_space<vmem>>[vector<16xi32>], vector<16xf32>,
        %parallel_loop3A_1701 = arith.addf %parallel_loop3A_1696, %parallel_loop3A_1700 : vector<16xf32>
        %parallel_loop3A_1702 = arith.constant 13 : i32
        %parallel_loop3A_1703 = vector.broadcast %parallel_loop3A_1702 : i32 to vector<16xi32>
        %parallel_loop3A_1704 = arith.addi %parallel_loop3A_1640, %parallel_loop3A_1703 : vector<16xi32>
        %parallel_loop3A_1705 = tpu.vector_load_idx %arg16[%parallel_loop3A_1704] : memref<2048xf32, #tpu.memory_space<vmem>>[vector<16xi32>], vector<16xf32>,
        %parallel_loop3A_1706 = arith.addf %parallel_loop3A_1701, %parallel_loop3A_1705 : vector<16xf32>
        %parallel_loop3A_1707 = arith.constant 14 : i32
        %parallel_loop3A_1708 = vector.broadcast %parallel_loop3A_1707 : i32 to vector<16xi32>
        %parallel_loop3A_1709 = arith.addi %parallel_loop3A_1640, %parallel_loop3A_1708 : vector<16xi32>
        %parallel_loop3A_1710 = tpu.vector_load_idx %arg16[%parallel_loop3A_1709] : memref<2048xf32, #tpu.memory_space<vmem>>[vector<16xi32>], vector<16xf32>,
        %parallel_loop3A_1711 = arith.addf %parallel_loop3A_1706, %parallel_loop3A_1710 : vector<16xf32>
        %parallel_loop3A_1712 = arith.constant 15 : i32
        %parallel_loop3A_1713 = vector.broadcast %parallel_loop3A_1712 : i32 to vector<16xi32>
        %parallel_loop3A_1714 = arith.addi %parallel_loop3A_1640, %parallel_loop3A_1713 : vector<16xi32>
        %parallel_loop3A_1715 = tpu.vector_load_idx %arg16[%parallel_loop3A_1714] : memref<2048xf32, #tpu.memory_space<vmem>>[vector<16xi32>], vector<16xf32>,
        %parallel_loop3A_1716 = arith.addf %parallel_loop3A_1711, %parallel_loop3A_1715 : vector<16xf32>
        %parallel_loop3A_1717 = arith.index_cast %parallel_loop3A_1636 : i32 to index
        %parallel_loop3A_1718 = tpu.vector_load %arg17[%parallel_loop3A_1717] {strides = array<i32>} : memref<10000xf32, #tpu.memory_space<vmem>>, vector<16xf32>,
        tpu.vector_store %arg17[%parallel_loop3A_1717], %parallel_loop3A_1716 {strides = array<i32>} : memref<10000xf32, #tpu.memory_space<vmem>>, vector<16xf32>,
      } {sc.loop_unroll_factor = 2 : i64, sc.parallel_access}
    }
    %scan3A_39 = arith.constant 26 : i32
    %dma_wait3A = arith.constant 0 : i32
    %dma_wait3A_40 = tpu.memref_slice %arg6[%dma_wait3A] : memref<10000xi32, #tpu.memory_space<vmem>> -> memref<16xi32, #tpu.memory_space<vmem>>
    %dma_wait3A_41 = arith.constant 0 : i32
    %dma_wait3A_42 = arith.constant 0 : i32
    %dma_wait3A_43 = tpu.memref_slice %arg2[%dma_wait3A_41, %dma_wait3A_42] : memref<10000x64xf32, #tpu.memory_space<hbm>> -> memref<10000x64xf32, #tpu.memory_space<hbm>>
    tpu.wait_indirect_dma semaphore(%arg21 : memref<!tpu.dma_semaphore, #tpu.memory_space<semaphore_mem>>) src(%dma_wait3A_43 : memref<10000x64xf32, #tpu.memory_space<hbm>>) dst(%arg14 : memref<16x64xf32, #tpu.memory_space<vmem>>)
    %dma_wait3A_44 = arith.constant 0 : i32
    %dma_wait3A_45 = tpu.memref_slice %arg7[%dma_wait3A_44] : memref<10000xi32, #tpu.memory_space<vmem>> -> memref<16xi32, #tpu.memory_space<vmem>>
    %dma_wait3A_46 = arith.constant 0 : i32
    %dma_wait3A_47 = arith.constant 0 : i32
    %dma_wait3A_48 = tpu.memref_slice %arg2[%dma_wait3A_46, %dma_wait3A_47] : memref<10000x64xf32, #tpu.memory_space<hbm>> -> memref<10000x64xf32, #tpu.memory_space<hbm>>
    tpu.wait_indirect_dma semaphore(%arg21 : memref<!tpu.dma_semaphore, #tpu.memory_space<semaphore_mem>>) src(%dma_wait3A_48 : memref<10000x64xf32, #tpu.memory_space<hbm>>) dst(%arg15 : memref<16x64xf32, #tpu.memory_space<vmem>>)
    %get3A = arith.constant 0 : i32
    %get3A_49 = arith.index_cast %get3A : i32 to index
    %get3A_50 = arith.constant 0 : index
    %get3A_51 = tpu.vector_load %arg14[%get3A_49, %get3A_50] {strides = array<i32>} : memref<16x64xf32, #tpu.memory_space<vmem>>, vector<16xf32>,
    %get3A_52 = arith.constant 0 : i32
    %get3A_53 = arith.index_cast %get3A_52 : i32 to index
    %get3A_54 = arith.constant 0 : index
    %get3A_55 = tpu.vector_load %arg15[%get3A_53, %get3A_54] {strides = array<i32>} : memref<16x64xf32, #tpu.memory_space<vmem>>, vector<16xf32>,
    %bitcast3A = vector.bitcast %get3A_51 : vector<16xf32> to vector<32xbf16>
    %bitcast3A_56 = vector.bitcast %get3A_55 : vector<16xf32> to vector<32xbf16>
    %mul3A_57 = arith.mulf %bitcast3A, %bitcast3A_56 : vector<32xbf16>
    %bitcast3A_58 = vector.bitcast %mul3A_57 : vector<32xbf16> to vector<16xi32>
    %shift_left3A = arith.constant 16 : i32
    %shift_left3A_59 = vector.broadcast %shift_left3A : i32 to vector<16xi32>
    %shift_left3A_60 = arith.shli %bitcast3A_58, %shift_left3A_59 : vector<16xi32>
    %bitcast3A_61 = vector.bitcast %shift_left3A_60 : vector<16xi32> to vector<16xf32>
    %and3A = arith.constant -65536 : i32
    %and3A_62 = vector.broadcast %and3A : i32 to vector<16xi32>
    %and3A_63 = arith.andi %bitcast3A_58, %and3A_62 : vector<16xi32>
    %bitcast3A_64 = vector.bitcast %and3A_63 : vector<16xi32> to vector<16xf32>
    %add3A_65 = arith.addf %bitcast3A_61, %bitcast3A_64 : vector<16xf32>
    %get3A_66 = arith.constant 0 : i32
    %get3A_67 = arith.index_cast %get3A_66 : i32 to index
    %get3A_68 = arith.constant 16 : index
    %get3A_69 = tpu.vector_load %arg14[%get3A_67, %get3A_68] {strides = array<i32>} : memref<16x64xf32, #tpu.memory_space<vmem>>, vector<16xf32>,
    %get3A_70 = arith.constant 0 : i32
    %get3A_71 = arith.index_cast %get3A_70 : i32 to index
    %get3A_72 = arith.constant 16 : index
    %get3A_73 = tpu.vector_load %arg15[%get3A_71, %get3A_72] {strides = array<i32>} : memref<16x64xf32, #tpu.memory_space<vmem>>, vector<16xf32>,
    %bitcast3A_74 = vector.bitcast %get3A_69 : vector<16xf32> to vector<32xbf16>
    %bitcast3A_75 = vector.bitcast %get3A_73 : vector<16xf32> to vector<32xbf16>
    %mul3A_76 = arith.mulf %bitcast3A_74, %bitcast3A_75 : vector<32xbf16>
    %bitcast3A_77 = vector.bitcast %mul3A_76 : vector<32xbf16> to vector<16xi32>
    %shift_left3A_78 = arith.constant 16 : i32
    %shift_left3A_79 = vector.broadcast %shift_left3A_78 : i32 to vector<16xi32>
    %shift_left3A_80 = arith.shli %bitcast3A_77, %shift_left3A_79 : vector<16xi32>
    %bitcast3A_81 = vector.bitcast %shift_left3A_80 : vector<16xi32> to vector<16xf32>
    %and3A_82 = arith.constant -65536 : i32
    %and3A_83 = vector.broadcast %and3A_82 : i32 to vector<16xi32>
    %and3A_84 = arith.andi %bitcast3A_77, %and3A_83 : vector<16xi32>
    %bitcast3A_85 = vector.bitcast %and3A_84 : vector<16xi32> to vector<16xf32>
    %add3A_86 = arith.addf %bitcast3A_81, %bitcast3A_85 : vector<16xf32>
    %add3A_87 = arith.addf %add3A_65, %add3A_86 : vector<16xf32>
    %get3A_88 = arith.constant 0 : i32
    %get3A_89 = arith.index_cast %get3A_88 : i32 to index
    %get3A_90 = arith.constant 32 : index
    %get3A_91 = tpu.vector_load %arg14[%get3A_89, %get3A_90] {strides = array<i32>} : memref<16x64xf32, #tpu.memory_space<vmem>>, vector<16xf32>,
    %get3A_92 = arith.constant 0 : i32
    %get3A_93 = arith.index_cast %get3A_92 : i32 to index
    %get3A_94 = arith.constant 32 : index
    %get3A_95 = tpu.vector_load %arg15[%get3A_93, %get3A_94] {strides = array<i32>} : memref<16x64xf32, #tpu.memory_space<vmem>>, vector<16xf32>,
    %bitcast3A_96 = vector.bitcast %get3A_91 : vector<16xf32> to vector<32xbf16>
    %bitcast3A_97 = vector.bitcast %get3A_95 : vector<16xf32> to vector<32xbf16>
    %mul3A_98 = arith.mulf %bitcast3A_96, %bitcast3A_97 : vector<32xbf16>
    %bitcast3A_99 = vector.bitcast %mul3A_98 : vector<32xbf16> to vector<16xi32>
    %shift_left3A_100 = arith.constant 16 : i32
    %shift_left3A_101 = vector.broadcast %shift_left3A_100 : i32 to vector<16xi32>
    %shift_left3A_102 = arith.shli %bitcast3A_99, %shift_left3A_101 : vector<16xi32>
    %bitcast3A_103 = vector.bitcast %shift_left3A_102 : vector<16xi32> to vector<16xf32>
    %and3A_104 = arith.constant -65536 : i32
    %and3A_105 = vector.broadcast %and3A_104 : i32 to vector<16xi32>
    %and3A_106 = arith.andi %bitcast3A_99, %and3A_105 : vector<16xi32>
    %bitcast3A_107 = vector.bitcast %and3A_106 : vector<16xi32> to vector<16xf32>
    %add3A_108 = arith.addf %bitcast3A_103, %bitcast3A_107 : vector<16xf32>
    %add3A_109 = arith.addf %add3A_87, %add3A_108 : vector<16xf32>
    %get3A_110 = arith.constant 0 : i32
    %get3A_111 = arith.index_cast %get3A_110 : i32 to index
    %get3A_112 = arith.constant 48 : index
    %get3A_113 = tpu.vector_load %arg14[%get3A_111, %get3A_112] {strides = array<i32>} : memref<16x64xf32, #tpu.memory_space<vmem>>, vector<16xf32>,
    %get3A_114 = arith.constant 0 : i32
    %get3A_115 = arith.index_cast %get3A_114 : i32 to index
    %get3A_116 = arith.constant 48 : index
    %get3A_117 = tpu.vector_load %arg15[%get3A_115, %get3A_116] {strides = array<i32>} : memref<16x64xf32, #tpu.memory_space<vmem>>, vector<16xf32>,
    %bitcast3A_118 = vector.bitcast %get3A_113 : vector<16xf32> to vector<32xbf16>
    %bitcast3A_119 = vector.bitcast %get3A_117 : vector<16xf32> to vector<32xbf16>
    %mul3A_120 = arith.mulf %bitcast3A_118, %bitcast3A_119 : vector<32xbf16>
    %bitcast3A_121 = vector.bitcast %mul3A_120 : vector<32xbf16> to vector<16xi32>
    %shift_left3A_122 = arith.constant 16 : i32
    %shift_left3A_123 = vector.broadcast %shift_left3A_122 : i32 to vector<16xi32>
    %shift_left3A_124 = arith.shli %bitcast3A_121, %shift_left3A_123 : vector<16xi32>
    %bitcast3A_125 = vector.bitcast %shift_left3A_124 : vector<16xi32> to vector<16xf32>
    %and3A_126 = arith.constant -65536 : i32
    %and3A_127 = vector.broadcast %and3A_126 : i32 to vector<16xi32>
    %and3A_128 = arith.andi %bitcast3A_121, %and3A_127 : vector<16xi32>
    %bitcast3A_129 = vector.bitcast %and3A_128 : vector<16xi32> to vector<16xf32>
    %add3A_130 = arith.addf %bitcast3A_125, %bitcast3A_129 : vector<16xf32>
    %add3A_131 = arith.addf %add3A_109, %add3A_130 : vector<16xf32>
    %swap3A = arith.constant 0 : index
    %swap3A_132 = tpu.vector_load %arg16[%swap3A] {strides = array<i32>} : memref<2048xf32, #tpu.memory_space<vmem>>, vector<16xf32>,
    tpu.vector_store %arg16[%swap3A], %add3A_131 {strides = array<i32>} : memref<2048xf32, #tpu.memory_space<vmem>>, vector<16xf32>,
    %get3A_133 = arith.constant 1 : i32
    %get3A_134 = arith.index_cast %get3A_133 : i32 to index
    %get3A_135 = arith.constant 0 : index
    %get3A_136 = tpu.vector_load %arg14[%get3A_134, %get3A_135] {strides = array<i32>} : memref<16x64xf32, #tpu.memory_space<vmem>>, vector<16xf32>,
    %get3A_137 = arith.constant 1 : i32
    %get3A_138 = arith.index_cast %get3A_137 : i32 to index
    %get3A_139 = arith.constant 0 : index
    %get3A_140 = tpu.vector_load %arg15[%get3A_138, %get3A_139] {strides = array<i32>} : memref<16x64xf32, #tpu.memory_space<vmem>>, vector<16xf32>,
    %bitcast3A_141 = vector.bitcast %get3A_136 : vector<16xf32> to vector<32xbf16>
    %bitcast3A_142 = vector.bitcast %get3A_140 : vector<16xf32> to vector<32xbf16>
    %mul3A_143 = arith.mulf %bitcast3A_141, %bitcast3A_142 : vector<32xbf16>
    %bitcast3A_144 = vector.bitcast %mul3A_143 : vector<32xbf16> to vector<16xi32>
    %shift_left3A_145 = arith.constant 16 : i32
    %shift_left3A_146 = vector.broadcast %shift_left3A_145 : i32 to vector<16xi32>
    %shift_left3A_147 = arith.shli %bitcast3A_144, %shift_left3A_146 : vector<16xi32>
    %bitcast3A_148 = vector.bitcast %shift_left3A_147 : vector<16xi32> to vector<16xf32>
    %and3A_149 = arith.constant -65536 : i32
    %and3A_150 = vector.broadcast %and3A_149 : i32 to vector<16xi32>
    %and3A_151 = arith.andi %bitcast3A_144, %and3A_150 : vector<16xi32>
    %bitcast3A_152 = vector.bitcast %and3A_151 : vector<16xi32> to vector<16xf32>
    %add3A_153 = arith.addf %bitcast3A_148, %bitcast3A_152 : vector<16xf32>
    %get3A_154 = arith.constant 1 : i32
    %get3A_155 = arith.index_cast %get3A_154 : i32 to index
    %get3A_156 = arith.constant 16 : index
    %get3A_157 = tpu.vector_load %arg14[%get3A_155, %get3A_156] {strides = array<i32>} : memref<16x64xf32, #tpu.memory_space<vmem>>, vector<16xf32>,
    %get3A_158 = arith.constant 1 : i32
    %get3A_159 = arith.index_cast %get3A_158 : i32 to index
    %get3A_160 = arith.constant 16 : index
    %get3A_161 = tpu.vector_load %arg15[%get3A_159, %get3A_160] {strides = array<i32>} : memref<16x64xf32, #tpu.memory_space<vmem>>, vector<16xf32>,
    %bitcast3A_162 = vector.bitcast %get3A_157 : vector<16xf32> to vector<32xbf16>
    %bitcast3A_163 = vector.bitcast %get3A_161 : vector<16xf32> to vector<32xbf16>
    %mul3A_164 = arith.mulf %bitcast3A_162, %bitcast3A_163 : vector<32xbf16>
    %bitcast3A_165 = vector.bitcast %mul3A_164 : vector<32xbf16> to vector<16xi32>
    %shift_left3A_166 = arith.constant 16 : i32
    %shift_left3A_167 = vector.broadcast %shift_left3A_166 : i32 to vector<16xi32>
    %shift_left3A_168 = arith.shli %bitcast3A_165, %shift_left3A_167 : vector<16xi32>
    %bitcast3A_169 = vector.bitcast %shift_left3A_168 : vector<16xi32> to vector<16xf32>
    %and3A_170 = arith.constant -65536 : i32
    %and3A_171 = vector.broadcast %and3A_170 : i32 to vector<16xi32>
    %and3A_172 = arith.andi %bitcast3A_165, %and3A_171 : vector<16xi32>
    %bitcast3A_173 = vector.bitcast %and3A_172 : vector<16xi32> to vector<16xf32>
    %add3A_174 = arith.addf %bitcast3A_169, %bitcast3A_173 : vector<16xf32>
    %add3A_175 = arith.addf %add3A_153, %add3A_174 : vector<16xf32>
    %get3A_176 = arith.constant 1 : i32
    %get3A_177 = arith.index_cast %get3A_176 : i32 to index
    %get3A_178 = arith.constant 32 : index
    %get3A_179 = tpu.vector_load %arg14[%get3A_177, %get3A_178] {strides = array<i32>} : memref<16x64xf32, #tpu.memory_space<vmem>>, vector<16xf32>,
    %get3A_180 = arith.constant 1 : i32
    %get3A_181 = arith.index_cast %get3A_180 : i32 to index
    %get3A_182 = arith.constant 32 : index
    %get3A_183 = tpu.vector_load %arg15[%get3A_181, %get3A_182] {strides = array<i32>} : memref<16x64xf32, #tpu.memory_space<vmem>>, vector<16xf32>,
    %bitcast3A_184 = vector.bitcast %get3A_179 : vector<16xf32> to vector<32xbf16>
    %bitcast3A_185 = vector.bitcast %get3A_183 : vector<16xf32> to vector<32xbf16>
    %mul3A_186 = arith.mulf %bitcast3A_184, %bitcast3A_185 : vector<32xbf16>
    %bitcast3A_187 = vector.bitcast %mul3A_186 : vector<32xbf16> to vector<16xi32>
    %shift_left3A_188 = arith.constant 16 : i32
    %shift_left3A_189 = vector.broadcast %shift_left3A_188 : i32 to vector<16xi32>
    %shift_left3A_190 = arith.shli %bitcast3A_187, %shift_left3A_189 : vector<16xi32>
    %bitcast3A_191 = vector.bitcast %shift_left3A_190 : vector<16xi32> to vector<16xf32>
    %and3A_192 = arith.constant -65536 : i32
    %and3A_193 = vector.broadcast %and3A_192 : i32 to vector<16xi32>
    %and3A_194 = arith.andi %bitcast3A_187, %and3A_193 : vector<16xi32>
    %bitcast3A_195 = vector.bitcast %and3A_194 : vector<16xi32> to vector<16xf32>
    %add3A_196 = arith.addf %bitcast3A_191, %bitcast3A_195 : vector<16xf32>
    %add3A_197 = arith.addf %add3A_175, %add3A_196 : vector<16xf32>
    %get3A_198 = arith.constant 1 : i32
    %get3A_199 = arith.index_cast %get3A_198 : i32 to index
    %get3A_200 = arith.constant 48 : index
    %get3A_201 = tpu.vector_load %arg14[%get3A_199, %get3A_200] {strides = array<i32>} : memref<16x64xf32, #tpu.memory_space<vmem>>, vector<16xf32>,
    %get3A_202 = arith.constant 1 : i32
    %get3A_203 = arith.index_cast %get3A_202 : i32 to index
    %get3A_204 = arith.constant 48 : index
    %get3A_205 = tpu.vector_load %arg15[%get3A_203, %get3A_204] {strides = array<i32>} : memref<16x64xf32, #tpu.memory_space<vmem>>, vector<16xf32>,
    %bitcast3A_206 = vector.bitcast %get3A_201 : vector<16xf32> to vector<32xbf16>
    %bitcast3A_207 = vector.bitcast %get3A_205 : vector<16xf32> to vector<32xbf16>
    %mul3A_208 = arith.mulf %bitcast3A_206, %bitcast3A_207 : vector<32xbf16>
    %bitcast3A_209 = vector.bitcast %mul3A_208 : vector<32xbf16> to vector<16xi32>
    %shift_left3A_210 = arith.constant 16 : i32
    %shift_left3A_211 = vector.broadcast %shift_left3A_210 : i32 to vector<16xi32>
    %shift_left3A_212 = arith.shli %bitcast3A_209, %shift_left3A_211 : vector<16xi32>
    %bitcast3A_213 = vector.bitcast %shift_left3A_212 : vector<16xi32> to vector<16xf32>
    %and3A_214 = arith.constant -65536 : i32
    %and3A_215 = vector.broadcast %and3A_214 : i32 to vector<16xi32>
    %and3A_216 = arith.andi %bitcast3A_209, %and3A_215 : vector<16xi32>
    %bitcast3A_217 = vector.bitcast %and3A_216 : vector<16xi32> to vector<16xf32>
    %add3A_218 = arith.addf %bitcast3A_213, %bitcast3A_217 : vector<16xf32>
    %add3A_219 = arith.addf %add3A_197, %add3A_218 : vector<16xf32>
    %swap3A_220 = arith.constant 16 : index
    %swap3A_221 = tpu.vector_load %arg16[%swap3A_220] {strides = array<i32>} : memref<2048xf32, #tpu.memory_space<vmem>>, vector<16xf32>,
    tpu.vector_store %arg16[%swap3A_220], %add3A_219 {strides = array<i32>} : memref<2048xf32, #tpu.memory_space<vmem>>, vector<16xf32>,
    %get3A_222 = arith.constant 2 : i32
    %get3A_223 = arith.index_cast %get3A_222 : i32 to index
    %get3A_224 = arith.constant 0 : index
    %get3A_225 = tpu.vector_load %arg14[%get3A_223, %get3A_224] {strides = array<i32>} : memref<16x64xf32, #tpu.memory_space<vmem>>, vector<16xf32>,
    %get3A_226 = arith.constant 2 : i32
    %get3A_227 = arith.index_cast %get3A_226 : i32 to index
    %get3A_228 = arith.constant 0 : index
    %get3A_229 = tpu.vector_load %arg15[%get3A_227, %get3A_228] {strides = array<i32>} : memref<16x64xf32, #tpu.memory_space<vmem>>, vector<16xf32>,
    %bitcast3A_230 = vector.bitcast %get3A_225 : vector<16xf32> to vector<32xbf16>
    %bitcast3A_231 = vector.bitcast %get3A_229 : vector<16xf32> to vector<32xbf16>
    %mul3A_232 = arith.mulf %bitcast3A_230, %bitcast3A_231 : vector<32xbf16>
    %bitcast3A_233 = vector.bitcast %mul3A_232 : vector<32xbf16> to vector<16xi32>
    %shift_left3A_234 = arith.constant 16 : i32
    %shift_left3A_235 = vector.broadcast %shift_left3A_234 : i32 to vector<16xi32>
    %shift_left3A_236 = arith.shli %bitcast3A_233, %shift_left3A_235 : vector<16xi32>
    %bitcast3A_237 = vector.bitcast %shift_left3A_236 : vector<16xi32> to vector<16xf32>
    %and3A_238 = arith.constant -65536 : i32
    %and3A_239 = vector.broadcast %and3A_238 : i32 to vector<16xi32>
    %and3A_240 = arith.andi %bitcast3A_233, %and3A_239 : vector<16xi32>
    %bitcast3A_241 = vector.bitcast %and3A_240 : vector<16xi32> to vector<16xf32>
    %add3A_242 = arith.addf %bitcast3A_237, %bitcast3A_241 : vector<16xf32>
    %get3A_243 = arith.constant 2 : i32
    %get3A_244 = arith.index_cast %get3A_243 : i32 to index
    %get3A_245 = arith.constant 16 : index
    %get3A_246 = tpu.vector_load %arg14[%get3A_244, %get3A_245] {strides = array<i32>} : memref<16x64xf32, #tpu.memory_space<vmem>>, vector<16xf32>,
    %get3A_247 = arith.constant 2 : i32
    %get3A_248 = arith.index_cast %get3A_247 : i32 to index
    %get3A_249 = arith.constant 16 : index
    %get3A_250 = tpu.vector_load %arg15[%get3A_248, %get3A_249] {strides = array<i32>} : memref<16x64xf32, #tpu.memory_space<vmem>>, vector<16xf32>,
    %bitcast3A_251 = vector.bitcast %get3A_246 : vector<16xf32> to vector<32xbf16>
    %bitcast3A_252 = vector.bitcast %get3A_250 : vector<16xf32> to vector<32xbf16>
    %mul3A_253 = arith.mulf %bitcast3A_251, %bitcast3A_252 : vector<32xbf16>
    %bitcast3A_254 = vector.bitcast %mul3A_253 : vector<32xbf16> to vector<16xi32>
    %shift_left3A_255 = arith.constant 16 : i32
    %shift_left3A_256 = vector.broadcast %shift_left3A_255 : i32 to vector<16xi32>
    %shift_left3A_257 = arith.shli %bitcast3A_254, %shift_left3A_256 : vector<16xi32>
    %bitcast3A_258 = vector.bitcast %shift_left3A_257 : vector<16xi32> to vector<16xf32>
    %and3A_259 = arith.constant -65536 : i32
    %and3A_260 = vector.broadcast %and3A_259 : i32 to vector<16xi32>
    %and3A_261 = arith.andi %bitcast3A_254, %and3A_260 : vector<16xi32>
    %bitcast3A_262 = vector.bitcast %and3A_261 : vector<16xi32> to vector<16xf32>
    %add3A_263 = arith.addf %bitcast3A_258, %bitcast3A_262 : vector<16xf32>
    %add3A_264 = arith.addf %add3A_242, %add3A_263 : vector<16xf32>
    %get3A_265 = arith.constant 2 : i32
    %get3A_266 = arith.index_cast %get3A_265 : i32 to index
    %get3A_267 = arith.constant 32 : index
    %get3A_268 = tpu.vector_load %arg14[%get3A_266, %get3A_267] {strides = array<i32>} : memref<16x64xf32, #tpu.memory_space<vmem>>, vector<16xf32>,
    %get3A_269 = arith.constant 2 : i32
    %get3A_270 = arith.index_cast %get3A_269 : i32 to index
    %get3A_271 = arith.constant 32 : index
    %get3A_272 = tpu.vector_load %arg15[%get3A_270, %get3A_271] {strides = array<i32>} : memref<16x64xf32, #tpu.memory_space<vmem>>, vector<16xf32>,
    %bitcast3A_273 = vector.bitcast %get3A_268 : vector<16xf32> to vector<32xbf16>
    %bitcast3A_274 = vector.bitcast %get3A_272 : vector<16xf32> to vector<32xbf16>
    %mul3A_275 = arith.mulf %bitcast3A_273, %bitcast3A_274 : vector<32xbf16>
    %bitcast3A_276 = vector.bitcast %mul3A_275 : vector<32xbf16> to vector<16xi32>
    %shift_left3A_277 = arith.constant 16 : i32
    %shift_left3A_278 = vector.broadcast %shift_left3A_277 : i32 to vector<16xi32>
    %shift_left3A_279 = arith.shli %bitcast3A_276, %shift_left3A_278 : vector<16xi32>
    %bitcast3A_280 = vector.bitcast %shift_left3A_279 : vector<16xi32> to vector<16xf32>
    %and3A_281 = arith.constant -65536 : i32
    %and3A_282 = vector.broadcast %and3A_281 : i32 to vector<16xi32>
    %and3A_283 = arith.andi %bitcast3A_276, %and3A_282 : vector<16xi32>
    %bitcast3A_284 = vector.bitcast %and3A_283 : vector<16xi32> to vector<16xf32>
    %add3A_285 = arith.addf %bitcast3A_280, %bitcast3A_284 : vector<16xf32>
    %add3A_286 = arith.addf %add3A_264, %add3A_285 : vector<16xf32>
    %get3A_287 = arith.constant 2 : i32
    %get3A_288 = arith.index_cast %get3A_287 : i32 to index
    %get3A_289 = arith.constant 48 : index
    %get3A_290 = tpu.vector_load %arg14[%get3A_288, %get3A_289] {strides = array<i32>} : memref<16x64xf32, #tpu.memory_space<vmem>>, vector<16xf32>,
    %get3A_291 = arith.constant 2 : i32
    %get3A_292 = arith.index_cast %get3A_291 : i32 to index
    %get3A_293 = arith.constant 48 : index
    %get3A_294 = tpu.vector_load %arg15[%get3A_292, %get3A_293] {strides = array<i32>} : memref<16x64xf32, #tpu.memory_space<vmem>>, vector<16xf32>,
    %bitcast3A_295 = vector.bitcast %get3A_290 : vector<16xf32> to vector<32xbf16>
    %bitcast3A_296 = vector.bitcast %get3A_294 : vector<16xf32> to vector<32xbf16>
    %mul3A_297 = arith.mulf %bitcast3A_295, %bitcast3A_296 : vector<32xbf16>
    %bitcast3A_298 = vector.bitcast %mul3A_297 : vector<32xbf16> to vector<16xi32>
    %shift_left3A_299 = arith.constant 16 : i32
    %shift_left3A_300 = vector.broadcast %shift_left3A_299 : i32 to vector<16xi32>
    %shift_left3A_301 = arith.shli %bitcast3A_298, %shift_left3A_300 : vector<16xi32>
    %bitcast3A_302 = vector.bitcast %shift_left3A_301 : vector<16xi32> to vector<16xf32>
    %and3A_303 = arith.constant -65536 : i32
    %and3A_304 = vector.broadcast %and3A_303 : i32 to vector<16xi32>
    %and3A_305 = arith.andi %bitcast3A_298, %and3A_304 : vector<16xi32>
    %bitcast3A_306 = vector.bitcast %and3A_305 : vector<16xi32> to vector<16xf32>
    %add3A_307 = arith.addf %bitcast3A_302, %bitcast3A_306 : vector<16xf32>
    %add3A_308 = arith.addf %add3A_286, %add3A_307 : vector<16xf32>
    %swap3A_309 = arith.constant 32 : index
    %swap3A_310 = tpu.vector_load %arg16[%swap3A_309] {strides = array<i32>} : memref<2048xf32, #tpu.memory_space<vmem>>, vector<16xf32>,
    tpu.vector_store %arg16[%swap3A_309], %add3A_308 {strides = array<i32>} : memref<2048xf32, #tpu.memory_space<vmem>>, vector<16xf32>,
    %get3A_311 = arith.constant 3 : i32
    %get3A_312 = arith.index_cast %get3A_311 : i32 to index
    %get3A_313 = arith.constant 0 : index
    %get3A_314 = tpu.vector_load %arg14[%get3A_312, %get3A_313] {strides = array<i32>} : memref<16x64xf32, #tpu.memory_space<vmem>>, vector<16xf32>,
    %get3A_315 = arith.constant 3 : i32
    %get3A_316 = arith.index_cast %get3A_315 : i32 to index
    %get3A_317 = arith.constant 0 : index
    %get3A_318 = tpu.vector_load %arg15[%get3A_316, %get3A_317] {strides = array<i32>} : memref<16x64xf32, #tpu.memory_space<vmem>>, vector<16xf32>,
    %bitcast3A_319 = vector.bitcast %get3A_314 : vector<16xf32> to vector<32xbf16>
    %bitcast3A_320 = vector.bitcast %get3A_318 : vector<16xf32> to vector<32xbf16>
    %mul3A_321 = arith.mulf %bitcast3A_319, %bitcast3A_320 : vector<32xbf16>
    %bitcast3A_322 = vector.bitcast %mul3A_321 : vector<32xbf16> to vector<16xi32>
    %shift_left3A_323 = arith.constant 16 : i32
    %shift_left3A_324 = vector.broadcast %shift_left3A_323 : i32 to vector<16xi32>
    %shift_left3A_325 = arith.shli %bitcast3A_322, %shift_left3A_324 : vector<16xi32>
    %bitcast3A_326 = vector.bitcast %shift_left3A_325 : vector<16xi32> to vector<16xf32>
    %and3A_327 = arith.constant -65536 : i32
    %and3A_328 = vector.broadcast %and3A_327 : i32 to vector<16xi32>
    %and3A_329 = arith.andi %bitcast3A_322, %and3A_328 : vector<16xi32>
    %bitcast3A_330 = vector.bitcast %and3A_329 : vector<16xi32> to vector<16xf32>
    %add3A_331 = arith.addf %bitcast3A_326, %bitcast3A_330 : vector<16xf32>
    %get3A_332 = arith.constant 3 : i32
    %get3A_333 = arith.index_cast %get3A_332 : i32 to index
    %get3A_334 = arith.constant 16 : index
    %get3A_335 = tpu.vector_load %arg14[%get3A_333, %get3A_334] {strides = array<i32>} : memref<16x64xf32, #tpu.memory_space<vmem>>, vector<16xf32>,
    %get3A_336 = arith.constant 3 : i32
    %get3A_337 = arith.index_cast %get3A_336 : i32 to index
    %get3A_338 = arith.constant 16 : index
    %get3A_339 = tpu.vector_load %arg15[%get3A_337, %get3A_338] {strides = array<i32>} : memref<16x64xf32, #tpu.memory_space<vmem>>, vector<16xf32>,
    %bitcast3A_340 = vector.bitcast %get3A_335 : vector<16xf32> to vector<32xbf16>
    %bitcast3A_341 = vector.bitcast %get3A_339 : vector<16xf32> to vector<32xbf16>
    %mul3A_342 = arith.mulf %bitcast3A_340, %bitcast3A_341 : vector<32xbf16>
    %bitcast3A_343 = vector.bitcast %mul3A_342 : vector<32xbf16> to vector<16xi32>
    %shift_left3A_344 = arith.constant 16 : i32
    %shift_left3A_345 = vector.broadcast %shift_left3A_344 : i32 to vector<16xi32>
    %shift_left3A_346 = arith.shli %bitcast3A_343, %shift_left3A_345 : vector<16xi32>
    %bitcast3A_347 = vector.bitcast %shift_left3A_346 : vector<16xi32> to vector<16xf32>
    %and3A_348 = arith.constant -65536 : i32
    %and3A_349 = vector.broadcast %and3A_348 : i32 to vector<16xi32>
    %and3A_350 = arith.andi %bitcast3A_343, %and3A_349 : vector<16xi32>
    %bitcast3A_351 = vector.bitcast %and3A_350 : vector<16xi32> to vector<16xf32>
    %add3A_352 = arith.addf %bitcast3A_347, %bitcast3A_351 : vector<16xf32>
    %add3A_353 = arith.addf %add3A_331, %add3A_352 : vector<16xf32>
    %get3A_354 = arith.constant 3 : i32
    %get3A_355 = arith.index_cast %get3A_354 : i32 to index
    %get3A_356 = arith.constant 32 : index
    %get3A_357 = tpu.vector_load %arg14[%get3A_355, %get3A_356] {strides = array<i32>} : memref<16x64xf32, #tpu.memory_space<vmem>>, vector<16xf32>,
    %get3A_358 = arith.constant 3 : i32
    %get3A_359 = arith.index_cast %get3A_358 : i32 to index
    %get3A_360 = arith.constant 32 : index
    %get3A_361 = tpu.vector_load %arg15[%get3A_359, %get3A_360] {strides = array<i32>} : memref<16x64xf32, #tpu.memory_space<vmem>>, vector<16xf32>,
    %bitcast3A_362 = vector.bitcast %get3A_357 : vector<16xf32> to vector<32xbf16>
    %bitcast3A_363 = vector.bitcast %get3A_361 : vector<16xf32> to vector<32xbf16>
    %mul3A_364 = arith.mulf %bitcast3A_362, %bitcast3A_363 : vector<32xbf16>
    %bitcast3A_365 = vector.bitcast %mul3A_364 : vector<32xbf16> to vector<16xi32>
    %shift_left3A_366 = arith.constant 16 : i32
    %shift_left3A_367 = vector.broadcast %shift_left3A_366 : i32 to vector<16xi32>
    %shift_left3A_368 = arith.shli %bitcast3A_365, %shift_left3A_367 : vector<16xi32>
    %bitcast3A_369 = vector.bitcast %shift_left3A_368 : vector<16xi32> to vector<16xf32>
    %and3A_370 = arith.constant -65536 : i32
    %and3A_371 = vector.broadcast %and3A_370 : i32 to vector<16xi32>
    %and3A_372 = arith.andi %bitcast3A_365, %and3A_371 : vector<16xi32>
    %bitcast3A_373 = vector.bitcast %and3A_372 : vector<16xi32> to vector<16xf32>
    %add3A_374 = arith.addf %bitcast3A_369, %bitcast3A_373 : vector<16xf32>
    %add3A_375 = arith.addf %add3A_353, %add3A_374 : vector<16xf32>
    %get3A_376 = arith.constant 3 : i32
    %get3A_377 = arith.index_cast %get3A_376 : i32 to index
    %get3A_378 = arith.constant 48 : index
    %get3A_379 = tpu.vector_load %arg14[%get3A_377, %get3A_378] {strides = array<i32>} : memref<16x64xf32, #tpu.memory_space<vmem>>, vector<16xf32>,
    %get3A_380 = arith.constant 3 : i32
    %get3A_381 = arith.index_cast %get3A_380 : i32 to index
    %get3A_382 = arith.constant 48 : index
    %get3A_383 = tpu.vector_load %arg15[%get3A_381, %get3A_382] {strides = array<i32>} : memref<16x64xf32, #tpu.memory_space<vmem>>, vector<16xf32>,
    %bitcast3A_384 = vector.bitcast %get3A_379 : vector<16xf32> to vector<32xbf16>
    %bitcast3A_385 = vector.bitcast %get3A_383 : vector<16xf32> to vector<32xbf16>
    %mul3A_386 = arith.mulf %bitcast3A_384, %bitcast3A_385 : vector<32xbf16>
    %bitcast3A_387 = vector.bitcast %mul3A_386 : vector<32xbf16> to vector<16xi32>
    %shift_left3A_388 = arith.constant 16 : i32
    %shift_left3A_389 = vector.broadcast %shift_left3A_388 : i32 to vector<16xi32>
    %shift_left3A_390 = arith.shli %bitcast3A_387, %shift_left3A_389 : vector<16xi32>
    %bitcast3A_391 = vector.bitcast %shift_left3A_390 : vector<16xi32> to vector<16xf32>
    %and3A_392 = arith.constant -65536 : i32
    %and3A_393 = vector.broadcast %and3A_392 : i32 to vector<16xi32>
    %and3A_394 = arith.andi %bitcast3A_387, %and3A_393 : vector<16xi32>
    %bitcast3A_395 = vector.bitcast %and3A_394 : vector<16xi32> to vector<16xf32>
    %add3A_396 = arith.addf %bitcast3A_391, %bitcast3A_395 : vector<16xf32>
    %add3A_397 = arith.addf %add3A_375, %add3A_396 : vector<16xf32>
    %swap3A_398 = arith.constant 48 : index
    %swap3A_399 = tpu.vector_load %arg16[%swap3A_398] {strides = array<i32>} : memref<2048xf32, #tpu.memory_space<vmem>>, vector<16xf32>,
    tpu.vector_store %arg16[%swap3A_398], %add3A_397 {strides = array<i32>} : memref<2048xf32, #tpu.memory_space<vmem>>, vector<16xf32>,
    %get3A_400 = arith.constant 4 : i32
    %get3A_401 = arith.index_cast %get3A_400 : i32 to index
    %get3A_402 = arith.constant 0 : index
    %get3A_403 = tpu.vector_load %arg14[%get3A_401, %get3A_402] {strides = array<i32>} : memref<16x64xf32, #tpu.memory_space<vmem>>, vector<16xf32>,
    %get3A_404 = arith.constant 4 : i32
    %get3A_405 = arith.index_cast %get3A_404 : i32 to index
    %get3A_406 = arith.constant 0 : index
    %get3A_407 = tpu.vector_load %arg15[%get3A_405, %get3A_406] {strides = array<i32>} : memref<16x64xf32, #tpu.memory_space<vmem>>, vector<16xf32>,
    %bitcast3A_408 = vector.bitcast %get3A_403 : vector<16xf32> to vector<32xbf16>
    %bitcast3A_409 = vector.bitcast %get3A_407 : vector<16xf32> to vector<32xbf16>
    %mul3A_410 = arith.mulf %bitcast3A_408, %bitcast3A_409 : vector<32xbf16>
    %bitcast3A_411 = vector.bitcast %mul3A_410 : vector<32xbf16> to vector<16xi32>
    %shift_left3A_412 = arith.constant 16 : i32
    %shift_left3A_413 = vector.broadcast %shift_left3A_412 : i32 to vector<16xi32>
    %shift_left3A_414 = arith.shli %bitcast3A_411, %shift_left3A_413 : vector<16xi32>
    %bitcast3A_415 = vector.bitcast %shift_left3A_414 : vector<16xi32> to vector<16xf32>
    %and3A_416 = arith.constant -65536 : i32
    %and3A_417 = vector.broadcast %and3A_416 : i32 to vector<16xi32>
    %and3A_418 = arith.andi %bitcast3A_411, %and3A_417 : vector<16xi32>
    %bitcast3A_419 = vector.bitcast %and3A_418 : vector<16xi32> to vector<16xf32>
    %add3A_420 = arith.addf %bitcast3A_415, %bitcast3A_419 : vector<16xf32>
    %get3A_421 = arith.constant 4 : i32
    %get3A_422 = arith.index_cast %get3A_421 : i32 to index
    %get3A_423 = arith.constant 16 : index
    %get3A_424 = tpu.vector_load %arg14[%get3A_422, %get3A_423] {strides = array<i32>} : memref<16x64xf32, #tpu.memory_space<vmem>>, vector<16xf32>,
    %get3A_425 = arith.constant 4 : i32
    %get3A_426 = arith.index_cast %get3A_425 : i32 to index
    %get3A_427 = arith.constant 16 : index
    %get3A_428 = tpu.vector_load %arg15[%get3A_426, %get3A_427] {strides = array<i32>} : memref<16x64xf32, #tpu.memory_space<vmem>>, vector<16xf32>,
    %bitcast3A_429 = vector.bitcast %get3A_424 : vector<16xf32> to vector<32xbf16>
    %bitcast3A_430 = vector.bitcast %get3A_428 : vector<16xf32> to vector<32xbf16>
    %mul3A_431 = arith.mulf %bitcast3A_429, %bitcast3A_430 : vector<32xbf16>
    %bitcast3A_432 = vector.bitcast %mul3A_431 : vector<32xbf16> to vector<16xi32>
    %shift_left3A_433 = arith.constant 16 : i32
    %shift_left3A_434 = vector.broadcast %shift_left3A_433 : i32 to vector<16xi32>
    %shift_left3A_435 = arith.shli %bitcast3A_432, %shift_left3A_434 : vector<16xi32>
    %bitcast3A_436 = vector.bitcast %shift_left3A_435 : vector<16xi32> to vector<16xf32>
    %and3A_437 = arith.constant -65536 : i32
    %and3A_438 = vector.broadcast %and3A_437 : i32 to vector<16xi32>
    %and3A_439 = arith.andi %bitcast3A_432, %and3A_438 : vector<16xi32>
    %bitcast3A_440 = vector.bitcast %and3A_439 : vector<16xi32> to vector<16xf32>
    %add3A_441 = arith.addf %bitcast3A_436, %bitcast3A_440 : vector<16xf32>
    %add3A_442 = arith.addf %add3A_420, %add3A_441 : vector<16xf32>
    %get3A_443 = arith.constant 4 : i32
    %get3A_444 = arith.index_cast %get3A_443 : i32 to index
    %get3A_445 = arith.constant 32 : index
    %get3A_446 = tpu.vector_load %arg14[%get3A_444, %get3A_445] {strides = array<i32>} : memref<16x64xf32, #tpu.memory_space<vmem>>, vector<16xf32>,
    %get3A_447 = arith.constant 4 : i32
    %get3A_448 = arith.index_cast %get3A_447 : i32 to index
    %get3A_449 = arith.constant 32 : index
    %get3A_450 = tpu.vector_load %arg15[%get3A_448, %get3A_449] {strides = array<i32>} : memref<16x64xf32, #tpu.memory_space<vmem>>, vector<16xf32>,
    %bitcast3A_451 = vector.bitcast %get3A_446 : vector<16xf32> to vector<32xbf16>
    %bitcast3A_452 = vector.bitcast %get3A_450 : vector<16xf32> to vector<32xbf16>
    %mul3A_453 = arith.mulf %bitcast3A_451, %bitcast3A_452 : vector<32xbf16>
    %bitcast3A_454 = vector.bitcast %mul3A_453 : vector<32xbf16> to vector<16xi32>
    %shift_left3A_455 = arith.constant 16 : i32
    %shift_left3A_456 = vector.broadcast %shift_left3A_455 : i32 to vector<16xi32>
    %shift_left3A_457 = arith.shli %bitcast3A_454, %shift_left3A_456 : vector<16xi32>
    %bitcast3A_458 = vector.bitcast %shift_left3A_457 : vector<16xi32> to vector<16xf32>
    %and3A_459 = arith.constant -65536 : i32
    %and3A_460 = vector.broadcast %and3A_459 : i32 to vector<16xi32>
    %and3A_461 = arith.andi %bitcast3A_454, %and3A_460 : vector<16xi32>
    %bitcast3A_462 = vector.bitcast %and3A_461 : vector<16xi32> to vector<16xf32>
    %add3A_463 = arith.addf %bitcast3A_458, %bitcast3A_462 : vector<16xf32>
    %add3A_464 = arith.addf %add3A_442, %add3A_463 : vector<16xf32>
    %get3A_465 = arith.constant 4 : i32
    %get3A_466 = arith.index_cast %get3A_465 : i32 to index
    %get3A_467 = arith.constant 48 : index
    %get3A_468 = tpu.vector_load %arg14[%get3A_466, %get3A_467] {strides = array<i32>} : memref<16x64xf32, #tpu.memory_space<vmem>>, vector<16xf32>,
    %get3A_469 = arith.constant 4 : i32
    %get3A_470 = arith.index_cast %get3A_469 : i32 to index
    %get3A_471 = arith.constant 48 : index
    %get3A_472 = tpu.vector_load %arg15[%get3A_470, %get3A_471] {strides = array<i32>} : memref<16x64xf32, #tpu.memory_space<vmem>>, vector<16xf32>,
    %bitcast3A_473 = vector.bitcast %get3A_468 : vector<16xf32> to vector<32xbf16>
    %bitcast3A_474 = vector.bitcast %get3A_472 : vector<16xf32> to vector<32xbf16>
    %mul3A_475 = arith.mulf %bitcast3A_473, %bitcast3A_474 : vector<32xbf16>
    %bitcast3A_476 = vector.bitcast %mul3A_475 : vector<32xbf16> to vector<16xi32>
    %shift_left3A_477 = arith.constant 16 : i32
    %shift_left3A_478 = vector.broadcast %shift_left3A_477 : i32 to vector<16xi32>
    %shift_left3A_479 = arith.shli %bitcast3A_476, %shift_left3A_478 : vector<16xi32>
    %bitcast3A_480 = vector.bitcast %shift_left3A_479 : vector<16xi32> to vector<16xf32>
    %and3A_481 = arith.constant -65536 : i32
    %and3A_482 = vector.broadcast %and3A_481 : i32 to vector<16xi32>
    %and3A_483 = arith.andi %bitcast3A_476, %and3A_482 : vector<16xi32>
    %bitcast3A_484 = vector.bitcast %and3A_483 : vector<16xi32> to vector<16xf32>
    %add3A_485 = arith.addf %bitcast3A_480, %bitcast3A_484 : vector<16xf32>
    %add3A_486 = arith.addf %add3A_464, %add3A_485 : vector<16xf32>
    %swap3A_487 = arith.constant 64 : index
    %swap3A_488 = tpu.vector_load %arg16[%swap3A_487] {strides = array<i32>} : memref<2048xf32, #tpu.memory_space<vmem>>, vector<16xf32>,
    tpu.vector_store %arg16[%swap3A_487], %add3A_486 {strides = array<i32>} : memref<2048xf32, #tpu.memory_space<vmem>>, vector<16xf32>,
    %get3A_489 = arith.constant 5 : i32
    %get3A_490 = arith.index_cast %get3A_489 : i32 to index
    %get3A_491 = arith.constant 0 : index
    %get3A_492 = tpu.vector_load %arg14[%get3A_490, %get3A_491] {strides = array<i32>} : memref<16x64xf32, #tpu.memory_space<vmem>>, vector<16xf32>,
    %get3A_493 = arith.constant 5 : i32
    %get3A_494 = arith.index_cast %get3A_493 : i32 to index
    %get3A_495 = arith.constant 0 : index
    %get3A_496 = tpu.vector_load %arg15[%get3A_494, %get3A_495] {strides = array<i32>} : memref<16x64xf32, #tpu.memory_space<vmem>>, vector<16xf32>,
    %bitcast3A_497 = vector.bitcast %get3A_492 : vector<16xf32> to vector<32xbf16>
    %bitcast3A_498 = vector.bitcast %get3A_496 : vector<16xf32> to vector<32xbf16>
    %mul3A_499 = arith.mulf %bitcast3A_497, %bitcast3A_498 : vector<32xbf16>
    %bitcast3A_500 = vector.bitcast %mul3A_499 : vector<32xbf16> to vector<16xi32>
    %shift_left3A_501 = arith.constant 16 : i32
    %shift_left3A_502 = vector.broadcast %shift_left3A_501 : i32 to vector<16xi32>
    %shift_left3A_503 = arith.shli %bitcast3A_500, %shift_left3A_502 : vector<16xi32>
    %bitcast3A_504 = vector.bitcast %shift_left3A_503 : vector<16xi32> to vector<16xf32>
    %and3A_505 = arith.constant -65536 : i32
    %and3A_506 = vector.broadcast %and3A_505 : i32 to vector<16xi32>
    %and3A_507 = arith.andi %bitcast3A_500, %and3A_506 : vector<16xi32>
    %bitcast3A_508 = vector.bitcast %and3A_507 : vector<16xi32> to vector<16xf32>
    %add3A_509 = arith.addf %bitcast3A_504, %bitcast3A_508 : vector<16xf32>
    %get3A_510 = arith.constant 5 : i32
    %get3A_511 = arith.index_cast %get3A_510 : i32 to index
    %get3A_512 = arith.constant 16 : index
    %get3A_513 = tpu.vector_load %arg14[%get3A_511, %get3A_512] {strides = array<i32>} : memref<16x64xf32, #tpu.memory_space<vmem>>, vector<16xf32>,
    %get3A_514 = arith.constant 5 : i32
    %get3A_515 = arith.index_cast %get3A_514 : i32 to index
    %get3A_516 = arith.constant 16 : index
    %get3A_517 = tpu.vector_load %arg15[%get3A_515, %get3A_516] {strides = array<i32>} : memref<16x64xf32, #tpu.memory_space<vmem>>, vector<16xf32>,
    %bitcast3A_518 = vector.bitcast %get3A_513 : vector<16xf32> to vector<32xbf16>
    %bitcast3A_519 = vector.bitcast %get3A_517 : vector<16xf32> to vector<32xbf16>
    %mul3A_520 = arith.mulf %bitcast3A_518, %bitcast3A_519 : vector<32xbf16>
    %bitcast3A_521 = vector.bitcast %mul3A_520 : vector<32xbf16> to vector<16xi32>
    %shift_left3A_522 = arith.constant 16 : i32
    %shift_left3A_523 = vector.broadcast %shift_left3A_522 : i32 to vector<16xi32>
    %shift_left3A_524 = arith.shli %bitcast3A_521, %shift_left3A_523 : vector<16xi32>
    %bitcast3A_525 = vector.bitcast %shift_left3A_524 : vector<16xi32> to vector<16xf32>
    %and3A_526 = arith.constant -65536 : i32
    %and3A_527 = vector.broadcast %and3A_526 : i32 to vector<16xi32>
    %and3A_528 = arith.andi %bitcast3A_521, %and3A_527 : vector<16xi32>
    %bitcast3A_529 = vector.bitcast %and3A_528 : vector<16xi32> to vector<16xf32>
    %add3A_530 = arith.addf %bitcast3A_525, %bitcast3A_529 : vector<16xf32>
    %add3A_531 = arith.addf %add3A_509, %add3A_530 : vector<16xf32>
    %get3A_532 = arith.constant 5 : i32
    %get3A_533 = arith.index_cast %get3A_532 : i32 to index
    %get3A_534 = arith.constant 32 : index
    %get3A_535 = tpu.vector_load %arg14[%get3A_533, %get3A_534] {strides = array<i32>} : memref<16x64xf32, #tpu.memory_space<vmem>>, vector<16xf32>,
    %get3A_536 = arith.constant 5 : i32
    %get3A_537 = arith.index_cast %get3A_536 : i32 to index
    %get3A_538 = arith.constant 32 : index
    %get3A_539 = tpu.vector_load %arg15[%get3A_537, %get3A_538] {strides = array<i32>} : memref<16x64xf32, #tpu.memory_space<vmem>>, vector<16xf32>,
    %bitcast3A_540 = vector.bitcast %get3A_535 : vector<16xf32> to vector<32xbf16>
    %bitcast3A_541 = vector.bitcast %get3A_539 : vector<16xf32> to vector<32xbf16>
    %mul3A_542 = arith.mulf %bitcast3A_540, %bitcast3A_541 : vector<32xbf16>
    %bitcast3A_543 = vector.bitcast %mul3A_542 : vector<32xbf16> to vector<16xi32>
    %shift_left3A_544 = arith.constant 16 : i32
    %shift_left3A_545 = vector.broadcast %shift_left3A_544 : i32 to vector<16xi32>
    %shift_left3A_546 = arith.shli %bitcast3A_543, %shift_left3A_545 : vector<16xi32>
    %bitcast3A_547 = vector.bitcast %shift_left3A_546 : vector<16xi32> to vector<16xf32>
    %and3A_548 = arith.constant -65536 : i32
    %and3A_549 = vector.broadcast %and3A_548 : i32 to vector<16xi32>
    %and3A_550 = arith.andi %bitcast3A_543, %and3A_549 : vector<16xi32>
    %bitcast3A_551 = vector.bitcast %and3A_550 : vector<16xi32> to vector<16xf32>
    %add3A_552 = arith.addf %bitcast3A_547, %bitcast3A_551 : vector<16xf32>
    %add3A_553 = arith.addf %add3A_531, %add3A_552 : vector<16xf32>
    %get3A_554 = arith.constant 5 : i32
    %get3A_555 = arith.index_cast %get3A_554 : i32 to index
    %get3A_556 = arith.constant 48 : index
    %get3A_557 = tpu.vector_load %arg14[%get3A_555, %get3A_556] {strides = array<i32>} : memref<16x64xf32, #tpu.memory_space<vmem>>, vector<16xf32>,
    %get3A_558 = arith.constant 5 : i32
    %get3A_559 = arith.index_cast %get3A_558 : i32 to index
    %get3A_560 = arith.constant 48 : index
    %get3A_561 = tpu.vector_load %arg15[%get3A_559, %get3A_560] {strides = array<i32>} : memref<16x64xf32, #tpu.memory_space<vmem>>, vector<16xf32>,
    %bitcast3A_562 = vector.bitcast %get3A_557 : vector<16xf32> to vector<32xbf16>
    %bitcast3A_563 = vector.bitcast %get3A_561 : vector<16xf32> to vector<32xbf16>
    %mul3A_564 = arith.mulf %bitcast3A_562, %bitcast3A_563 : vector<32xbf16>
    %bitcast3A_565 = vector.bitcast %mul3A_564 : vector<32xbf16> to vector<16xi32>
    %shift_left3A_566 = arith.constant 16 : i32
    %shift_left3A_567 = vector.broadcast %shift_left3A_566 : i32 to vector<16xi32>
    %shift_left3A_568 = arith.shli %bitcast3A_565, %shift_left3A_567 : vector<16xi32>
    %bitcast3A_569 = vector.bitcast %shift_left3A_568 : vector<16xi32> to vector<16xf32>
    %and3A_570 = arith.constant -65536 : i32
    %and3A_571 = vector.broadcast %and3A_570 : i32 to vector<16xi32>
    %and3A_572 = arith.andi %bitcast3A_565, %and3A_571 : vector<16xi32>
    %bitcast3A_573 = vector.bitcast %and3A_572 : vector<16xi32> to vector<16xf32>
    %add3A_574 = arith.addf %bitcast3A_569, %bitcast3A_573 : vector<16xf32>
    %add3A_575 = arith.addf %add3A_553, %add3A_574 : vector<16xf32>
    %swap3A_576 = arith.constant 80 : index
    %swap3A_577 = tpu.vector_load %arg16[%swap3A_576] {strides = array<i32>} : memref<2048xf32, #tpu.memory_space<vmem>>, vector<16xf32>,
    tpu.vector_store %arg16[%swap3A_576], %add3A_575 {strides = array<i32>} : memref<2048xf32, #tpu.memory_space<vmem>>, vector<16xf32>,
    %get3A_578 = arith.constant 6 : i32
    %get3A_579 = arith.index_cast %get3A_578 : i32 to index
    %get3A_580 = arith.constant 0 : index
    %get3A_581 = tpu.vector_load %arg14[%get3A_579, %get3A_580] {strides = array<i32>} : memref<16x64xf32, #tpu.memory_space<vmem>>, vector<16xf32>,
    %get3A_582 = arith.constant 6 : i32
    %get3A_583 = arith.index_cast %get3A_582 : i32 to index
    %get3A_584 = arith.constant 0 : index
    %get3A_585 = tpu.vector_load %arg15[%get3A_583, %get3A_584] {strides = array<i32>} : memref<16x64xf32, #tpu.memory_space<vmem>>, vector<16xf32>,
    %bitcast3A_586 = vector.bitcast %get3A_581 : vector<16xf32> to vector<32xbf16>
    %bitcast3A_587 = vector.bitcast %get3A_585 : vector<16xf32> to vector<32xbf16>
    %mul3A_588 = arith.mulf %bitcast3A_586, %bitcast3A_587 : vector<32xbf16>
    %bitcast3A_589 = vector.bitcast %mul3A_588 : vector<32xbf16> to vector<16xi32>
    %shift_left3A_590 = arith.constant 16 : i32
    %shift_left3A_591 = vector.broadcast %shift_left3A_590 : i32 to vector<16xi32>
    %shift_left3A_592 = arith.shli %bitcast3A_589, %shift_left3A_591 : vector<16xi32>
    %bitcast3A_593 = vector.bitcast %shift_left3A_592 : vector<16xi32> to vector<16xf32>
    %and3A_594 = arith.constant -65536 : i32
    %and3A_595 = vector.broadcast %and3A_594 : i32 to vector<16xi32>
    %and3A_596 = arith.andi %bitcast3A_589, %and3A_595 : vector<16xi32>
    %bitcast3A_597 = vector.bitcast %and3A_596 : vector<16xi32> to vector<16xf32>
    %add3A_598 = arith.addf %bitcast3A_593, %bitcast3A_597 : vector<16xf32>
    %get3A_599 = arith.constant 6 : i32
    %get3A_600 = arith.index_cast %get3A_599 : i32 to index
    %get3A_601 = arith.constant 16 : index
    %get3A_602 = tpu.vector_load %arg14[%get3A_600, %get3A_601] {strides = array<i32>} : memref<16x64xf32, #tpu.memory_space<vmem>>, vector<16xf32>,
    %get3A_603 = arith.constant 6 : i32
    %get3A_604 = arith.index_cast %get3A_603 : i32 to index
    %get3A_605 = arith.constant 16 : index
    %get3A_606 = tpu.vector_load %arg15[%get3A_604, %get3A_605] {strides = array<i32>} : memref<16x64xf32, #tpu.memory_space<vmem>>, vector<16xf32>,
    %bitcast3A_607 = vector.bitcast %get3A_602 : vector<16xf32> to vector<32xbf16>
    %bitcast3A_608 = vector.bitcast %get3A_606 : vector<16xf32> to vector<32xbf16>
    %mul3A_609 = arith.mulf %bitcast3A_607, %bitcast3A_608 : vector<32xbf16>
    %bitcast3A_610 = vector.bitcast %mul3A_609 : vector<32xbf16> to vector<16xi32>
    %shift_left3A_611 = arith.constant 16 : i32
    %shift_left3A_612 = vector.broadcast %shift_left3A_611 : i32 to vector<16xi32>
    %shift_left3A_613 = arith.shli %bitcast3A_610, %shift_left3A_612 : vector<16xi32>
    %bitcast3A_614 = vector.bitcast %shift_left3A_613 : vector<16xi32> to vector<16xf32>
    %and3A_615 = arith.constant -65536 : i32
    %and3A_616 = vector.broadcast %and3A_615 : i32 to vector<16xi32>
    %and3A_617 = arith.andi %bitcast3A_610, %and3A_616 : vector<16xi32>
    %bitcast3A_618 = vector.bitcast %and3A_617 : vector<16xi32> to vector<16xf32>
    %add3A_619 = arith.addf %bitcast3A_614, %bitcast3A_618 : vector<16xf32>
    %add3A_620 = arith.addf %add3A_598, %add3A_619 : vector<16xf32>
    %get3A_621 = arith.constant 6 : i32
    %get3A_622 = arith.index_cast %get3A_621 : i32 to index
    %get3A_623 = arith.constant 32 : index
    %get3A_624 = tpu.vector_load %arg14[%get3A_622, %get3A_623] {strides = array<i32>} : memref<16x64xf32, #tpu.memory_space<vmem>>, vector<16xf32>,
    %get3A_625 = arith.constant 6 : i32
    %get3A_626 = arith.index_cast %get3A_625 : i32 to index
    %get3A_627 = arith.constant 32 : index
    %get3A_628 = tpu.vector_load %arg15[%get3A_626, %get3A_627] {strides = array<i32>} : memref<16x64xf32, #tpu.memory_space<vmem>>, vector<16xf32>,
    %bitcast3A_629 = vector.bitcast %get3A_624 : vector<16xf32> to vector<32xbf16>
    %bitcast3A_630 = vector.bitcast %get3A_628 : vector<16xf32> to vector<32xbf16>
    %mul3A_631 = arith.mulf %bitcast3A_629, %bitcast3A_630 : vector<32xbf16>
    %bitcast3A_632 = vector.bitcast %mul3A_631 : vector<32xbf16> to vector<16xi32>
    %shift_left3A_633 = arith.constant 16 : i32
    %shift_left3A_634 = vector.broadcast %shift_left3A_633 : i32 to vector<16xi32>
    %shift_left3A_635 = arith.shli %bitcast3A_632, %shift_left3A_634 : vector<16xi32>
    %bitcast3A_636 = vector.bitcast %shift_left3A_635 : vector<16xi32> to vector<16xf32>
    %and3A_637 = arith.constant -65536 : i32
    %and3A_638 = vector.broadcast %and3A_637 : i32 to vector<16xi32>
    %and3A_639 = arith.andi %bitcast3A_632, %and3A_638 : vector<16xi32>
    %bitcast3A_640 = vector.bitcast %and3A_639 : vector<16xi32> to vector<16xf32>
    %add3A_641 = arith.addf %bitcast3A_636, %bitcast3A_640 : vector<16xf32>
    %add3A_642 = arith.addf %add3A_620, %add3A_641 : vector<16xf32>
    %get3A_643 = arith.constant 6 : i32
    %get3A_644 = arith.index_cast %get3A_643 : i32 to index
    %get3A_645 = arith.constant 48 : index
    %get3A_646 = tpu.vector_load %arg14[%get3A_644, %get3A_645] {strides = array<i32>} : memref<16x64xf32, #tpu.memory_space<vmem>>, vector<16xf32>,
    %get3A_647 = arith.constant 6 : i32
    %get3A_648 = arith.index_cast %get3A_647 : i32 to index
    %get3A_649 = arith.constant 48 : index
    %get3A_650 = tpu.vector_load %arg15[%get3A_648, %get3A_649] {strides = array<i32>} : memref<16x64xf32, #tpu.memory_space<vmem>>, vector<16xf32>,
    %bitcast3A_651 = vector.bitcast %get3A_646 : vector<16xf32> to vector<32xbf16>
    %bitcast3A_652 = vector.bitcast %get3A_650 : vector<16xf32> to vector<32xbf16>
    %mul3A_653 = arith.mulf %bitcast3A_651, %bitcast3A_652 : vector<32xbf16>
    %bitcast3A_654 = vector.bitcast %mul3A_653 : vector<32xbf16> to vector<16xi32>
    %shift_left3A_655 = arith.constant 16 : i32
    %shift_left3A_656 = vector.broadcast %shift_left3A_655 : i32 to vector<16xi32>
    %shift_left3A_657 = arith.shli %bitcast3A_654, %shift_left3A_656 : vector<16xi32>
    %bitcast3A_658 = vector.bitcast %shift_left3A_657 : vector<16xi32> to vector<16xf32>
    %and3A_659 = arith.constant -65536 : i32
    %and3A_660 = vector.broadcast %and3A_659 : i32 to vector<16xi32>
    %and3A_661 = arith.andi %bitcast3A_654, %and3A_660 : vector<16xi32>
    %bitcast3A_662 = vector.bitcast %and3A_661 : vector<16xi32> to vector<16xf32>
    %add3A_663 = arith.addf %bitcast3A_658, %bitcast3A_662 : vector<16xf32>
    %add3A_664 = arith.addf %add3A_642, %add3A_663 : vector<16xf32>
    %swap3A_665 = arith.constant 96 : index
    %swap3A_666 = tpu.vector_load %arg16[%swap3A_665] {strides = array<i32>} : memref<2048xf32, #tpu.memory_space<vmem>>, vector<16xf32>,
    tpu.vector_store %arg16[%swap3A_665], %add3A_664 {strides = array<i32>} : memref<2048xf32, #tpu.memory_space<vmem>>, vector<16xf32>,
    %get3A_667 = arith.constant 7 : i32
    %get3A_668 = arith.index_cast %get3A_667 : i32 to index
    %get3A_669 = arith.constant 0 : index
    %get3A_670 = tpu.vector_load %arg14[%get3A_668, %get3A_669] {strides = array<i32>} : memref<16x64xf32, #tpu.memory_space<vmem>>, vector<16xf32>,
    %get3A_671 = arith.constant 7 : i32
    %get3A_672 = arith.index_cast %get3A_671 : i32 to index
    %get3A_673 = arith.constant 0 : index
    %get3A_674 = tpu.vector_load %arg15[%get3A_672, %get3A_673] {strides = array<i32>} : memref<16x64xf32, #tpu.memory_space<vmem>>, vector<16xf32>,
    %bitcast3A_675 = vector.bitcast %get3A_670 : vector<16xf32> to vector<32xbf16>
    %bitcast3A_676 = vector.bitcast %get3A_674 : vector<16xf32> to vector<32xbf16>
    %mul3A_677 = arith.mulf %bitcast3A_675, %bitcast3A_676 : vector<32xbf16>
    %bitcast3A_678 = vector.bitcast %mul3A_677 : vector<32xbf16> to vector<16xi32>
    %shift_left3A_679 = arith.constant 16 : i32
    %shift_left3A_680 = vector.broadcast %shift_left3A_679 : i32 to vector<16xi32>
    %shift_left3A_681 = arith.shli %bitcast3A_678, %shift_left3A_680 : vector<16xi32>
    %bitcast3A_682 = vector.bitcast %shift_left3A_681 : vector<16xi32> to vector<16xf32>
    %and3A_683 = arith.constant -65536 : i32
    %and3A_684 = vector.broadcast %and3A_683 : i32 to vector<16xi32>
    %and3A_685 = arith.andi %bitcast3A_678, %and3A_684 : vector<16xi32>
    %bitcast3A_686 = vector.bitcast %and3A_685 : vector<16xi32> to vector<16xf32>
    %add3A_687 = arith.addf %bitcast3A_682, %bitcast3A_686 : vector<16xf32>
    %get3A_688 = arith.constant 7 : i32
    %get3A_689 = arith.index_cast %get3A_688 : i32 to index
    %get3A_690 = arith.constant 16 : index
    %get3A_691 = tpu.vector_load %arg14[%get3A_689, %get3A_690] {strides = array<i32>} : memref<16x64xf32, #tpu.memory_space<vmem>>, vector<16xf32>,
    %get3A_692 = arith.constant 7 : i32
    %get3A_693 = arith.index_cast %get3A_692 : i32 to index
    %get3A_694 = arith.constant 16 : index
    %get3A_695 = tpu.vector_load %arg15[%get3A_693, %get3A_694] {strides = array<i32>} : memref<16x64xf32, #tpu.memory_space<vmem>>, vector<16xf32>,
    %bitcast3A_696 = vector.bitcast %get3A_691 : vector<16xf32> to vector<32xbf16>
    %bitcast3A_697 = vector.bitcast %get3A_695 : vector<16xf32> to vector<32xbf16>
    %mul3A_698 = arith.mulf %bitcast3A_696, %bitcast3A_697 : vector<32xbf16>
    %bitcast3A_699 = vector.bitcast %mul3A_698 : vector<32xbf16> to vector<16xi32>
    %shift_left3A_700 = arith.constant 16 : i32
    %shift_left3A_701 = vector.broadcast %shift_left3A_700 : i32 to vector<16xi32>
    %shift_left3A_702 = arith.shli %bitcast3A_699, %shift_left3A_701 : vector<16xi32>
    %bitcast3A_703 = vector.bitcast %shift_left3A_702 : vector<16xi32> to vector<16xf32>
    %and3A_704 = arith.constant -65536 : i32
    %and3A_705 = vector.broadcast %and3A_704 : i32 to vector<16xi32>
    %and3A_706 = arith.andi %bitcast3A_699, %and3A_705 : vector<16xi32>
    %bitcast3A_707 = vector.bitcast %and3A_706 : vector<16xi32> to vector<16xf32>
    %add3A_708 = arith.addf %bitcast3A_703, %bitcast3A_707 : vector<16xf32>
    %add3A_709 = arith.addf %add3A_687, %add3A_708 : vector<16xf32>
    %get3A_710 = arith.constant 7 : i32
    %get3A_711 = arith.index_cast %get3A_710 : i32 to index
    %get3A_712 = arith.constant 32 : index
    %get3A_713 = tpu.vector_load %arg14[%get3A_711, %get3A_712] {strides = array<i32>} : memref<16x64xf32, #tpu.memory_space<vmem>>, vector<16xf32>,
    %get3A_714 = arith.constant 7 : i32
    %get3A_715 = arith.index_cast %get3A_714 : i32 to index
    %get3A_716 = arith.constant 32 : index
    %get3A_717 = tpu.vector_load %arg15[%get3A_715, %get3A_716] {strides = array<i32>} : memref<16x64xf32, #tpu.memory_space<vmem>>, vector<16xf32>,
    %bitcast3A_718 = vector.bitcast %get3A_713 : vector<16xf32> to vector<32xbf16>
    %bitcast3A_719 = vector.bitcast %get3A_717 : vector<16xf32> to vector<32xbf16>
    %mul3A_720 = arith.mulf %bitcast3A_718, %bitcast3A_719 : vector<32xbf16>
    %bitcast3A_721 = vector.bitcast %mul3A_720 : vector<32xbf16> to vector<16xi32>
    %shift_left3A_722 = arith.constant 16 : i32
    %shift_left3A_723 = vector.broadcast %shift_left3A_722 : i32 to vector<16xi32>
    %shift_left3A_724 = arith.shli %bitcast3A_721, %shift_left3A_723 : vector<16xi32>
    %bitcast3A_725 = vector.bitcast %shift_left3A_724 : vector<16xi32> to vector<16xf32>
    %and3A_726 = arith.constant -65536 : i32
    %and3A_727 = vector.broadcast %and3A_726 : i32 to vector<16xi32>
    %and3A_728 = arith.andi %bitcast3A_721, %and3A_727 : vector<16xi32>
    %bitcast3A_729 = vector.bitcast %and3A_728 : vector<16xi32> to vector<16xf32>
    %add3A_730 = arith.addf %bitcast3A_725, %bitcast3A_729 : vector<16xf32>
    %add3A_731 = arith.addf %add3A_709, %add3A_730 : vector<16xf32>
    %get3A_732 = arith.constant 7 : i32
    %get3A_733 = arith.index_cast %get3A_732 : i32 to index
    %get3A_734 = arith.constant 48 : index
    %get3A_735 = tpu.vector_load %arg14[%get3A_733, %get3A_734] {strides = array<i32>} : memref<16x64xf32, #tpu.memory_space<vmem>>, vector<16xf32>,
    %get3A_736 = arith.constant 7 : i32
    %get3A_737 = arith.index_cast %get3A_736 : i32 to index
    %get3A_738 = arith.constant 48 : index
    %get3A_739 = tpu.vector_load %arg15[%get3A_737, %get3A_738] {strides = array<i32>} : memref<16x64xf32, #tpu.memory_space<vmem>>, vector<16xf32>,
    %bitcast3A_740 = vector.bitcast %get3A_735 : vector<16xf32> to vector<32xbf16>
    %bitcast3A_741 = vector.bitcast %get3A_739 : vector<16xf32> to vector<32xbf16>
    %mul3A_742 = arith.mulf %bitcast3A_740, %bitcast3A_741 : vector<32xbf16>
    %bitcast3A_743 = vector.bitcast %mul3A_742 : vector<32xbf16> to vector<16xi32>
    %shift_left3A_744 = arith.constant 16 : i32
    %shift_left3A_745 = vector.broadcast %shift_left3A_744 : i32 to vector<16xi32>
    %shift_left3A_746 = arith.shli %bitcast3A_743, %shift_left3A_745 : vector<16xi32>
    %bitcast3A_747 = vector.bitcast %shift_left3A_746 : vector<16xi32> to vector<16xf32>
    %and3A_748 = arith.constant -65536 : i32
    %and3A_749 = vector.broadcast %and3A_748 : i32 to vector<16xi32>
    %and3A_750 = arith.andi %bitcast3A_743, %and3A_749 : vector<16xi32>
    %bitcast3A_751 = vector.bitcast %and3A_750 : vector<16xi32> to vector<16xf32>
    %add3A_752 = arith.addf %bitcast3A_747, %bitcast3A_751 : vector<16xf32>
    %add3A_753 = arith.addf %add3A_731, %add3A_752 : vector<16xf32>
    %swap3A_754 = arith.constant 112 : index
    %swap3A_755 = tpu.vector_load %arg16[%swap3A_754] {strides = array<i32>} : memref<2048xf32, #tpu.memory_space<vmem>>, vector<16xf32>,
    tpu.vector_store %arg16[%swap3A_754], %add3A_753 {strides = array<i32>} : memref<2048xf32, #tpu.memory_space<vmem>>, vector<16xf32>,
    %get3A_756 = arith.constant 8 : i32
    %get3A_757 = arith.index_cast %get3A_756 : i32 to index
    %get3A_758 = arith.constant 0 : index
    %get3A_759 = tpu.vector_load %arg14[%get3A_757, %get3A_758] {strides = array<i32>} : memref<16x64xf32, #tpu.memory_space<vmem>>, vector<16xf32>,
    %get3A_760 = arith.constant 8 : i32
    %get3A_761 = arith.index_cast %get3A_760 : i32 to index
    %get3A_762 = arith.constant 0 : index
    %get3A_763 = tpu.vector_load %arg15[%get3A_761, %get3A_762] {strides = array<i32>} : memref<16x64xf32, #tpu.memory_space<vmem>>, vector<16xf32>,
    %bitcast3A_764 = vector.bitcast %get3A_759 : vector<16xf32> to vector<32xbf16>
    %bitcast3A_765 = vector.bitcast %get3A_763 : vector<16xf32> to vector<32xbf16>
    %mul3A_766 = arith.mulf %bitcast3A_764, %bitcast3A_765 : vector<32xbf16>
    %bitcast3A_767 = vector.bitcast %mul3A_766 : vector<32xbf16> to vector<16xi32>
    %shift_left3A_768 = arith.constant 16 : i32
    %shift_left3A_769 = vector.broadcast %shift_left3A_768 : i32 to vector<16xi32>
    %shift_left3A_770 = arith.shli %bitcast3A_767, %shift_left3A_769 : vector<16xi32>
    %bitcast3A_771 = vector.bitcast %shift_left3A_770 : vector<16xi32> to vector<16xf32>
    %and3A_772 = arith.constant -65536 : i32
    %and3A_773 = vector.broadcast %and3A_772 : i32 to vector<16xi32>
    %and3A_774 = arith.andi %bitcast3A_767, %and3A_773 : vector<16xi32>
    %bitcast3A_775 = vector.bitcast %and3A_774 : vector<16xi32> to vector<16xf32>
    %add3A_776 = arith.addf %bitcast3A_771, %bitcast3A_775 : vector<16xf32>
    %get3A_777 = arith.constant 8 : i32
    %get3A_778 = arith.index_cast %get3A_777 : i32 to index
    %get3A_779 = arith.constant 16 : index
    %get3A_780 = tpu.vector_load %arg14[%get3A_778, %get3A_779] {strides = array<i32>} : memref<16x64xf32, #tpu.memory_space<vmem>>, vector<16xf32>,
    %get3A_781 = arith.constant 8 : i32
    %get3A_782 = arith.index_cast %get3A_781 : i32 to index
    %get3A_783 = arith.constant 16 : index
    %get3A_784 = tpu.vector_load %arg15[%get3A_782, %get3A_783] {strides = array<i32>} : memref<16x64xf32, #tpu.memory_space<vmem>>, vector<16xf32>,
    %bitcast3A_785 = vector.bitcast %get3A_780 : vector<16xf32> to vector<32xbf16>
    %bitcast3A_786 = vector.bitcast %get3A_784 : vector<16xf32> to vector<32xbf16>
    %mul3A_787 = arith.mulf %bitcast3A_785, %bitcast3A_786 : vector<32xbf16>
    %bitcast3A_788 = vector.bitcast %mul3A_787 : vector<32xbf16> to vector<16xi32>
    %shift_left3A_789 = arith.constant 16 : i32
    %shift_left3A_790 = vector.broadcast %shift_left3A_789 : i32 to vector<16xi32>
    %shift_left3A_791 = arith.shli %bitcast3A_788, %shift_left3A_790 : vector<16xi32>
    %bitcast3A_792 = vector.bitcast %shift_left3A_791 : vector<16xi32> to vector<16xf32>
    %and3A_793 = arith.constant -65536 : i32
    %and3A_794 = vector.broadcast %and3A_793 : i32 to vector<16xi32>
    %and3A_795 = arith.andi %bitcast3A_788, %and3A_794 : vector<16xi32>
    %bitcast3A_796 = vector.bitcast %and3A_795 : vector<16xi32> to vector<16xf32>
    %add3A_797 = arith.addf %bitcast3A_792, %bitcast3A_796 : vector<16xf32>
    %add3A_798 = arith.addf %add3A_776, %add3A_797 : vector<16xf32>
    %get3A_799 = arith.constant 8 : i32
    %get3A_800 = arith.index_cast %get3A_799 : i32 to index
    %get3A_801 = arith.constant 32 : index
    %get3A_802 = tpu.vector_load %arg14[%get3A_800, %get3A_801] {strides = array<i32>} : memref<16x64xf32, #tpu.memory_space<vmem>>, vector<16xf32>,
    %get3A_803 = arith.constant 8 : i32
    %get3A_804 = arith.index_cast %get3A_803 : i32 to index
    %get3A_805 = arith.constant 32 : index
    %get3A_806 = tpu.vector_load %arg15[%get3A_804, %get3A_805] {strides = array<i32>} : memref<16x64xf32, #tpu.memory_space<vmem>>, vector<16xf32>,
    %bitcast3A_807 = vector.bitcast %get3A_802 : vector<16xf32> to vector<32xbf16>
    %bitcast3A_808 = vector.bitcast %get3A_806 : vector<16xf32> to vector<32xbf16>
    %mul3A_809 = arith.mulf %bitcast3A_807, %bitcast3A_808 : vector<32xbf16>
    %bitcast3A_810 = vector.bitcast %mul3A_809 : vector<32xbf16> to vector<16xi32>
    %shift_left3A_811 = arith.constant 16 : i32
    %shift_left3A_812 = vector.broadcast %shift_left3A_811 : i32 to vector<16xi32>
    %shift_left3A_813 = arith.shli %bitcast3A_810, %shift_left3A_812 : vector<16xi32>
    %bitcast3A_814 = vector.bitcast %shift_left3A_813 : vector<16xi32> to vector<16xf32>
    %and3A_815 = arith.constant -65536 : i32
    %and3A_816 = vector.broadcast %and3A_815 : i32 to vector<16xi32>
    %and3A_817 = arith.andi %bitcast3A_810, %and3A_816 : vector<16xi32>
    %bitcast3A_818 = vector.bitcast %and3A_817 : vector<16xi32> to vector<16xf32>
    %add3A_819 = arith.addf %bitcast3A_814, %bitcast3A_818 : vector<16xf32>
    %add3A_820 = arith.addf %add3A_798, %add3A_819 : vector<16xf32>
    %get3A_821 = arith.constant 8 : i32
    %get3A_822 = arith.index_cast %get3A_821 : i32 to index
    %get3A_823 = arith.constant 48 : index
    %get3A_824 = tpu.vector_load %arg14[%get3A_822, %get3A_823] {strides = array<i32>} : memref<16x64xf32, #tpu.memory_space<vmem>>, vector<16xf32>,
    %get3A_825 = arith.constant 8 : i32
    %get3A_826 = arith.index_cast %get3A_825 : i32 to index
    %get3A_827 = arith.constant 48 : index
    %get3A_828 = tpu.vector_load %arg15[%get3A_826, %get3A_827] {strides = array<i32>} : memref<16x64xf32, #tpu.memory_space<vmem>>, vector<16xf32>,
    %bitcast3A_829 = vector.bitcast %get3A_824 : vector<16xf32> to vector<32xbf16>
    %bitcast3A_830 = vector.bitcast %get3A_828 : vector<16xf32> to vector<32xbf16>
    %mul3A_831 = arith.mulf %bitcast3A_829, %bitcast3A_830 : vector<32xbf16>
    %bitcast3A_832 = vector.bitcast %mul3A_831 : vector<32xbf16> to vector<16xi32>
    %shift_left3A_833 = arith.constant 16 : i32
    %shift_left3A_834 = vector.broadcast %shift_left3A_833 : i32 to vector<16xi32>
    %shift_left3A_835 = arith.shli %bitcast3A_832, %shift_left3A_834 : vector<16xi32>
    %bitcast3A_836 = vector.bitcast %shift_left3A_835 : vector<16xi32> to vector<16xf32>
    %and3A_837 = arith.constant -65536 : i32
    %and3A_838 = vector.broadcast %and3A_837 : i32 to vector<16xi32>
    %and3A_839 = arith.andi %bitcast3A_832, %and3A_838 : vector<16xi32>
    %bitcast3A_840 = vector.bitcast %and3A_839 : vector<16xi32> to vector<16xf32>
    %add3A_841 = arith.addf %bitcast3A_836, %bitcast3A_840 : vector<16xf32>
    %add3A_842 = arith.addf %add3A_820, %add3A_841 : vector<16xf32>
    %swap3A_843 = arith.constant 128 : index
    %swap3A_844 = tpu.vector_load %arg16[%swap3A_843] {strides = array<i32>} : memref<2048xf32, #tpu.memory_space<vmem>>, vector<16xf32>,
    tpu.vector_store %arg16[%swap3A_843], %add3A_842 {strides = array<i32>} : memref<2048xf32, #tpu.memory_space<vmem>>, vector<16xf32>,
    %get3A_845 = arith.constant 9 : i32
    %get3A_846 = arith.index_cast %get3A_845 : i32 to index
    %get3A_847 = arith.constant 0 : index
    %get3A_848 = tpu.vector_load %arg14[%get3A_846, %get3A_847] {strides = array<i32>} : memref<16x64xf32, #tpu.memory_space<vmem>>, vector<16xf32>,
    %get3A_849 = arith.constant 9 : i32
    %get3A_850 = arith.index_cast %get3A_849 : i32 to index
    %get3A_851 = arith.constant 0 : index
    %get3A_852 = tpu.vector_load %arg15[%get3A_850, %get3A_851] {strides = array<i32>} : memref<16x64xf32, #tpu.memory_space<vmem>>, vector<16xf32>,
    %bitcast3A_853 = vector.bitcast %get3A_848 : vector<16xf32> to vector<32xbf16>
    %bitcast3A_854 = vector.bitcast %get3A_852 : vector<16xf32> to vector<32xbf16>
    %mul3A_855 = arith.mulf %bitcast3A_853, %bitcast3A_854 : vector<32xbf16>
    %bitcast3A_856 = vector.bitcast %mul3A_855 : vector<32xbf16> to vector<16xi32>
    %shift_left3A_857 = arith.constant 16 : i32
    %shift_left3A_858 = vector.broadcast %shift_left3A_857 : i32 to vector<16xi32>
    %shift_left3A_859 = arith.shli %bitcast3A_856, %shift_left3A_858 : vector<16xi32>
    %bitcast3A_860 = vector.bitcast %shift_left3A_859 : vector<16xi32> to vector<16xf32>
    %and3A_861 = arith.constant -65536 : i32
    %and3A_862 = vector.broadcast %and3A_861 : i32 to vector<16xi32>
    %and3A_863 = arith.andi %bitcast3A_856, %and3A_862 : vector<16xi32>
    %bitcast3A_864 = vector.bitcast %and3A_863 : vector<16xi32> to vector<16xf32>
    %add3A_865 = arith.addf %bitcast3A_860, %bitcast3A_864 : vector<16xf32>
    %get3A_866 = arith.constant 9 : i32
    %get3A_867 = arith.index_cast %get3A_866 : i32 to index
    %get3A_868 = arith.constant 16 : index
    %get3A_869 = tpu.vector_load %arg14[%get3A_867, %get3A_868] {strides = array<i32>} : memref<16x64xf32, #tpu.memory_space<vmem>>, vector<16xf32>,
    %get3A_870 = arith.constant 9 : i32
    %get3A_871 = arith.index_cast %get3A_870 : i32 to index
    %get3A_872 = arith.constant 16 : index
    %get3A_873 = tpu.vector_load %arg15[%get3A_871, %get3A_872] {strides = array<i32>} : memref<16x64xf32, #tpu.memory_space<vmem>>, vector<16xf32>,
    %bitcast3A_874 = vector.bitcast %get3A_869 : vector<16xf32> to vector<32xbf16>
    %bitcast3A_875 = vector.bitcast %get3A_873 : vector<16xf32> to vector<32xbf16>
    %mul3A_876 = arith.mulf %bitcast3A_874, %bitcast3A_875 : vector<32xbf16>
    %bitcast3A_877 = vector.bitcast %mul3A_876 : vector<32xbf16> to vector<16xi32>
    %shift_left3A_878 = arith.constant 16 : i32
    %shift_left3A_879 = vector.broadcast %shift_left3A_878 : i32 to vector<16xi32>
    %shift_left3A_880 = arith.shli %bitcast3A_877, %shift_left3A_879 : vector<16xi32>
    %bitcast3A_881 = vector.bitcast %shift_left3A_880 : vector<16xi32> to vector<16xf32>
    %and3A_882 = arith.constant -65536 : i32
    %and3A_883 = vector.broadcast %and3A_882 : i32 to vector<16xi32>
    %and3A_884 = arith.andi %bitcast3A_877, %and3A_883 : vector<16xi32>
    %bitcast3A_885 = vector.bitcast %and3A_884 : vector<16xi32> to vector<16xf32>
    %add3A_886 = arith.addf %bitcast3A_881, %bitcast3A_885 : vector<16xf32>
    %add3A_887 = arith.addf %add3A_865, %add3A_886 : vector<16xf32>
    %get3A_888 = arith.constant 9 : i32
    %get3A_889 = arith.index_cast %get3A_888 : i32 to index
    %get3A_890 = arith.constant 32 : index
    %get3A_891 = tpu.vector_load %arg14[%get3A_889, %get3A_890] {strides = array<i32>} : memref<16x64xf32, #tpu.memory_space<vmem>>, vector<16xf32>,
    %get3A_892 = arith.constant 9 : i32
    %get3A_893 = arith.index_cast %get3A_892 : i32 to index
    %get3A_894 = arith.constant 32 : index
    %get3A_895 = tpu.vector_load %arg15[%get3A_893, %get3A_894] {strides = array<i32>} : memref<16x64xf32, #tpu.memory_space<vmem>>, vector<16xf32>,
    %bitcast3A_896 = vector.bitcast %get3A_891 : vector<16xf32> to vector<32xbf16>
    %bitcast3A_897 = vector.bitcast %get3A_895 : vector<16xf32> to vector<32xbf16>
    %mul3A_898 = arith.mulf %bitcast3A_896, %bitcast3A_897 : vector<32xbf16>
    %bitcast3A_899 = vector.bitcast %mul3A_898 : vector<32xbf16> to vector<16xi32>
    %shift_left3A_900 = arith.constant 16 : i32
    %shift_left3A_901 = vector.broadcast %shift_left3A_900 : i32 to vector<16xi32>
    %shift_left3A_902 = arith.shli %bitcast3A_899, %shift_left3A_901 : vector<16xi32>
    %bitcast3A_903 = vector.bitcast %shift_left3A_902 : vector<16xi32> to vector<16xf32>
    %and3A_904 = arith.constant -65536 : i32
    %and3A_905 = vector.broadcast %and3A_904 : i32 to vector<16xi32>
    %and3A_906 = arith.andi %bitcast3A_899, %and3A_905 : vector<16xi32>
    %bitcast3A_907 = vector.bitcast %and3A_906 : vector<16xi32> to vector<16xf32>
    %add3A_908 = arith.addf %bitcast3A_903, %bitcast3A_907 : vector<16xf32>
    %add3A_909 = arith.addf %add3A_887, %add3A_908 : vector<16xf32>
    %get3A_910 = arith.constant 9 : i32
    %get3A_911 = arith.index_cast %get3A_910 : i32 to index
    %get3A_912 = arith.constant 48 : index
    %get3A_913 = tpu.vector_load %arg14[%get3A_911, %get3A_912] {strides = array<i32>} : memref<16x64xf32, #tpu.memory_space<vmem>>, vector<16xf32>,
    %get3A_914 = arith.constant 9 : i32
    %get3A_915 = arith.index_cast %get3A_914 : i32 to index
    %get3A_916 = arith.constant 48 : index
    %get3A_917 = tpu.vector_load %arg15[%get3A_915, %get3A_916] {strides = array<i32>} : memref<16x64xf32, #tpu.memory_space<vmem>>, vector<16xf32>,
    %bitcast3A_918 = vector.bitcast %get3A_913 : vector<16xf32> to vector<32xbf16>
    %bitcast3A_919 = vector.bitcast %get3A_917 : vector<16xf32> to vector<32xbf16>
    %mul3A_920 = arith.mulf %bitcast3A_918, %bitcast3A_919 : vector<32xbf16>
    %bitcast3A_921 = vector.bitcast %mul3A_920 : vector<32xbf16> to vector<16xi32>
    %shift_left3A_922 = arith.constant 16 : i32
    %shift_left3A_923 = vector.broadcast %shift_left3A_922 : i32 to vector<16xi32>
    %shift_left3A_924 = arith.shli %bitcast3A_921, %shift_left3A_923 : vector<16xi32>
    %bitcast3A_925 = vector.bitcast %shift_left3A_924 : vector<16xi32> to vector<16xf32>
    %and3A_926 = arith.constant -65536 : i32
    %and3A_927 = vector.broadcast %and3A_926 : i32 to vector<16xi32>
    %and3A_928 = arith.andi %bitcast3A_921, %and3A_927 : vector<16xi32>
    %bitcast3A_929 = vector.bitcast %and3A_928 : vector<16xi32> to vector<16xf32>
    %add3A_930 = arith.addf %bitcast3A_925, %bitcast3A_929 : vector<16xf32>
    %add3A_931 = arith.addf %add3A_909, %add3A_930 : vector<16xf32>
    %swap3A_932 = arith.constant 144 : index
    %swap3A_933 = tpu.vector_load %arg16[%swap3A_932] {strides = array<i32>} : memref<2048xf32, #tpu.memory_space<vmem>>, vector<16xf32>,
    tpu.vector_store %arg16[%swap3A_932], %add3A_931 {strides = array<i32>} : memref<2048xf32, #tpu.memory_space<vmem>>, vector<16xf32>,
    %get3A_934 = arith.constant 10 : i32
    %get3A_935 = arith.index_cast %get3A_934 : i32 to index
    %get3A_936 = arith.constant 0 : index
    %get3A_937 = tpu.vector_load %arg14[%get3A_935, %get3A_936] {strides = array<i32>} : memref<16x64xf32, #tpu.memory_space<vmem>>, vector<16xf32>,
    %get3A_938 = arith.constant 10 : i32
    %get3A_939 = arith.index_cast %get3A_938 : i32 to index
    %get3A_940 = arith.constant 0 : index
    %get3A_941 = tpu.vector_load %arg15[%get3A_939, %get3A_940] {strides = array<i32>} : memref<16x64xf32, #tpu.memory_space<vmem>>, vector<16xf32>,
    %bitcast3A_942 = vector.bitcast %get3A_937 : vector<16xf32> to vector<32xbf16>
    %bitcast3A_943 = vector.bitcast %get3A_941 : vector<16xf32> to vector<32xbf16>
    %mul3A_944 = arith.mulf %bitcast3A_942, %bitcast3A_943 : vector<32xbf16>
    %bitcast3A_945 = vector.bitcast %mul3A_944 : vector<32xbf16> to vector<16xi32>
    %shift_left3A_946 = arith.constant 16 : i32
    %shift_left3A_947 = vector.broadcast %shift_left3A_946 : i32 to vector<16xi32>
    %shift_left3A_948 = arith.shli %bitcast3A_945, %shift_left3A_947 : vector<16xi32>
    %bitcast3A_949 = vector.bitcast %shift_left3A_948 : vector<16xi32> to vector<16xf32>
    %and3A_950 = arith.constant -65536 : i32
    %and3A_951 = vector.broadcast %and3A_950 : i32 to vector<16xi32>
    %and3A_952 = arith.andi %bitcast3A_945, %and3A_951 : vector<16xi32>
    %bitcast3A_953 = vector.bitcast %and3A_952 : vector<16xi32> to vector<16xf32>
    %add3A_954 = arith.addf %bitcast3A_949, %bitcast3A_953 : vector<16xf32>
    %get3A_955 = arith.constant 10 : i32
    %get3A_956 = arith.index_cast %get3A_955 : i32 to index
    %get3A_957 = arith.constant 16 : index
    %get3A_958 = tpu.vector_load %arg14[%get3A_956, %get3A_957] {strides = array<i32>} : memref<16x64xf32, #tpu.memory_space<vmem>>, vector<16xf32>,
    %get3A_959 = arith.constant 10 : i32
    %get3A_960 = arith.index_cast %get3A_959 : i32 to index
    %get3A_961 = arith.constant 16 : index
    %get3A_962 = tpu.vector_load %arg15[%get3A_960, %get3A_961] {strides = array<i32>} : memref<16x64xf32, #tpu.memory_space<vmem>>, vector<16xf32>,
    %bitcast3A_963 = vector.bitcast %get3A_958 : vector<16xf32> to vector<32xbf16>
    %bitcast3A_964 = vector.bitcast %get3A_962 : vector<16xf32> to vector<32xbf16>
    %mul3A_965 = arith.mulf %bitcast3A_963, %bitcast3A_964 : vector<32xbf16>
    %bitcast3A_966 = vector.bitcast %mul3A_965 : vector<32xbf16> to vector<16xi32>
    %shift_left3A_967 = arith.constant 16 : i32
    %shift_left3A_968 = vector.broadcast %shift_left3A_967 : i32 to vector<16xi32>
    %shift_left3A_969 = arith.shli %bitcast3A_966, %shift_left3A_968 : vector<16xi32>
    %bitcast3A_970 = vector.bitcast %shift_left3A_969 : vector<16xi32> to vector<16xf32>
    %and3A_971 = arith.constant -65536 : i32
    %and3A_972 = vector.broadcast %and3A_971 : i32 to vector<16xi32>
    %and3A_973 = arith.andi %bitcast3A_966, %and3A_972 : vector<16xi32>
    %bitcast3A_974 = vector.bitcast %and3A_973 : vector<16xi32> to vector<16xf32>
    %add3A_975 = arith.addf %bitcast3A_970, %bitcast3A_974 : vector<16xf32>
    %add3A_976 = arith.addf %add3A_954, %add3A_975 : vector<16xf32>
    %get3A_977 = arith.constant 10 : i32
    %get3A_978 = arith.index_cast %get3A_977 : i32 to index
    %get3A_979 = arith.constant 32 : index
    %get3A_980 = tpu.vector_load %arg14[%get3A_978, %get3A_979] {strides = array<i32>} : memref<16x64xf32, #tpu.memory_space<vmem>>, vector<16xf32>,
    %get3A_981 = arith.constant 10 : i32
    %get3A_982 = arith.index_cast %get3A_981 : i32 to index
    %get3A_983 = arith.constant 32 : index
    %get3A_984 = tpu.vector_load %arg15[%get3A_982, %get3A_983] {strides = array<i32>} : memref<16x64xf32, #tpu.memory_space<vmem>>, vector<16xf32>,
    %bitcast3A_985 = vector.bitcast %get3A_980 : vector<16xf32> to vector<32xbf16>
    %bitcast3A_986 = vector.bitcast %get3A_984 : vector<16xf32> to vector<32xbf16>
    %mul3A_987 = arith.mulf %bitcast3A_985, %bitcast3A_986 : vector<32xbf16>
    %bitcast3A_988 = vector.bitcast %mul3A_987 : vector<32xbf16> to vector<16xi32>
    %shift_left3A_989 = arith.constant 16 : i32
    %shift_left3A_990 = vector.broadcast %shift_left3A_989 : i32 to vector<16xi32>
    %shift_left3A_991 = arith.shli %bitcast3A_988, %shift_left3A_990 : vector<16xi32>
    %bitcast3A_992 = vector.bitcast %shift_left3A_991 : vector<16xi32> to vector<16xf32>
    %and3A_993 = arith.constant -65536 : i32
    %and3A_994 = vector.broadcast %and3A_993 : i32 to vector<16xi32>
    %and3A_995 = arith.andi %bitcast3A_988, %and3A_994 : vector<16xi32>
    %bitcast3A_996 = vector.bitcast %and3A_995 : vector<16xi32> to vector<16xf32>
    %add3A_997 = arith.addf %bitcast3A_992, %bitcast3A_996 : vector<16xf32>
    %add3A_998 = arith.addf %add3A_976, %add3A_997 : vector<16xf32>
    %get3A_999 = arith.constant 10 : i32
    %get3A_1000 = arith.index_cast %get3A_999 : i32 to index
    %get3A_1001 = arith.constant 48 : index
    %get3A_1002 = tpu.vector_load %arg14[%get3A_1000, %get3A_1001] {strides = array<i32>} : memref<16x64xf32, #tpu.memory_space<vmem>>, vector<16xf32>,
    %get3A_1003 = arith.constant 10 : i32
    %get3A_1004 = arith.index_cast %get3A_1003 : i32 to index
    %get3A_1005 = arith.constant 48 : index
    %get3A_1006 = tpu.vector_load %arg15[%get3A_1004, %get3A_1005] {strides = array<i32>} : memref<16x64xf32, #tpu.memory_space<vmem>>, vector<16xf32>,
    %bitcast3A_1007 = vector.bitcast %get3A_1002 : vector<16xf32> to vector<32xbf16>
    %bitcast3A_1008 = vector.bitcast %get3A_1006 : vector<16xf32> to vector<32xbf16>
    %mul3A_1009 = arith.mulf %bitcast3A_1007, %bitcast3A_1008 : vector<32xbf16>
    %bitcast3A_1010 = vector.bitcast %mul3A_1009 : vector<32xbf16> to vector<16xi32>
    %shift_left3A_1011 = arith.constant 16 : i32
    %shift_left3A_1012 = vector.broadcast %shift_left3A_1011 : i32 to vector<16xi32>
    %shift_left3A_1013 = arith.shli %bitcast3A_1010, %shift_left3A_1012 : vector<16xi32>
    %bitcast3A_1014 = vector.bitcast %shift_left3A_1013 : vector<16xi32> to vector<16xf32>
    %and3A_1015 = arith.constant -65536 : i32
    %and3A_1016 = vector.broadcast %and3A_1015 : i32 to vector<16xi32>
    %and3A_1017 = arith.andi %bitcast3A_1010, %and3A_1016 : vector<16xi32>
    %bitcast3A_1018 = vector.bitcast %and3A_1017 : vector<16xi32> to vector<16xf32>
    %add3A_1019 = arith.addf %bitcast3A_1014, %bitcast3A_1018 : vector<16xf32>
    %add3A_1020 = arith.addf %add3A_998, %add3A_1019 : vector<16xf32>
    %swap3A_1021 = arith.constant 160 : index
    %swap3A_1022 = tpu.vector_load %arg16[%swap3A_1021] {strides = array<i32>} : memref<2048xf32, #tpu.memory_space<vmem>>, vector<16xf32>,
    tpu.vector_store %arg16[%swap3A_1021], %add3A_1020 {strides = array<i32>} : memref<2048xf32, #tpu.memory_space<vmem>>, vector<16xf32>,
    %get3A_1023 = arith.constant 11 : i32
    %get3A_1024 = arith.index_cast %get3A_1023 : i32 to index
    %get3A_1025 = arith.constant 0 : index
    %get3A_1026 = tpu.vector_load %arg14[%get3A_1024, %get3A_1025] {strides = array<i32>} : memref<16x64xf32, #tpu.memory_space<vmem>>, vector<16xf32>,
    %get3A_1027 = arith.constant 11 : i32
    %get3A_1028 = arith.index_cast %get3A_1027 : i32 to index
    %get3A_1029 = arith.constant 0 : index
    %get3A_1030 = tpu.vector_load %arg15[%get3A_1028, %get3A_1029] {strides = array<i32>} : memref<16x64xf32, #tpu.memory_space<vmem>>, vector<16xf32>,
    %bitcast3A_1031 = vector.bitcast %get3A_1026 : vector<16xf32> to vector<32xbf16>
    %bitcast3A_1032 = vector.bitcast %get3A_1030 : vector<16xf32> to vector<32xbf16>
    %mul3A_1033 = arith.mulf %bitcast3A_1031, %bitcast3A_1032 : vector<32xbf16>
    %bitcast3A_1034 = vector.bitcast %mul3A_1033 : vector<32xbf16> to vector<16xi32>
    %shift_left3A_1035 = arith.constant 16 : i32
    %shift_left3A_1036 = vector.broadcast %shift_left3A_1035 : i32 to vector<16xi32>
    %shift_left3A_1037 = arith.shli %bitcast3A_1034, %shift_left3A_1036 : vector<16xi32>
    %bitcast3A_1038 = vector.bitcast %shift_left3A_1037 : vector<16xi32> to vector<16xf32>
    %and3A_1039 = arith.constant -65536 : i32
    %and3A_1040 = vector.broadcast %and3A_1039 : i32 to vector<16xi32>
    %and3A_1041 = arith.andi %bitcast3A_1034, %and3A_1040 : vector<16xi32>
    %bitcast3A_1042 = vector.bitcast %and3A_1041 : vector<16xi32> to vector<16xf32>
    %add3A_1043 = arith.addf %bitcast3A_1038, %bitcast3A_1042 : vector<16xf32>
    %get3A_1044 = arith.constant 11 : i32
    %get3A_1045 = arith.index_cast %get3A_1044 : i32 to index
    %get3A_1046 = arith.constant 16 : index
    %get3A_1047 = tpu.vector_load %arg14[%get3A_1045, %get3A_1046] {strides = array<i32>} : memref<16x64xf32, #tpu.memory_space<vmem>>, vector<16xf32>,
    %get3A_1048 = arith.constant 11 : i32
    %get3A_1049 = arith.index_cast %get3A_1048 : i32 to index
    %get3A_1050 = arith.constant 16 : index
    %get3A_1051 = tpu.vector_load %arg15[%get3A_1049, %get3A_1050] {strides = array<i32>} : memref<16x64xf32, #tpu.memory_space<vmem>>, vector<16xf32>,
    %bitcast3A_1052 = vector.bitcast %get3A_1047 : vector<16xf32> to vector<32xbf16>
    %bitcast3A_1053 = vector.bitcast %get3A_1051 : vector<16xf32> to vector<32xbf16>
    %mul3A_1054 = arith.mulf %bitcast3A_1052, %bitcast3A_1053 : vector<32xbf16>
    %bitcast3A_1055 = vector.bitcast %mul3A_1054 : vector<32xbf16> to vector<16xi32>
    %shift_left3A_1056 = arith.constant 16 : i32
    %shift_left3A_1057 = vector.broadcast %shift_left3A_1056 : i32 to vector<16xi32>
    %shift_left3A_1058 = arith.shli %bitcast3A_1055, %shift_left3A_1057 : vector<16xi32>
    %bitcast3A_1059 = vector.bitcast %shift_left3A_1058 : vector<16xi32> to vector<16xf32>
    %and3A_1060 = arith.constant -65536 : i32
    %and3A_1061 = vector.broadcast %and3A_1060 : i32 to vector<16xi32>
    %and3A_1062 = arith.andi %bitcast3A_1055, %and3A_1061 : vector<16xi32>
    %bitcast3A_1063 = vector.bitcast %and3A_1062 : vector<16xi32> to vector<16xf32>
    %add3A_1064 = arith.addf %bitcast3A_1059, %bitcast3A_1063 : vector<16xf32>
    %add3A_1065 = arith.addf %add3A_1043, %add3A_1064 : vector<16xf32>
    %get3A_1066 = arith.constant 11 : i32
    %get3A_1067 = arith.index_cast %get3A_1066 : i32 to index
    %get3A_1068 = arith.constant 32 : index
    %get3A_1069 = tpu.vector_load %arg14[%get3A_1067, %get3A_1068] {strides = array<i32>} : memref<16x64xf32, #tpu.memory_space<vmem>>, vector<16xf32>,
    %get3A_1070 = arith.constant 11 : i32
    %get3A_1071 = arith.index_cast %get3A_1070 : i32 to index
    %get3A_1072 = arith.constant 32 : index
    %get3A_1073 = tpu.vector_load %arg15[%get3A_1071, %get3A_1072] {strides = array<i32>} : memref<16x64xf32, #tpu.memory_space<vmem>>, vector<16xf32>,
    %bitcast3A_1074 = vector.bitcast %get3A_1069 : vector<16xf32> to vector<32xbf16>
    %bitcast3A_1075 = vector.bitcast %get3A_1073 : vector<16xf32> to vector<32xbf16>
    %mul3A_1076 = arith.mulf %bitcast3A_1074, %bitcast3A_1075 : vector<32xbf16>
    %bitcast3A_1077 = vector.bitcast %mul3A_1076 : vector<32xbf16> to vector<16xi32>
    %shift_left3A_1078 = arith.constant 16 : i32
    %shift_left3A_1079 = vector.broadcast %shift_left3A_1078 : i32 to vector<16xi32>
    %shift_left3A_1080 = arith.shli %bitcast3A_1077, %shift_left3A_1079 : vector<16xi32>
    %bitcast3A_1081 = vector.bitcast %shift_left3A_1080 : vector<16xi32> to vector<16xf32>
    %and3A_1082 = arith.constant -65536 : i32
    %and3A_1083 = vector.broadcast %and3A_1082 : i32 to vector<16xi32>
    %and3A_1084 = arith.andi %bitcast3A_1077, %and3A_1083 : vector<16xi32>
    %bitcast3A_1085 = vector.bitcast %and3A_1084 : vector<16xi32> to vector<16xf32>
    %add3A_1086 = arith.addf %bitcast3A_1081, %bitcast3A_1085 : vector<16xf32>
    %add3A_1087 = arith.addf %add3A_1065, %add3A_1086 : vector<16xf32>
    %get3A_1088 = arith.constant 11 : i32
    %get3A_1089 = arith.index_cast %get3A_1088 : i32 to index
    %get3A_1090 = arith.constant 48 : index
    %get3A_1091 = tpu.vector_load %arg14[%get3A_1089, %get3A_1090] {strides = array<i32>} : memref<16x64xf32, #tpu.memory_space<vmem>>, vector<16xf32>,
    %get3A_1092 = arith.constant 11 : i32
    %get3A_1093 = arith.index_cast %get3A_1092 : i32 to index
    %get3A_1094 = arith.constant 48 : index
    %get3A_1095 = tpu.vector_load %arg15[%get3A_1093, %get3A_1094] {strides = array<i32>} : memref<16x64xf32, #tpu.memory_space<vmem>>, vector<16xf32>,
    %bitcast3A_1096 = vector.bitcast %get3A_1091 : vector<16xf32> to vector<32xbf16>
    %bitcast3A_1097 = vector.bitcast %get3A_1095 : vector<16xf32> to vector<32xbf16>
    %mul3A_1098 = arith.mulf %bitcast3A_1096, %bitcast3A_1097 : vector<32xbf16>
    %bitcast3A_1099 = vector.bitcast %mul3A_1098 : vector<32xbf16> to vector<16xi32>
    %shift_left3A_1100 = arith.constant 16 : i32
    %shift_left3A_1101 = vector.broadcast %shift_left3A_1100 : i32 to vector<16xi32>
    %shift_left3A_1102 = arith.shli %bitcast3A_1099, %shift_left3A_1101 : vector<16xi32>
    %bitcast3A_1103 = vector.bitcast %shift_left3A_1102 : vector<16xi32> to vector<16xf32>
    %and3A_1104 = arith.constant -65536 : i32
    %and3A_1105 = vector.broadcast %and3A_1104 : i32 to vector<16xi32>
    %and3A_1106 = arith.andi %bitcast3A_1099, %and3A_1105 : vector<16xi32>
    %bitcast3A_1107 = vector.bitcast %and3A_1106 : vector<16xi32> to vector<16xf32>
    %add3A_1108 = arith.addf %bitcast3A_1103, %bitcast3A_1107 : vector<16xf32>
    %add3A_1109 = arith.addf %add3A_1087, %add3A_1108 : vector<16xf32>
    %swap3A_1110 = arith.constant 176 : index
    %swap3A_1111 = tpu.vector_load %arg16[%swap3A_1110] {strides = array<i32>} : memref<2048xf32, #tpu.memory_space<vmem>>, vector<16xf32>,
    tpu.vector_store %arg16[%swap3A_1110], %add3A_1109 {strides = array<i32>} : memref<2048xf32, #tpu.memory_space<vmem>>, vector<16xf32>,
    %get3A_1112 = arith.constant 12 : i32
    %get3A_1113 = arith.index_cast %get3A_1112 : i32 to index
    %get3A_1114 = arith.constant 0 : index
    %get3A_1115 = tpu.vector_load %arg14[%get3A_1113, %get3A_1114] {strides = array<i32>} : memref<16x64xf32, #tpu.memory_space<vmem>>, vector<16xf32>,
    %get3A_1116 = arith.constant 12 : i32
    %get3A_1117 = arith.index_cast %get3A_1116 : i32 to index
    %get3A_1118 = arith.constant 0 : index
    %get3A_1119 = tpu.vector_load %arg15[%get3A_1117, %get3A_1118] {strides = array<i32>} : memref<16x64xf32, #tpu.memory_space<vmem>>, vector<16xf32>,
    %bitcast3A_1120 = vector.bitcast %get3A_1115 : vector<16xf32> to vector<32xbf16>
    %bitcast3A_1121 = vector.bitcast %get3A_1119 : vector<16xf32> to vector<32xbf16>
    %mul3A_1122 = arith.mulf %bitcast3A_1120, %bitcast3A_1121 : vector<32xbf16>
    %bitcast3A_1123 = vector.bitcast %mul3A_1122 : vector<32xbf16> to vector<16xi32>
    %shift_left3A_1124 = arith.constant 16 : i32
    %shift_left3A_1125 = vector.broadcast %shift_left3A_1124 : i32 to vector<16xi32>
    %shift_left3A_1126 = arith.shli %bitcast3A_1123, %shift_left3A_1125 : vector<16xi32>
    %bitcast3A_1127 = vector.bitcast %shift_left3A_1126 : vector<16xi32> to vector<16xf32>
    %and3A_1128 = arith.constant -65536 : i32
    %and3A_1129 = vector.broadcast %and3A_1128 : i32 to vector<16xi32>
    %and3A_1130 = arith.andi %bitcast3A_1123, %and3A_1129 : vector<16xi32>
    %bitcast3A_1131 = vector.bitcast %and3A_1130 : vector<16xi32> to vector<16xf32>
    %add3A_1132 = arith.addf %bitcast3A_1127, %bitcast3A_1131 : vector<16xf32>
    %get3A_1133 = arith.constant 12 : i32
    %get3A_1134 = arith.index_cast %get3A_1133 : i32 to index
    %get3A_1135 = arith.constant 16 : index
    %get3A_1136 = tpu.vector_load %arg14[%get3A_1134, %get3A_1135] {strides = array<i32>} : memref<16x64xf32, #tpu.memory_space<vmem>>, vector<16xf32>,
    %get3A_1137 = arith.constant 12 : i32
    %get3A_1138 = arith.index_cast %get3A_1137 : i32 to index
    %get3A_1139 = arith.constant 16 : index
    %get3A_1140 = tpu.vector_load %arg15[%get3A_1138, %get3A_1139] {strides = array<i32>} : memref<16x64xf32, #tpu.memory_space<vmem>>, vector<16xf32>,
    %bitcast3A_1141 = vector.bitcast %get3A_1136 : vector<16xf32> to vector<32xbf16>
    %bitcast3A_1142 = vector.bitcast %get3A_1140 : vector<16xf32> to vector<32xbf16>
    %mul3A_1143 = arith.mulf %bitcast3A_1141, %bitcast3A_1142 : vector<32xbf16>
    %bitcast3A_1144 = vector.bitcast %mul3A_1143 : vector<32xbf16> to vector<16xi32>
    %shift_left3A_1145 = arith.constant 16 : i32
    %shift_left3A_1146 = vector.broadcast %shift_left3A_1145 : i32 to vector<16xi32>
    %shift_left3A_1147 = arith.shli %bitcast3A_1144, %shift_left3A_1146 : vector<16xi32>
    %bitcast3A_1148 = vector.bitcast %shift_left3A_1147 : vector<16xi32> to vector<16xf32>
    %and3A_1149 = arith.constant -65536 : i32
    %and3A_1150 = vector.broadcast %and3A_1149 : i32 to vector<16xi32>
    %and3A_1151 = arith.andi %bitcast3A_1144, %and3A_1150 : vector<16xi32>
    %bitcast3A_1152 = vector.bitcast %and3A_1151 : vector<16xi32> to vector<16xf32>
    %add3A_1153 = arith.addf %bitcast3A_1148, %bitcast3A_1152 : vector<16xf32>
    %add3A_1154 = arith.addf %add3A_1132, %add3A_1153 : vector<16xf32>
    %get3A_1155 = arith.constant 12 : i32
    %get3A_1156 = arith.index_cast %get3A_1155 : i32 to index
    %get3A_1157 = arith.constant 32 : index
    %get3A_1158 = tpu.vector_load %arg14[%get3A_1156, %get3A_1157] {strides = array<i32>} : memref<16x64xf32, #tpu.memory_space<vmem>>, vector<16xf32>,
    %get3A_1159 = arith.constant 12 : i32
    %get3A_1160 = arith.index_cast %get3A_1159 : i32 to index
    %get3A_1161 = arith.constant 32 : index
    %get3A_1162 = tpu.vector_load %arg15[%get3A_1160, %get3A_1161] {strides = array<i32>} : memref<16x64xf32, #tpu.memory_space<vmem>>, vector<16xf32>,
    %bitcast3A_1163 = vector.bitcast %get3A_1158 : vector<16xf32> to vector<32xbf16>
    %bitcast3A_1164 = vector.bitcast %get3A_1162 : vector<16xf32> to vector<32xbf16>
    %mul3A_1165 = arith.mulf %bitcast3A_1163, %bitcast3A_1164 : vector<32xbf16>
    %bitcast3A_1166 = vector.bitcast %mul3A_1165 : vector<32xbf16> to vector<16xi32>
    %shift_left3A_1167 = arith.constant 16 : i32
    %shift_left3A_1168 = vector.broadcast %shift_left3A_1167 : i32 to vector<16xi32>
    %shift_left3A_1169 = arith.shli %bitcast3A_1166, %shift_left3A_1168 : vector<16xi32>
    %bitcast3A_1170 = vector.bitcast %shift_left3A_1169 : vector<16xi32> to vector<16xf32>
    %and3A_1171 = arith.constant -65536 : i32
    %and3A_1172 = vector.broadcast %and3A_1171 : i32 to vector<16xi32>
    %and3A_1173 = arith.andi %bitcast3A_1166, %and3A_1172 : vector<16xi32>
    %bitcast3A_1174 = vector.bitcast %and3A_1173 : vector<16xi32> to vector<16xf32>
    %add3A_1175 = arith.addf %bitcast3A_1170, %bitcast3A_1174 : vector<16xf32>
    %add3A_1176 = arith.addf %add3A_1154, %add3A_1175 : vector<16xf32>
    %get3A_1177 = arith.constant 12 : i32
    %get3A_1178 = arith.index_cast %get3A_1177 : i32 to index
    %get3A_1179 = arith.constant 48 : index
    %get3A_1180 = tpu.vector_load %arg14[%get3A_1178, %get3A_1179] {strides = array<i32>} : memref<16x64xf32, #tpu.memory_space<vmem>>, vector<16xf32>,
    %get3A_1181 = arith.constant 12 : i32
    %get3A_1182 = arith.index_cast %get3A_1181 : i32 to index
    %get3A_1183 = arith.constant 48 : index
    %get3A_1184 = tpu.vector_load %arg15[%get3A_1182, %get3A_1183] {strides = array<i32>} : memref<16x64xf32, #tpu.memory_space<vmem>>, vector<16xf32>,
    %bitcast3A_1185 = vector.bitcast %get3A_1180 : vector<16xf32> to vector<32xbf16>
    %bitcast3A_1186 = vector.bitcast %get3A_1184 : vector<16xf32> to vector<32xbf16>
    %mul3A_1187 = arith.mulf %bitcast3A_1185, %bitcast3A_1186 : vector<32xbf16>
    %bitcast3A_1188 = vector.bitcast %mul3A_1187 : vector<32xbf16> to vector<16xi32>
    %shift_left3A_1189 = arith.constant 16 : i32
    %shift_left3A_1190 = vector.broadcast %shift_left3A_1189 : i32 to vector<16xi32>
    %shift_left3A_1191 = arith.shli %bitcast3A_1188, %shift_left3A_1190 : vector<16xi32>
    %bitcast3A_1192 = vector.bitcast %shift_left3A_1191 : vector<16xi32> to vector<16xf32>
    %and3A_1193 = arith.constant -65536 : i32
    %and3A_1194 = vector.broadcast %and3A_1193 : i32 to vector<16xi32>
    %and3A_1195 = arith.andi %bitcast3A_1188, %and3A_1194 : vector<16xi32>
    %bitcast3A_1196 = vector.bitcast %and3A_1195 : vector<16xi32> to vector<16xf32>
    %add3A_1197 = arith.addf %bitcast3A_1192, %bitcast3A_1196 : vector<16xf32>
    %add3A_1198 = arith.addf %add3A_1176, %add3A_1197 : vector<16xf32>
    %swap3A_1199 = arith.constant 192 : index
    %swap3A_1200 = tpu.vector_load %arg16[%swap3A_1199] {strides = array<i32>} : memref<2048xf32, #tpu.memory_space<vmem>>, vector<16xf32>,
    tpu.vector_store %arg16[%swap3A_1199], %add3A_1198 {strides = array<i32>} : memref<2048xf32, #tpu.memory_space<vmem>>, vector<16xf32>,
    %get3A_1201 = arith.constant 13 : i32
    %get3A_1202 = arith.index_cast %get3A_1201 : i32 to index
    %get3A_1203 = arith.constant 0 : index
    %get3A_1204 = tpu.vector_load %arg14[%get3A_1202, %get3A_1203] {strides = array<i32>} : memref<16x64xf32, #tpu.memory_space<vmem>>, vector<16xf32>,
    %get3A_1205 = arith.constant 13 : i32
    %get3A_1206 = arith.index_cast %get3A_1205 : i32 to index
    %get3A_1207 = arith.constant 0 : index
    %get3A_1208 = tpu.vector_load %arg15[%get3A_1206, %get3A_1207] {strides = array<i32>} : memref<16x64xf32, #tpu.memory_space<vmem>>, vector<16xf32>,
    %bitcast3A_1209 = vector.bitcast %get3A_1204 : vector<16xf32> to vector<32xbf16>
    %bitcast3A_1210 = vector.bitcast %get3A_1208 : vector<16xf32> to vector<32xbf16>
    %mul3A_1211 = arith.mulf %bitcast3A_1209, %bitcast3A_1210 : vector<32xbf16>
    %bitcast3A_1212 = vector.bitcast %mul3A_1211 : vector<32xbf16> to vector<16xi32>
    %shift_left3A_1213 = arith.constant 16 : i32
    %shift_left3A_1214 = vector.broadcast %shift_left3A_1213 : i32 to vector<16xi32>
    %shift_left3A_1215 = arith.shli %bitcast3A_1212, %shift_left3A_1214 : vector<16xi32>
    %bitcast3A_1216 = vector.bitcast %shift_left3A_1215 : vector<16xi32> to vector<16xf32>
    %and3A_1217 = arith.constant -65536 : i32
    %and3A_1218 = vector.broadcast %and3A_1217 : i32 to vector<16xi32>
    %and3A_1219 = arith.andi %bitcast3A_1212, %and3A_1218 : vector<16xi32>
    %bitcast3A_1220 = vector.bitcast %and3A_1219 : vector<16xi32> to vector<16xf32>
    %add3A_1221 = arith.addf %bitcast3A_1216, %bitcast3A_1220 : vector<16xf32>
    %get3A_1222 = arith.constant 13 : i32
    %get3A_1223 = arith.index_cast %get3A_1222 : i32 to index
    %get3A_1224 = arith.constant 16 : index
    %get3A_1225 = tpu.vector_load %arg14[%get3A_1223, %get3A_1224] {strides = array<i32>} : memref<16x64xf32, #tpu.memory_space<vmem>>, vector<16xf32>,
    %get3A_1226 = arith.constant 13 : i32
    %get3A_1227 = arith.index_cast %get3A_1226 : i32 to index
    %get3A_1228 = arith.constant 16 : index
    %get3A_1229 = tpu.vector_load %arg15[%get3A_1227, %get3A_1228] {strides = array<i32>} : memref<16x64xf32, #tpu.memory_space<vmem>>, vector<16xf32>,
    %bitcast3A_1230 = vector.bitcast %get3A_1225 : vector<16xf32> to vector<32xbf16>
    %bitcast3A_1231 = vector.bitcast %get3A_1229 : vector<16xf32> to vector<32xbf16>
    %mul3A_1232 = arith.mulf %bitcast3A_1230, %bitcast3A_1231 : vector<32xbf16>
    %bitcast3A_1233 = vector.bitcast %mul3A_1232 : vector<32xbf16> to vector<16xi32>
    %shift_left3A_1234 = arith.constant 16 : i32
    %shift_left3A_1235 = vector.broadcast %shift_left3A_1234 : i32 to vector<16xi32>
    %shift_left3A_1236 = arith.shli %bitcast3A_1233, %shift_left3A_1235 : vector<16xi32>
    %bitcast3A_1237 = vector.bitcast %shift_left3A_1236 : vector<16xi32> to vector<16xf32>
    %and3A_1238 = arith.constant -65536 : i32
    %and3A_1239 = vector.broadcast %and3A_1238 : i32 to vector<16xi32>
    %and3A_1240 = arith.andi %bitcast3A_1233, %and3A_1239 : vector<16xi32>
    %bitcast3A_1241 = vector.bitcast %and3A_1240 : vector<16xi32> to vector<16xf32>
    %add3A_1242 = arith.addf %bitcast3A_1237, %bitcast3A_1241 : vector<16xf32>
    %add3A_1243 = arith.addf %add3A_1221, %add3A_1242 : vector<16xf32>
    %get3A_1244 = arith.constant 13 : i32
    %get3A_1245 = arith.index_cast %get3A_1244 : i32 to index
    %get3A_1246 = arith.constant 32 : index
    %get3A_1247 = tpu.vector_load %arg14[%get3A_1245, %get3A_1246] {strides = array<i32>} : memref<16x64xf32, #tpu.memory_space<vmem>>, vector<16xf32>,
    %get3A_1248 = arith.constant 13 : i32
    %get3A_1249 = arith.index_cast %get3A_1248 : i32 to index
    %get3A_1250 = arith.constant 32 : index
    %get3A_1251 = tpu.vector_load %arg15[%get3A_1249, %get3A_1250] {strides = array<i32>} : memref<16x64xf32, #tpu.memory_space<vmem>>, vector<16xf32>,
    %bitcast3A_1252 = vector.bitcast %get3A_1247 : vector<16xf32> to vector<32xbf16>
    %bitcast3A_1253 = vector.bitcast %get3A_1251 : vector<16xf32> to vector<32xbf16>
    %mul3A_1254 = arith.mulf %bitcast3A_1252, %bitcast3A_1253 : vector<32xbf16>
    %bitcast3A_1255 = vector.bitcast %mul3A_1254 : vector<32xbf16> to vector<16xi32>
    %shift_left3A_1256 = arith.constant 16 : i32
    %shift_left3A_1257 = vector.broadcast %shift_left3A_1256 : i32 to vector<16xi32>
    %shift_left3A_1258 = arith.shli %bitcast3A_1255, %shift_left3A_1257 : vector<16xi32>
    %bitcast3A_1259 = vector.bitcast %shift_left3A_1258 : vector<16xi32> to vector<16xf32>
    %and3A_1260 = arith.constant -65536 : i32
    %and3A_1261 = vector.broadcast %and3A_1260 : i32 to vector<16xi32>
    %and3A_1262 = arith.andi %bitcast3A_1255, %and3A_1261 : vector<16xi32>
    %bitcast3A_1263 = vector.bitcast %and3A_1262 : vector<16xi32> to vector<16xf32>
    %add3A_1264 = arith.addf %bitcast3A_1259, %bitcast3A_1263 : vector<16xf32>
    %add3A_1265 = arith.addf %add3A_1243, %add3A_1264 : vector<16xf32>
    %get3A_1266 = arith.constant 13 : i32
    %get3A_1267 = arith.index_cast %get3A_1266 : i32 to index
    %get3A_1268 = arith.constant 48 : index
    %get3A_1269 = tpu.vector_load %arg14[%get3A_1267, %get3A_1268] {strides = array<i32>} : memref<16x64xf32, #tpu.memory_space<vmem>>, vector<16xf32>,
    %get3A_1270 = arith.constant 13 : i32
    %get3A_1271 = arith.index_cast %get3A_1270 : i32 to index
    %get3A_1272 = arith.constant 48 : index
    %get3A_1273 = tpu.vector_load %arg15[%get3A_1271, %get3A_1272] {strides = array<i32>} : memref<16x64xf32, #tpu.memory_space<vmem>>, vector<16xf32>,
    %bitcast3A_1274 = vector.bitcast %get3A_1269 : vector<16xf32> to vector<32xbf16>
    %bitcast3A_1275 = vector.bitcast %get3A_1273 : vector<16xf32> to vector<32xbf16>
    %mul3A_1276 = arith.mulf %bitcast3A_1274, %bitcast3A_1275 : vector<32xbf16>
    %bitcast3A_1277 = vector.bitcast %mul3A_1276 : vector<32xbf16> to vector<16xi32>
    %shift_left3A_1278 = arith.constant 16 : i32
    %shift_left3A_1279 = vector.broadcast %shift_left3A_1278 : i32 to vector<16xi32>
    %shift_left3A_1280 = arith.shli %bitcast3A_1277, %shift_left3A_1279 : vector<16xi32>
    %bitcast3A_1281 = vector.bitcast %shift_left3A_1280 : vector<16xi32> to vector<16xf32>
    %and3A_1282 = arith.constant -65536 : i32
    %and3A_1283 = vector.broadcast %and3A_1282 : i32 to vector<16xi32>
    %and3A_1284 = arith.andi %bitcast3A_1277, %and3A_1283 : vector<16xi32>
    %bitcast3A_1285 = vector.bitcast %and3A_1284 : vector<16xi32> to vector<16xf32>
    %add3A_1286 = arith.addf %bitcast3A_1281, %bitcast3A_1285 : vector<16xf32>
    %add3A_1287 = arith.addf %add3A_1265, %add3A_1286 : vector<16xf32>
    %swap3A_1288 = arith.constant 208 : index
    %swap3A_1289 = tpu.vector_load %arg16[%swap3A_1288] {strides = array<i32>} : memref<2048xf32, #tpu.memory_space<vmem>>, vector<16xf32>,
    tpu.vector_store %arg16[%swap3A_1288], %add3A_1287 {strides = array<i32>} : memref<2048xf32, #tpu.memory_space<vmem>>, vector<16xf32>,
    %get3A_1290 = arith.constant 14 : i32
    %get3A_1291 = arith.index_cast %get3A_1290 : i32 to index
    %get3A_1292 = arith.constant 0 : index
    %get3A_1293 = tpu.vector_load %arg14[%get3A_1291, %get3A_1292] {strides = array<i32>} : memref<16x64xf32, #tpu.memory_space<vmem>>, vector<16xf32>,
    %get3A_1294 = arith.constant 14 : i32
    %get3A_1295 = arith.index_cast %get3A_1294 : i32 to index
    %get3A_1296 = arith.constant 0 : index
    %get3A_1297 = tpu.vector_load %arg15[%get3A_1295, %get3A_1296] {strides = array<i32>} : memref<16x64xf32, #tpu.memory_space<vmem>>, vector<16xf32>,
    %bitcast3A_1298 = vector.bitcast %get3A_1293 : vector<16xf32> to vector<32xbf16>
    %bitcast3A_1299 = vector.bitcast %get3A_1297 : vector<16xf32> to vector<32xbf16>
    %mul3A_1300 = arith.mulf %bitcast3A_1298, %bitcast3A_1299 : vector<32xbf16>
    %bitcast3A_1301 = vector.bitcast %mul3A_1300 : vector<32xbf16> to vector<16xi32>
    %shift_left3A_1302 = arith.constant 16 : i32
    %shift_left3A_1303 = vector.broadcast %shift_left3A_1302 : i32 to vector<16xi32>
    %shift_left3A_1304 = arith.shli %bitcast3A_1301, %shift_left3A_1303 : vector<16xi32>
    %bitcast3A_1305 = vector.bitcast %shift_left3A_1304 : vector<16xi32> to vector<16xf32>
    %and3A_1306 = arith.constant -65536 : i32
    %and3A_1307 = vector.broadcast %and3A_1306 : i32 to vector<16xi32>
    %and3A_1308 = arith.andi %bitcast3A_1301, %and3A_1307 : vector<16xi32>
    %bitcast3A_1309 = vector.bitcast %and3A_1308 : vector<16xi32> to vector<16xf32>
    %add3A_1310 = arith.addf %bitcast3A_1305, %bitcast3A_1309 : vector<16xf32>
    %get3A_1311 = arith.constant 14 : i32
    %get3A_1312 = arith.index_cast %get3A_1311 : i32 to index
    %get3A_1313 = arith.constant 16 : index
    %get3A_1314 = tpu.vector_load %arg14[%get3A_1312, %get3A_1313] {strides = array<i32>} : memref<16x64xf32, #tpu.memory_space<vmem>>, vector<16xf32>,
    %get3A_1315 = arith.constant 14 : i32
    %get3A_1316 = arith.index_cast %get3A_1315 : i32 to index
    %get3A_1317 = arith.constant 16 : index
    %get3A_1318 = tpu.vector_load %arg15[%get3A_1316, %get3A_1317] {strides = array<i32>} : memref<16x64xf32, #tpu.memory_space<vmem>>, vector<16xf32>,
    %bitcast3A_1319 = vector.bitcast %get3A_1314 : vector<16xf32> to vector<32xbf16>
    %bitcast3A_1320 = vector.bitcast %get3A_1318 : vector<16xf32> to vector<32xbf16>
    %mul3A_1321 = arith.mulf %bitcast3A_1319, %bitcast3A_1320 : vector<32xbf16>
    %bitcast3A_1322 = vector.bitcast %mul3A_1321 : vector<32xbf16> to vector<16xi32>
    %shift_left3A_1323 = arith.constant 16 : i32
    %shift_left3A_1324 = vector.broadcast %shift_left3A_1323 : i32 to vector<16xi32>
    %shift_left3A_1325 = arith.shli %bitcast3A_1322, %shift_left3A_1324 : vector<16xi32>
    %bitcast3A_1326 = vector.bitcast %shift_left3A_1325 : vector<16xi32> to vector<16xf32>
    %and3A_1327 = arith.constant -65536 : i32
    %and3A_1328 = vector.broadcast %and3A_1327 : i32 to vector<16xi32>
    %and3A_1329 = arith.andi %bitcast3A_1322, %and3A_1328 : vector<16xi32>
    %bitcast3A_1330 = vector.bitcast %and3A_1329 : vector<16xi32> to vector<16xf32>
    %add3A_1331 = arith.addf %bitcast3A_1326, %bitcast3A_1330 : vector<16xf32>
    %add3A_1332 = arith.addf %add3A_1310, %add3A_1331 : vector<16xf32>
    %get3A_1333 = arith.constant 14 : i32
    %get3A_1334 = arith.index_cast %get3A_1333 : i32 to index
    %get3A_1335 = arith.constant 32 : index
    %get3A_1336 = tpu.vector_load %arg14[%get3A_1334, %get3A_1335] {strides = array<i32>} : memref<16x64xf32, #tpu.memory_space<vmem>>, vector<16xf32>,
    %get3A_1337 = arith.constant 14 : i32
    %get3A_1338 = arith.index_cast %get3A_1337 : i32 to index
    %get3A_1339 = arith.constant 32 : index
    %get3A_1340 = tpu.vector_load %arg15[%get3A_1338, %get3A_1339] {strides = array<i32>} : memref<16x64xf32, #tpu.memory_space<vmem>>, vector<16xf32>,
    %bitcast3A_1341 = vector.bitcast %get3A_1336 : vector<16xf32> to vector<32xbf16>
    %bitcast3A_1342 = vector.bitcast %get3A_1340 : vector<16xf32> to vector<32xbf16>
    %mul3A_1343 = arith.mulf %bitcast3A_1341, %bitcast3A_1342 : vector<32xbf16>
    %bitcast3A_1344 = vector.bitcast %mul3A_1343 : vector<32xbf16> to vector<16xi32>
    %shift_left3A_1345 = arith.constant 16 : i32
    %shift_left3A_1346 = vector.broadcast %shift_left3A_1345 : i32 to vector<16xi32>
    %shift_left3A_1347 = arith.shli %bitcast3A_1344, %shift_left3A_1346 : vector<16xi32>
    %bitcast3A_1348 = vector.bitcast %shift_left3A_1347 : vector<16xi32> to vector<16xf32>
    %and3A_1349 = arith.constant -65536 : i32
    %and3A_1350 = vector.broadcast %and3A_1349 : i32 to vector<16xi32>
    %and3A_1351 = arith.andi %bitcast3A_1344, %and3A_1350 : vector<16xi32>
    %bitcast3A_1352 = vector.bitcast %and3A_1351 : vector<16xi32> to vector<16xf32>
    %add3A_1353 = arith.addf %bitcast3A_1348, %bitcast3A_1352 : vector<16xf32>
    %add3A_1354 = arith.addf %add3A_1332, %add3A_1353 : vector<16xf32>
    %get3A_1355 = arith.constant 14 : i32
    %get3A_1356 = arith.index_cast %get3A_1355 : i32 to index
    %get3A_1357 = arith.constant 48 : index
    %get3A_1358 = tpu.vector_load %arg14[%get3A_1356, %get3A_1357] {strides = array<i32>} : memref<16x64xf32, #tpu.memory_space<vmem>>, vector<16xf32>,
    %get3A_1359 = arith.constant 14 : i32
    %get3A_1360 = arith.index_cast %get3A_1359 : i32 to index
    %get3A_1361 = arith.constant 48 : index
    %get3A_1362 = tpu.vector_load %arg15[%get3A_1360, %get3A_1361] {strides = array<i32>} : memref<16x64xf32, #tpu.memory_space<vmem>>, vector<16xf32>,
    %bitcast3A_1363 = vector.bitcast %get3A_1358 : vector<16xf32> to vector<32xbf16>
    %bitcast3A_1364 = vector.bitcast %get3A_1362 : vector<16xf32> to vector<32xbf16>
    %mul3A_1365 = arith.mulf %bitcast3A_1363, %bitcast3A_1364 : vector<32xbf16>
    %bitcast3A_1366 = vector.bitcast %mul3A_1365 : vector<32xbf16> to vector<16xi32>
    %shift_left3A_1367 = arith.constant 16 : i32
    %shift_left3A_1368 = vector.broadcast %shift_left3A_1367 : i32 to vector<16xi32>
    %shift_left3A_1369 = arith.shli %bitcast3A_1366, %shift_left3A_1368 : vector<16xi32>
    %bitcast3A_1370 = vector.bitcast %shift_left3A_1369 : vector<16xi32> to vector<16xf32>
    %and3A_1371 = arith.constant -65536 : i32
    %and3A_1372 = vector.broadcast %and3A_1371 : i32 to vector<16xi32>
    %and3A_1373 = arith.andi %bitcast3A_1366, %and3A_1372 : vector<16xi32>
    %bitcast3A_1374 = vector.bitcast %and3A_1373 : vector<16xi32> to vector<16xf32>
    %add3A_1375 = arith.addf %bitcast3A_1370, %bitcast3A_1374 : vector<16xf32>
    %add3A_1376 = arith.addf %add3A_1354, %add3A_1375 : vector<16xf32>
    %swap3A_1377 = arith.constant 224 : index
    %swap3A_1378 = tpu.vector_load %arg16[%swap3A_1377] {strides = array<i32>} : memref<2048xf32, #tpu.memory_space<vmem>>, vector<16xf32>,
    tpu.vector_store %arg16[%swap3A_1377], %add3A_1376 {strides = array<i32>} : memref<2048xf32, #tpu.memory_space<vmem>>, vector<16xf32>,
    %get3A_1379 = arith.constant 15 : i32
    %get3A_1380 = arith.index_cast %get3A_1379 : i32 to index
    %get3A_1381 = arith.constant 0 : index
    %get3A_1382 = tpu.vector_load %arg14[%get3A_1380, %get3A_1381] {strides = array<i32>} : memref<16x64xf32, #tpu.memory_space<vmem>>, vector<16xf32>,
    %get3A_1383 = arith.constant 15 : i32
    %get3A_1384 = arith.index_cast %get3A_1383 : i32 to index
    %get3A_1385 = arith.constant 0 : index
    %get3A_1386 = tpu.vector_load %arg15[%get3A_1384, %get3A_1385] {strides = array<i32>} : memref<16x64xf32, #tpu.memory_space<vmem>>, vector<16xf32>,
    %bitcast3A_1387 = vector.bitcast %get3A_1382 : vector<16xf32> to vector<32xbf16>
    %bitcast3A_1388 = vector.bitcast %get3A_1386 : vector<16xf32> to vector<32xbf16>
    %mul3A_1389 = arith.mulf %bitcast3A_1387, %bitcast3A_1388 : vector<32xbf16>
    %bitcast3A_1390 = vector.bitcast %mul3A_1389 : vector<32xbf16> to vector<16xi32>
    %shift_left3A_1391 = arith.constant 16 : i32
    %shift_left3A_1392 = vector.broadcast %shift_left3A_1391 : i32 to vector<16xi32>
    %shift_left3A_1393 = arith.shli %bitcast3A_1390, %shift_left3A_1392 : vector<16xi32>
    %bitcast3A_1394 = vector.bitcast %shift_left3A_1393 : vector<16xi32> to vector<16xf32>
    %and3A_1395 = arith.constant -65536 : i32
    %and3A_1396 = vector.broadcast %and3A_1395 : i32 to vector<16xi32>
    %and3A_1397 = arith.andi %bitcast3A_1390, %and3A_1396 : vector<16xi32>
    %bitcast3A_1398 = vector.bitcast %and3A_1397 : vector<16xi32> to vector<16xf32>
    %add3A_1399 = arith.addf %bitcast3A_1394, %bitcast3A_1398 : vector<16xf32>
    %get3A_1400 = arith.constant 15 : i32
    %get3A_1401 = arith.index_cast %get3A_1400 : i32 to index
    %get3A_1402 = arith.constant 16 : index
    %get3A_1403 = tpu.vector_load %arg14[%get3A_1401, %get3A_1402] {strides = array<i32>} : memref<16x64xf32, #tpu.memory_space<vmem>>, vector<16xf32>,
    %get3A_1404 = arith.constant 15 : i32
    %get3A_1405 = arith.index_cast %get3A_1404 : i32 to index
    %get3A_1406 = arith.constant 16 : index
    %get3A_1407 = tpu.vector_load %arg15[%get3A_1405, %get3A_1406] {strides = array<i32>} : memref<16x64xf32, #tpu.memory_space<vmem>>, vector<16xf32>,
    %bitcast3A_1408 = vector.bitcast %get3A_1403 : vector<16xf32> to vector<32xbf16>
    %bitcast3A_1409 = vector.bitcast %get3A_1407 : vector<16xf32> to vector<32xbf16>
    %mul3A_1410 = arith.mulf %bitcast3A_1408, %bitcast3A_1409 : vector<32xbf16>
    %bitcast3A_1411 = vector.bitcast %mul3A_1410 : vector<32xbf16> to vector<16xi32>
    %shift_left3A_1412 = arith.constant 16 : i32
    %shift_left3A_1413 = vector.broadcast %shift_left3A_1412 : i32 to vector<16xi32>
    %shift_left3A_1414 = arith.shli %bitcast3A_1411, %shift_left3A_1413 : vector<16xi32>
    %bitcast3A_1415 = vector.bitcast %shift_left3A_1414 : vector<16xi32> to vector<16xf32>
    %and3A_1416 = arith.constant -65536 : i32
    %and3A_1417 = vector.broadcast %and3A_1416 : i32 to vector<16xi32>
    %and3A_1418 = arith.andi %bitcast3A_1411, %and3A_1417 : vector<16xi32>
    %bitcast3A_1419 = vector.bitcast %and3A_1418 : vector<16xi32> to vector<16xf32>
    %add3A_1420 = arith.addf %bitcast3A_1415, %bitcast3A_1419 : vector<16xf32>
    %add3A_1421 = arith.addf %add3A_1399, %add3A_1420 : vector<16xf32>
    %get3A_1422 = arith.constant 15 : i32
    %get3A_1423 = arith.index_cast %get3A_1422 : i32 to index
    %get3A_1424 = arith.constant 32 : index
    %get3A_1425 = tpu.vector_load %arg14[%get3A_1423, %get3A_1424] {strides = array<i32>} : memref<16x64xf32, #tpu.memory_space<vmem>>, vector<16xf32>,
    %get3A_1426 = arith.constant 15 : i32
    %get3A_1427 = arith.index_cast %get3A_1426 : i32 to index
    %get3A_1428 = arith.constant 32 : index
    %get3A_1429 = tpu.vector_load %arg15[%get3A_1427, %get3A_1428] {strides = array<i32>} : memref<16x64xf32, #tpu.memory_space<vmem>>, vector<16xf32>,
    %bitcast3A_1430 = vector.bitcast %get3A_1425 : vector<16xf32> to vector<32xbf16>
    %bitcast3A_1431 = vector.bitcast %get3A_1429 : vector<16xf32> to vector<32xbf16>
    %mul3A_1432 = arith.mulf %bitcast3A_1430, %bitcast3A_1431 : vector<32xbf16>
    %bitcast3A_1433 = vector.bitcast %mul3A_1432 : vector<32xbf16> to vector<16xi32>
    %shift_left3A_1434 = arith.constant 16 : i32
    %shift_left3A_1435 = vector.broadcast %shift_left3A_1434 : i32 to vector<16xi32>
    %shift_left3A_1436 = arith.shli %bitcast3A_1433, %shift_left3A_1435 : vector<16xi32>
    %bitcast3A_1437 = vector.bitcast %shift_left3A_1436 : vector<16xi32> to vector<16xf32>
    %and3A_1438 = arith.constant -65536 : i32
    %and3A_1439 = vector.broadcast %and3A_1438 : i32 to vector<16xi32>
    %and3A_1440 = arith.andi %bitcast3A_1433, %and3A_1439 : vector<16xi32>
    %bitcast3A_1441 = vector.bitcast %and3A_1440 : vector<16xi32> to vector<16xf32>
    %add3A_1442 = arith.addf %bitcast3A_1437, %bitcast3A_1441 : vector<16xf32>
    %add3A_1443 = arith.addf %add3A_1421, %add3A_1442 : vector<16xf32>
    %get3A_1444 = arith.constant 15 : i32
    %get3A_1445 = arith.index_cast %get3A_1444 : i32 to index
    %get3A_1446 = arith.constant 48 : index
    %get3A_1447 = tpu.vector_load %arg14[%get3A_1445, %get3A_1446] {strides = array<i32>} : memref<16x64xf32, #tpu.memory_space<vmem>>, vector<16xf32>,
    %get3A_1448 = arith.constant 15 : i32
    %get3A_1449 = arith.index_cast %get3A_1448 : i32 to index
    %get3A_1450 = arith.constant 48 : index
    %get3A_1451 = tpu.vector_load %arg15[%get3A_1449, %get3A_1450] {strides = array<i32>} : memref<16x64xf32, #tpu.memory_space<vmem>>, vector<16xf32>,
    %bitcast3A_1452 = vector.bitcast %get3A_1447 : vector<16xf32> to vector<32xbf16>
    %bitcast3A_1453 = vector.bitcast %get3A_1451 : vector<16xf32> to vector<32xbf16>
    %mul3A_1454 = arith.mulf %bitcast3A_1452, %bitcast3A_1453 : vector<32xbf16>
    %bitcast3A_1455 = vector.bitcast %mul3A_1454 : vector<32xbf16> to vector<16xi32>
    %shift_left3A_1456 = arith.constant 16 : i32
    %shift_left3A_1457 = vector.broadcast %shift_left3A_1456 : i32 to vector<16xi32>
    %shift_left3A_1458 = arith.shli %bitcast3A_1455, %shift_left3A_1457 : vector<16xi32>
    %bitcast3A_1459 = vector.bitcast %shift_left3A_1458 : vector<16xi32> to vector<16xf32>
    %and3A_1460 = arith.constant -65536 : i32
    %and3A_1461 = vector.broadcast %and3A_1460 : i32 to vector<16xi32>
    %and3A_1462 = arith.andi %bitcast3A_1455, %and3A_1461 : vector<16xi32>
    %bitcast3A_1463 = vector.bitcast %and3A_1462 : vector<16xi32> to vector<16xf32>
    %add3A_1464 = arith.addf %bitcast3A_1459, %bitcast3A_1463 : vector<16xf32>
    %add3A_1465 = arith.addf %add3A_1443, %add3A_1464 : vector<16xf32>
    %swap3A_1466 = arith.constant 240 : index
    %swap3A_1467 = tpu.vector_load %arg16[%swap3A_1466] {strides = array<i32>} : memref<2048xf32, #tpu.memory_space<vmem>>, vector<16xf32>,
    tpu.vector_store %arg16[%swap3A_1466], %add3A_1465 {strides = array<i32>} : memref<2048xf32, #tpu.memory_space<vmem>>, vector<16xf32>,
    %add3A_1468 = arith.constant 0 : i32
    %add3A_1469 = vector.broadcast %add3A_1468 : i32 to vector<16xi32>
    %add3A_1470 = arith.addi %mul3A_5, %add3A_1469 : vector<16xi32>
    %gather3A = tpu.vector_load_idx %arg16[%add3A_1470] : memref<2048xf32, #tpu.memory_space<vmem>>[vector<16xi32>], vector<16xf32>,
    %add3A_1471 = arith.constant 1 : i32
    %add3A_1472 = vector.broadcast %add3A_1471 : i32 to vector<16xi32>
    %add3A_1473 = arith.addi %add3A_1470, %add3A_1472 : vector<16xi32>
    %gather3A_1474 = tpu.vector_load_idx %arg16[%add3A_1473] : memref<2048xf32, #tpu.memory_space<vmem>>[vector<16xi32>], vector<16xf32>,
    %add3A_1475 = arith.addf %gather3A, %gather3A_1474 : vector<16xf32>
    %add3A_1476 = arith.constant 2 : i32
    %add3A_1477 = vector.broadcast %add3A_1476 : i32 to vector<16xi32>
    %add3A_1478 = arith.addi %add3A_1470, %add3A_1477 : vector<16xi32>
    %gather3A_1479 = tpu.vector_load_idx %arg16[%add3A_1478] : memref<2048xf32, #tpu.memory_space<vmem>>[vector<16xi32>], vector<16xf32>,
    %add3A_1480 = arith.addf %add3A_1475, %gather3A_1479 : vector<16xf32>
    %add3A_1481 = arith.constant 3 : i32
    %add3A_1482 = vector.broadcast %add3A_1481 : i32 to vector<16xi32>
    %add3A_1483 = arith.addi %add3A_1470, %add3A_1482 : vector<16xi32>
    %gather3A_1484 = tpu.vector_load_idx %arg16[%add3A_1483] : memref<2048xf32, #tpu.memory_space<vmem>>[vector<16xi32>], vector<16xf32>,
    %add3A_1485 = arith.addf %add3A_1480, %gather3A_1484 : vector<16xf32>
    %add3A_1486 = arith.constant 4 : i32
    %add3A_1487 = vector.broadcast %add3A_1486 : i32 to vector<16xi32>
    %add3A_1488 = arith.addi %add3A_1470, %add3A_1487 : vector<16xi32>
    %gather3A_1489 = tpu.vector_load_idx %arg16[%add3A_1488] : memref<2048xf32, #tpu.memory_space<vmem>>[vector<16xi32>], vector<16xf32>,
    %add3A_1490 = arith.addf %add3A_1485, %gather3A_1489 : vector<16xf32>
    %add3A_1491 = arith.constant 5 : i32
    %add3A_1492 = vector.broadcast %add3A_1491 : i32 to vector<16xi32>
    %add3A_1493 = arith.addi %add3A_1470, %add3A_1492 : vector<16xi32>
    %gather3A_1494 = tpu.vector_load_idx %arg16[%add3A_1493] : memref<2048xf32, #tpu.memory_space<vmem>>[vector<16xi32>], vector<16xf32>,
    %add3A_1495 = arith.addf %add3A_1490, %gather3A_1494 : vector<16xf32>
    %add3A_1496 = arith.constant 6 : i32
    %add3A_1497 = vector.broadcast %add3A_1496 : i32 to vector<16xi32>
    %add3A_1498 = arith.addi %add3A_1470, %add3A_1497 : vector<16xi32>
    %gather3A_1499 = tpu.vector_load_idx %arg16[%add3A_1498] : memref<2048xf32, #tpu.memory_space<vmem>>[vector<16xi32>], vector<16xf32>,
    %add3A_1500 = arith.addf %add3A_1495, %gather3A_1499 : vector<16xf32>
    %add3A_1501 = arith.constant 7 : i32
    %add3A_1502 = vector.broadcast %add3A_1501 : i32 to vector<16xi32>
    %add3A_1503 = arith.addi %add3A_1470, %add3A_1502 : vector<16xi32>
    %gather3A_1504 = tpu.vector_load_idx %arg16[%add3A_1503] : memref<2048xf32, #tpu.memory_space<vmem>>[vector<16xi32>], vector<16xf32>,
    %add3A_1505 = arith.addf %add3A_1500, %gather3A_1504 : vector<16xf32>
    %add3A_1506 = arith.constant 8 : i32
    %add3A_1507 = vector.broadcast %add3A_1506 : i32 to vector<16xi32>
    %add3A_1508 = arith.addi %add3A_1470, %add3A_1507 : vector<16xi32>
    %gather3A_1509 = tpu.vector_load_idx %arg16[%add3A_1508] : memref<2048xf32, #tpu.memory_space<vmem>>[vector<16xi32>], vector<16xf32>,
    %add3A_1510 = arith.addf %add3A_1505, %gather3A_1509 : vector<16xf32>
    %add3A_1511 = arith.constant 9 : i32
    %add3A_1512 = vector.broadcast %add3A_1511 : i32 to vector<16xi32>
    %add3A_1513 = arith.addi %add3A_1470, %add3A_1512 : vector<16xi32>
    %gather3A_1514 = tpu.vector_load_idx %arg16[%add3A_1513] : memref<2048xf32, #tpu.memory_space<vmem>>[vector<16xi32>], vector<16xf32>,
    %add3A_1515 = arith.addf %add3A_1510, %gather3A_1514 : vector<16xf32>
    %add3A_1516 = arith.constant 10 : i32
    %add3A_1517 = vector.broadcast %add3A_1516 : i32 to vector<16xi32>
    %add3A_1518 = arith.addi %add3A_1470, %add3A_1517 : vector<16xi32>
    %gather3A_1519 = tpu.vector_load_idx %arg16[%add3A_1518] : memref<2048xf32, #tpu.memory_space<vmem>>[vector<16xi32>], vector<16xf32>,
    %add3A_1520 = arith.addf %add3A_1515, %gather3A_1519 : vector<16xf32>
    %add3A_1521 = arith.constant 11 : i32
    %add3A_1522 = vector.broadcast %add3A_1521 : i32 to vector<16xi32>
    %add3A_1523 = arith.addi %add3A_1470, %add3A_1522 : vector<16xi32>
    %gather3A_1524 = tpu.vector_load_idx %arg16[%add3A_1523] : memref<2048xf32, #tpu.memory_space<vmem>>[vector<16xi32>], vector<16xf32>,
    %add3A_1525 = arith.addf %add3A_1520, %gather3A_1524 : vector<16xf32>
    %add3A_1526 = arith.constant 12 : i32
    %add3A_1527 = vector.broadcast %add3A_1526 : i32 to vector<16xi32>
    %add3A_1528 = arith.addi %add3A_1470, %add3A_1527 : vector<16xi32>
    %gather3A_1529 = tpu.vector_load_idx %arg16[%add3A_1528] : memref<2048xf32, #tpu.memory_space<vmem>>[vector<16xi32>], vector<16xf32>,
    %add3A_1530 = arith.addf %add3A_1525, %gather3A_1529 : vector<16xf32>
    %add3A_1531 = arith.constant 13 : i32
    %add3A_1532 = vector.broadcast %add3A_1531 : i32 to vector<16xi32>
    %add3A_1533 = arith.addi %add3A_1470, %add3A_1532 : vector<16xi32>
    %gather3A_1534 = tpu.vector_load_idx %arg16[%add3A_1533] : memref<2048xf32, #tpu.memory_space<vmem>>[vector<16xi32>], vector<16xf32>,
    %add3A_1535 = arith.addf %add3A_1530, %gather3A_1534 : vector<16xf32>
    %add3A_1536 = arith.constant 14 : i32
    %add3A_1537 = vector.broadcast %add3A_1536 : i32 to vector<16xi32>
    %add3A_1538 = arith.addi %add3A_1470, %add3A_1537 : vector<16xi32>
    %gather3A_1539 = tpu.vector_load_idx %arg16[%add3A_1538] : memref<2048xf32, #tpu.memory_space<vmem>>[vector<16xi32>], vector<16xf32>,
    %add3A_1540 = arith.addf %add3A_1535, %gather3A_1539 : vector<16xf32>
    %add3A_1541 = arith.constant 15 : i32
    %add3A_1542 = vector.broadcast %add3A_1541 : i32 to vector<16xi32>
    %add3A_1543 = arith.addi %add3A_1470, %add3A_1542 : vector<16xi32>
    %gather3A_1544 = tpu.vector_load_idx %arg16[%add3A_1543] : memref<2048xf32, #tpu.memory_space<vmem>>[vector<16xi32>], vector<16xf32>,
    %add3A_1545 = arith.addf %add3A_1540, %gather3A_1544 : vector<16xf32>
    %swap3A_1546 = arith.constant 9984 : index
    %swap3A_1547 = tpu.vector_load %arg17[%swap3A_1546] {strides = array<i32>} : memref<10000xf32, #tpu.memory_space<vmem>>, vector<16xf32>,
    tpu.vector_store %arg17[%swap3A_1546], %add3A_1545 {strides = array<i32>} : memref<10000xf32, #tpu.memory_space<vmem>>, vector<16xf32>,
    "tpu.region"() ({
      %run_scoped3A = tpu.sem_alloc : memref<!tpu.dma_semaphore, #tpu.memory_space<semaphore_mem>>
      %dma_start3A_1548 = tpu.memref_slice %arg5[%multiple_of3A] : memref<320000xf32, #tpu.memory_space<hbm>> -> memref<10000xf32, #tpu.memory_space<hbm>>
      %dma_start3A_1549 = tpu.memref_slice %arg5[%multiple_of3A] : memref<320000xf32, #tpu.memory_space<hbm>> -> memref<10000xf32, #tpu.memory_space<hbm>>
      tpu.enqueue_dma source(%arg17 : memref<10000xf32, #tpu.memory_space<vmem>>) target(%dma_start3A_1549 : memref<10000xf32, #tpu.memory_space<hbm>>) target_semaphore(%run_scoped3A : memref<!tpu.dma_semaphore, #tpu.memory_space<semaphore_mem>>)
      %dma_wait3A_1550 = tpu.memref_slice %arg5[%multiple_of3A] : memref<320000xf32, #tpu.memory_space<hbm>> -> memref<10000xf32, #tpu.memory_space<hbm>>
      %dma_wait3A_1551 = tpu.memref_slice %arg5[%multiple_of3A] : memref<320000xf32, #tpu.memory_space<hbm>> -> memref<10000xf32, #tpu.memory_space<hbm>>
      tpu.wait_dma2 semaphore(%run_scoped3A : memref<!tpu.dma_semaphore, #tpu.memory_space<semaphore_mem>>) src(%arg17 : memref<10000xf32, #tpu.memory_space<vmem>>) dst(%dma_wait3A_1551 : memref<10000xf32, #tpu.memory_space<hbm>>)
      tpu.yield
    }) : () -> ()
    return
  }
}

</mosaic_0001>

<sc_bundles>
// kernel: kernel.3.cloned.1.call-start
scs
__scs_entry_jumppad:
0x0: {  	(pc) =	sbr.rel $0x88, $3  }
0x1: {  	(tag) =	ssettag $0x0;
	lr =	simm.s32 $0x1  }
0x2: {  	[smem:$0x3F9F] =	sst lr;
	_ =	strace $0xD0000000  }
0x3: {  	_ = 	snop  }
0x4: {  	_ = 	snop  }
0x5: {  	_ = 	snop  }
0x6: {  	_ = 	snop  }
0x7: {  	_ = 	snop  }
__scs_overlays_trampoline_lowered:
0x8: {  	[smem:$0x3FAE] =	sst s0  }
0x9: {  	[smem:$0x3FAF] =	sst s1  }
0xa: {  	[smem:$0x3FB0] =	sst s2  }
0xb: {  	[smem:$0x3FB1] =	sst s3  }
0xc: {  	[smem:$0x3FB2] =	sst s4  }
0xd: {  	[smem:$0x3FB3] =	sst s5  }
0xe: {  	[smem:$0x3FB4] =	sst s6  }
0xf: {  	[smem:$0x3FB5] =	sst s7  }
0x10: {  	[smem:$0x3FB6] =	sst s8  }
0x11: {  	[smem:$0x3FB7] =	sst s9;
	s0 =	simm.s32 @!p0 $0x0  }
0x12: {  	s1 =	sld [smem:$0x3F9D];
	s0 =	simm.s32 @p0 $0x1  }
0x13: {  	[smem:$0x3FB8] =	sst s0;
	s0 =	simm.s32 @!p1 $0x0  }
0x14: {  	s2 =	sld [smem:$0x3F9C];
	s0 =	simm.s32 @p1 $0x1  }
0x15: {  	[smem:$0x3FB9] =	sst s0;
	s0 =	simm.s32 @!p2 $0x0  }
0x16: {  	s3 =	sld [smem:$0x3FDB];
	s0 =	simm.s32 @p2 $0x1  }
0x17: {  	s4 =	simm.s32 $0x1BF5;
	[smem:$0x3FBB] =	sst s0  }
0x18: {  	s0 =	sld [smem:$0x3F9E];
	_ =	swait.ge [sflag:s4], $0x0  }
0x19: {  	s7 =	sld [smem:$0x3F9F]  }
0x1a: {  	s8 =	sadd.s32 $0xFFFFE003, lr  }
0x1b: {  	s9 =	sadd.s32 $0xFFFFFEF7, lr;
	s5 =	simm.s32 $0xFFFFFFFF;
	p2 =	slt.u32 s8, $0xFFFFF086  }
0x1c: {  	p1 =	slt.u32 s9, $0xF7A;
	s5 =	simm.s32 @!p2 $0x0  }
0x1d: {  	s5 =	simm.s32 @p1 $0x1;
	p0 =	seq.s32 s7, s2  }
0x1e: {  	s7 =	smul.u32 @!p0 $0xF7A, s2;
	p2 =	seq.s32 @!p0 s5, $0x0  }
0x1f: {  	s9 =	smul.u32 $0xF7A, s1;
	s8 =	simm.s32 @!p0 $0x1BF5;
	p2 =	por !p2, p0  }
0x20: {  	[sflag:s8] =	ssyncset.s32 @!p0 $0xFFFFF086;
	s6 =	sadd.s32 @!p0 s3, s7;
	s7 =	simm.s32 @!p0 $0x108  }
0x21: {  	s3 =	sadd.s32 s3, s9;
	s6 =	sadd.s32 @!p0 $0x88, s6;
	s7 =	simm.s32 @p2 $0x1082  }
0x22: {  	[simem:s7], [sflag:s8] =	dma.local @!p0 [hbm:s6], $0xF7A  }
0x23: {  	s9 =	sor.u32 $0xD0000000, s2;
	s6 =	simm.s32 $0x108;
	_ =	swait.ge @!p0 [sflag:s8], $0x0  }
0x24: {  	s3 =	sadd.s32 $0x88, s3;
	s6 =	simm.s32 @!p1 $0x1082;
	[sflag:s4] =	ssyncset.s32 $0xFFFFF086  }
0x25: {  	[simem:s6], [sflag:s4] =	dma.local [hbm:s3], $0xF7A  }
0x26: {  	[smem:$0x3F9F] =	sst s1;
	(tag) =	ssettag s2;
	_ =	strace s9  }
0x27: {  	s1 =	sld [smem:$0x3FAF]  }
0x28: {  	s2 =	sld [smem:$0x3FB0]  }
0x29: {  	s4 =	sld [smem:$0x3FB2]  }
0x2a: {  	p0 =	seq.s32 s5, $0x0;
	s5 =	sld [smem:$0x3FB3]  }
0x2b: {  	s6 =	sld [smem:$0x3FB4]  }
0x2c: {  	s7 =	sld [smem:$0x3FB5]  }
0x2d: {  	s3 =	simm.s32 $0x108;
	s8 =	sld [smem:$0x3FB6]  }
0x2e: {  	s3 =	simm.s32 @!p0 $0x1082;
	s9 =	sld [smem:$0x3FB7]  }
0x2f: {  	lr =	sadd.s32 s0, s3;
	s0 =	sld [smem:$0x3FAE]  }
0x30: {  	s3 =	sld [smem:$0x3FB1]  }
0x31: {  	[smem:$0x3FBA] =	sst s10  }
0x32: {  	s10 =	sld [smem:$0x3FB8];
	_ =	sdelay $0x3  }
0x33: {  	p0 =	seq.s32 s10, $0x1;
	s10 =	sld [smem:$0x3FBA];
	_ =	sdelay $0x3  }
0x34: {  	[smem:$0x3FBA] =	sst s10  }
0x35: {  	s10 =	sld [smem:$0x3FB9];
	_ =	sdelay $0x3  }
0x36: {  	p1 =	seq.s32 s10, $0x1;
	s10 =	sld [smem:$0x3FBA];
	_ =	sdelay $0x3  }
0x37: {  	[smem:$0x3FBA] =	sst s10  }
0x38: {  	s10 =	sld [smem:$0x3FBB]  }
0x39: {  	_ = 	snop;
	(pc) =	sbr.ind lr, $3  }
0x3a: {  	_ = 	snop  }
0x3b: {  	_ = 	snop  }
0x3c: {  	p2 =	seq.s32 s10, $0x1;
	s10 =	sld [smem:$0x3FBA]  }
0x3d: {  	_ =	shalt  }
0x3e: {  	_ =	shalt  }
0x3f: {  	_ =	shalt  }
0x40: {  	_ =	shalt  }
0x41: {  	_ =	shalt  }
0x42: {  	_ =	shalt  }
0x43: {  	_ =	shalt  }
0x44: {  	_ =	shalt  }
0x45: {  	_ =	shalt  }
0x46: {  	_ =	shalt  }
0x47: {  	_ =	shalt  }
0x48: {  	_ =	shalt  }
0x49: {  	_ =	shalt  }
0x4a: {  	_ =	shalt  }
0x4b: {  	_ =	shalt  }
0x4c: {  	_ =	shalt  }
0x4d: {  	_ =	shalt  }
0x4e: {  	_ =	shalt  }
0x4f: {  	_ =	shalt  }
0x50: {  	_ =	shalt  }
0x51: {  	_ =	shalt  }
0x52: {  	_ =	shalt  }
0x53: {  	_ =	shalt  }
0x54: {  	_ =	shalt  }
0x55: {  	_ =	shalt  }
0x56: {  	_ =	shalt  }
0x57: {  	_ =	shalt  }
0x58: {  	_ =	shalt  }
0x59: {  	_ =	shalt  }
0x5a: {  	_ =	shalt  }
0x5b: {  	_ =	shalt  }
0x5c: {  	_ =	shalt  }
0x5d: {  	_ =	shalt  }
0x5e: {  	_ =	shalt  }
0x5f: {  	_ =	shalt  }
0x60: {  	_ =	shalt  }
0x61: {  	_ =	shalt  }
0x62: {  	_ =	shalt  }
0x63: {  	_ =	shalt  }
0x64: {  	_ =	shalt  }
0x65: {  	_ =	shalt  }
0x66: {  	_ =	shalt  }
0x67: {  	_ =	shalt  }
0x68: {  	_ =	shalt  }
0x69: {  	_ =	shalt  }
0x6a: {  	_ =	shalt  }
0x6b: {  	_ =	shalt  }
0x6c: {  	_ =	shalt  }
0x6d: {  	_ =	shalt  }
0x6e: {  	_ =	shalt  }
0x6f: {  	_ =	shalt  }
0x70: {  	_ =	shalt  }
0x71: {  	_ =	shalt  }
0x72: {  	_ =	shalt  }
0x73: {  	_ =	shalt  }
0x74: {  	_ =	shalt  }
0x75: {  	_ =	shalt  }
0x76: {  	_ =	shalt  }
0x77: {  	_ =	shalt  }
0x78: {  	_ =	shalt  }
0x79: {  	_ =	shalt  }
0x7a: {  	_ =	shalt  }
0x7b: {  	_ =	shalt  }
0x7c: {  	_ =	shalt  }
0x7d: {  	_ =	shalt  }
0x7e: {  	_ =	shalt  }
0x7f: {  	_ =	shalt  }
0x80: {  	_ =	shalt  }
0x81: {  	_ =	shalt  }
0x82: {  	_ =	shalt  }
0x83: {  	_ =	shalt  }
0x84: {  	_ =	shalt  }
0x85: {  	_ =	shalt  }
0x86: {  	_ =	shalt  }
0x87: {  	_ =	shalt  }
.Lfunc_end0:
.L_simem_size_0:
called_computation_lowered:
.L_overlay_start_0:
0x88: {  	s2 =	sld [smem:$0x3FD9]  }
0x89: {  	s3 =	sld [smem:$0x3FFE];
	_ =	sdelay $0x1  }
0x8a: {  	s1 =	srdreg.scid  }
0x8b: {  	s0 =	sand.u32 $0x1, s1  }
0x8c: {  	s17 =	sshll.u32 s0, $0xA;
	s2 =	sadd.s32 s3, s2  }
0x8d: {  	s2 =	sadd.s32 s2, s17  }
0x8e: {  	[smem:$0x3FC6] =	sst s2  }
0x8f: {  	_ = 	snop  }
0x90: {  	s2 =	sld [smem:$0x3FD0];
	(tm) =	ssettm $0x1  }
0x91: {  	s18 =	sld [smem:$0x3FFB];
	_ =	sdelay $0x3  }
0x92: {  	_ =	strace s18  }
0x93: {  	s3 =	sld [smem:$0x3FFC];
	_ =	sdelay $0x3  }
0x94: {  	_ =	strace s3  }
0x95: {  	s3 =	sld [smem:$0x3FFD];
	_ =	sdelay $0x3  }
0x96: {  	_ =	strace s3  }
0x97: {  	_ =	strace $0x8FFFFFFF  }
0x98: {  	s19 =	sld [smem:$0x3FDB];
	_ =	sdelay $0x1  }
0x99: {  	s4 =	simm.s32 $_scs_section_size  }
0x9a: {  	s5 =	simm.s32 $_size__tile_overlayer_lowered;
	s6 =	simm.s32 $_tile_overlayer_lowered  }
0x9b: {  	s22 =	simm.s32 $0x1BFF;
	s21 =	sshll.u32 s6, $0x1;
	s3 =	sadd.s32 s4, s19  }
0x9c: {  	s7 =	simm.s32 $0x0;
	s20 =	sshll.u32 s5, $0x1;
	s5 =	sadd.s32 s21, s3  }
0x9d: {  	[timem:s7], [sflag:s22] =	dma.local [hbm:s5], s20  }
0x9e: {  	_ =	swait.ge [sflag:s22], s20  }
0x9f: {  	s4 =	ssub.s32 $0x0, s20;
	[sflag:s22] =	ssyncset.done $0x0  }
0xa0: {  	[sflag:s22] =	ssyncadd.s32 s4;
	_ =	sdelay $0x1  }
0xa1: {  	s23 =	simm.s32 $0x1B8B  }
0xa2: {  	_ =	swait.ge [sflag:s23], $0x1  }
0xa3: {  	[sflag:s23] =	ssyncset.done $0x0  }
0xa4: {  	s25 =	simm.s32 $0x1B8E;
	s24 =	sld [smem:$0x3FFE];
	[sflag:s23] =	ssyncadd.s32 $0xFFFFFFFF  }
0xa5: {  	s26 =	simm.s32 $execute0_lowered;
	[smem:$0x3FD2] =	sst s25  }
0xa6: {  	s5 =	sshll.u32 s26, $0x1;
	_ =	strace $0x80000046;
	[dreg:$0x1] =	wrdreg $0xFFFFFFFF  }
0xa7: {  	s28 =	simm.s32 $_size_execute0_lowered;
	s3 =	sadd.s32 s3, s5;
	[dreg:$0x0] =	wrdreg $0x0  }
0xa8: {  	s5 =	sshll.u32 s28, $0x1;
	[dreg:$0x2] =	wrdreg s3  }
0xa9: {  	[dreg:$0x3] =	wrdreg s5  }
0xaa: {  	[dreg:$0x4] =	wrdreg $0xC0  }
0xab: {  	_ =	task [dreg:s7], $0x5FFFF  }
0xac: {  	[dreg:$0x1] =	wrdreg $0xFFFFFFFF  }
0xad: {  	[dreg:$0x0] =	wrdreg $0x60  }
0xae: {  	[dreg:$0x2] =	wrdreg s24  }
0xaf: {  	[dreg:$0x3] =	wrdreg s2  }
0xb0: {  	[dreg:$0x4] =	wrdreg $0x9  }
0xb1: {  	_ =	task.clear_ibuf [dreg:s7], $0x5FFFF;
	_ =	strace $0x90000046  }
0xb2: {  	s29 =	simm.s32 $0x9;
	_ =	strace $0x80000048  }
0xb3: {  	_ =	swait.ge [sflag:s29], $0x1  }
0xb4: {  	[sflag:s29] =	ssyncadd.s32 $0xFFFFFFFF  }
0xb5: {  	_ =	strace $0x90000048  }
0xb6: {  	_ =	sfence  }
0xb7: {  	s30 =	sld [smem:$0x0];
	_ =	sdelay $0x2  }
0xb8: {  	s31 =	sshll.u32 s1, $0xD;
	s1 =	sshrl.u32 s1, $0x2  }
0xb9: {  	s3 =	sand.u32 $0x4000, s31;
	s1 =	sadd.s32 s1, s30  }
0xba: {  	s0 =	sor.u32 s3, s0;
	s1 =	sshll.u32 s1, $0x11  }
0xbb: {  	s0 =	sor.u32 s1, s0  }
0xbc: {  	s0 =	sadd.s32 $0x8F2B, s0  }
0xbd: {  	[sflag:s0] =	ssyncadd.remote.s32 $0x1  }
0xbe: {  	_ =	sfence.sel $0xFFFF  }
0xbf: {  	[dreg:$0x0] =	wrdreg $0xFFFFFFFF;
	(pc) =	sbr.abs _section_cstart, $3  }
0xc0: {  	[dreg:$0x1] =	wrdreg $0xFFFFFFFF  }
0xc1: {  	_ =	task.clear_ibuf [dreg:s7], $0x2FFFF;
	_ =	strace $0x9FFFFFFF  }
0xc2: {  	(tm) =	ssettm $0x7FFFFFFF  }
0xc3: {  	_ =	shalt  }
tec
execute0_lowered:
.L_overlay_start_1:
0x0: {  	(tag) =	ssettag $0x1  }
0x1: {  	s0 =	srdreg.scid;
	s2 =	rddreg [dreg:$0x0]  }
0x2: {  	s1 =	stileid.u32;
	s6 =	rddreg [dreg:$0x1]  }
0x3: {  	s3 =	simm.s32 $0x0;
	s8 =	simm.s32 $0x5;
	s9 =	simm.s32 $0x2710  }
0x4: {  	s10 =	simm.s32 $0x10;
	s15 =	simm.s32 $0x80;
	s19 =	simm.s32 $0x2790  }
0x5: {  	v0 =	vlaneseq.u32;
	s20 =	simm.s32 $0xAE20;
	s21 =	simm.s32 $0xCE20;
	s22 =	simm.s32 $0xEE20  }
0x6: {  	s23 =	simm.s32 $0x1;
	s24 =	simm.s32 $0x11620;
	s25 =	simm.s32 $0x2;
	v0 =	vmul.u32 $0x10, v0  }
0x7: {  	s26 =	simm.s32 $0x3;
	s0 =	sand.u32 $0x1, s0;
	s1 =	sshll.u32 s1, $0x1  }
0x8: {  	s28 =	simm.s32 $0x4;
	s29 =	simm.s32 $0x11E20;
	s1 =	sor.u32 s0, s1;
	v1 =	vor.u32 $0x1, v0;
	v2 =	vor.u32 $0x2, v0;
	v3 =	vor.u32 $0x3, v0  }
0x9: {  	[smem:$0x7FF] =	sst s3;
	s0 =	ssub.s32 $0x2, s0;
	s1 =	smul.u32 $0x4E2, s1;
	v4 =	vor.u32 $0x4, v0;
	v5 =	vor.u32 $0x5, v0;
	v6 =	vor.u32 $0x6, v0  }
0xa: {  	s30 =	simm.s32 $0x0;
	_ =	strace $0x80000047;
	s4 =	sshrl.u32 s0, $0x1;
	v7 =	vor.u32 $0x7, v0;
	v8 =	vor.u32 $0x8, v0;
	v9 =	vor.u32 $0x9, v0  }
0xb: {  	v10 =	vor.u32 $0xA, v0;
	v11 =	vor.u32 $0xB, v0;
	v12 =	vor.u32 $0xC, v0;
	s0 =	ssub.s32 s0, s4;
	s5 =	sadd.s32 s1, s2;
	s6 =	sadd.s32 s6, s1  }
0xc: {  	v13 =	vor.u32 $0xD, v0;
	v14 =	vor.u32 $0xE, v0;
	v15 =	vor.u32 $0xF, v0;
	s7 =	smax.u32 s0, $0x1;
	s4 =	sadd.s32 $0x1D800, s5;
	s5 =	sadd.s32 $0x13A00, s5  }
.LBB2_1:
0xd: {  	[tilespmem:s3], [sflag:$0x5] =	stream.linear.gather [hbm4b:s4+s3], $0x2710, $0x38;
	[tilespmem:$0x14530] =	vst v63  }
0xe: {  	_ =	swait.ge [sflag:s8], $0x2710  }
0xf: {  	[sflag:s8] =	ssyncset.done $0x0  }
0x10: {  	[sflag:s8] =	ssyncadd.s32 $0xFFFFD8F0  }
0x11: {  	[tilespmem:s9], [sflag:$0x5] =	stream.linear.gather [hbm4b:s5+s3], $0x2710, $0x38;
	[tilespmem:$0x14530] =	vst v63  }
0x12: {  	_ =	swait.ge [sflag:s8], $0x2710  }
0x13: {  	[sflag:s8] =	ssyncset.done $0x0  }
0x14: {  	s0 =	simm.s32 $0x2700;
	s1 =	simm.s32 $0x10E20;
	[sflag:s8] =	ssyncadd.s32 $0xFFFFD8F0  }
0x15: {  	[tilespmem:s1], [sflag:$0x4] =	stream.indirect.gather [hbm4b:s2+s10], $0x40, s0, s10, $0xb8;
	[tilespmem:$0x14530] =	vst v63  }
0x16: {  	s13 =	simm.s32 $0x4E10;
	s14 =	simm.s32 $0x11220  }
0x17: {  	[tilespmem:s14], [sflag:$0x4] =	stream.indirect.gather [hbm4b:s2+s10], $0x40, s13, s10, $0xb8;
	[tilespmem:$0x14530] =	vst v63  }
0x18: {  	s16 =	simm.s32 $0x4E20  }
0x19: {  	[tilespmem:s16], [sflag:$0x1] =	stream.indirect.gather [hbm4b:s2+s15], $0x40, s3, s15, $0xb8;
	[tilespmem:$0x14530] =	vst v63  }
0x1a: {  	s17 =	simm.s32 $0x6E20  }
0x1b: {  	[tilespmem:s17], [sflag:$0x1] =	stream.indirect.gather [hbm4b:s2+s15], $0x40, s9, s15, $0xb8;
	[tilespmem:$0x14530] =	vst v63  }
0x1c: {  	s18 =	simm.s32 $0x8E20;
	s31 =	simm.s32 $0x11E30  }
0x1d: {  	[tilespmem:s18], [sflag:$0x2] =	stream.indirect.gather [hbm4b:s2+s15], $0x40, s15, s15, $0xb8;
	[tilespmem:$0x14530] =	vst v63  }
0x1e: {  	s11 =	simm.s32 $0x0;
	s1 =	simm.s32 $0x11EB0;
	s0 =	simm.s32 $0x11F30  }
0x1f: {  	[tilespmem:s20], [sflag:$0x2] =	stream.indirect.gather [hbm4b:s2+s15], $0x40, s19, s15, $0xb8;
	[tilespmem:$0x14530] =	vst v63  }
.LBB2_2:
0x20: {  	s12 =	smul.u32 $0x180, s11;
	_ =	sdelay $0x1  }
0x21: {  	s13 =	sadd.s32 $0x100, s12  }
0x22: {  	[tilespmem:s21], [sflag:$0x3] =	stream.indirect.gather [hbm4b:s2+s15], $0x40, s13, s15, $0xb8;
	[tilespmem:$0x14530] =	vst v63  }
0x23: {  	s18 =	sadd.s32 $0x2810, s12  }
0x24: {  	[tilespmem:s22], [sflag:$0x3] =	stream.indirect.gather [hbm4b:s2+s15], $0x40, s18, s15, $0xb8;
	[tilespmem:$0x14530] =	vst v63  }
0x25: {  	_ =	swait.ge [sflag:s23], $0x2000  }
0x26: {  	[sflag:s23] =	ssyncset.done $0x0  }
0x27: {  	[sflag:s23] =	ssyncadd.s32 $0xFFFFE000  }
0x28: {  	_ =	swait.ge [sflag:s23], $0x2000  }
0x29: {  	[sflag:s23] =	ssyncset.done $0x0  }
0x2a: {  	s14 =	simm.s32 $0x4EA0;
	[sflag:s23] =	ssyncadd.s32 $0xFFFFE000  }
0x2b: {  	v16 =	vld [tilespmem:s14+$0x60]  }
0x2c: {  	s13 =	simm.s32 $0x6EA0;
	v17 =	vld [tilespmem:s14+$0x40]  }
0x2d: {  	v18 =	vld [tilespmem:s13+$0x40]  }
0x2e: {  	v19 =	vld [tilespmem:s14+$0x50]  }
0x2f: {  	v20 =	vld [tilespmem:s13+$0x50]  }
0x30: {  	v21 =	vld [tilespmem:s13+$0x60]  }
0x31: {  	v23 =	vld [tilespmem:s14+$0x70]  }
0x32: {  	v24 =	vld [tilespmem:s13+$0x70]  }
0x33: {  	v25 =	vld [tilespmem:s14+$0xFFFFFF90]  }
0x34: {  	v26 =	vld [tilespmem:s13+$0xFFFFFF90]  }
0x35: {  	v29 =	vld [tilespmem:s13+$0xFFFFFFD0];
	v17 =	vmul.bf16 v18, v17  }
0x36: {  	v18 =	vld [tilespmem:s14+$0xFFFFFFC0];
	v19 =	vmul.bf16 v20, v19  }
0x37: {  	v20 =	vld [tilespmem:s13+$0xFFFFFFC0];
	v16 =	vmul.bf16 v21, v16;
	v27 =	vshll.u32 v17, $0x10  }
0x38: {  	v21 =	vld [tilespmem:s14+$0xFFFFFFD0];
	v17 =	vand.u32 $0xFFFF0000, v17;
	v28 =	vshll.u32 v19, $0x10;
	v19 =	vand.u32 $0xFFFF0000, v19  }
0x39: {  	v22 =	vld [tilespmem:s13+$0xFFFFFF80];
	v17 =	vadd.f32 v17, v27;
	v19 =	vadd.f32 v19, v28  }
0x3a: {  	v23 =	vmul.bf16 v24, v23;
	v24 =	vld [tilespmem:s13+$0x0];
	v28 =	vshll.u32 v16, $0x10;
	v16 =	vand.u32 $0xFFFF0000, v16  }
0x3b: {  	v27 =	vld [tilespmem:s14+$0x0];
	v16 =	vadd.f32 v16, v28;
	v17 =	vadd.f32 v19, v17  }
0x3c: {  	v25 =	vmul.bf16 v26, v25;
	v26 =	vshll.u32 v23, $0x10;
	v23 =	vand.u32 $0xFFFF0000, v23;
	v28 =	vld [tilespmem:s13+$0x10]  }
0x3d: {  	v18 =	vmul.bf16 v20, v18;
	v20 =	vld [tilespmem:s14+$0xFFFFFF80];
	v21 =	vmul.bf16 v29, v21;
	v16 =	vadd.f32 v16, v17  }
0x3e: {  	v19 =	vld [tilespmem:s14+$0x10];
	v17 =	vadd.f32 v23, v26;
	v23 =	vshll.u32 v25, $0x10;
	v25 =	vand.u32 $0xFFFF0000, v25  }
0x3f: {  	v29 =	vld [tilespmem:s13+$0xFFFFFFA0];
	v30 =	vshll.u32 v21, $0x10;
	v21 =	vand.u32 $0xFFFF0000, v21;
	v23 =	vadd.f32 v25, v23  }
0x40: {  	v26 =	vld [tilespmem:s14+$0xFFFFFFA0];
	v25 =	vshll.u32 v18, $0x10;
	v18 =	vand.u32 $0xFFFF0000, v18;
	v24 =	vmul.bf16 v24, v27  }
0x41: {  	v27 =	vld [tilespmem:s14+$0xFFFFFFE0];
	v21 =	vadd.f32 v21, v30;
	v18 =	vadd.f32 v18, v25  }
0x42: {  	v25 =	vld [tilespmem:s13+$0xFFFFFFE0];
	v63 =	vadd.f32 v17, v16;
	v17 =	vshll.u32 v24, $0x10;
	v20 =	vmul.bf16 v22, v20  }
0x43: {  	v31 =	vld [tilespmem:s14+$0x20];
	v24 =	vand.u32 $0xFFFF0000, v24;
	v19 =	vmul.bf16 v28, v19;
	v16 =	vadd.f32 v21, v18  }
0x44: {  	v28 =	vld [tilespmem:s13+$0x20];
	v24 =	vadd.f32 v24, v17;
	v21 =	vshll.u32 v20, $0x10;
	v20 =	vand.u32 $0xFFFF0000, v20  }
0x45: {  	v22 =	vld [tilespmem:s13+$0xFFFFFFB0];
	v26 =	vmul.bf16 v29, v26;
	v29 =	vshll.u32 v19, $0x10;
	v19 =	vand.u32 $0xFFFF0000, v19  }
0x46: {  	v18 =	vld [tilespmem:s14+$0xFFFFFFB0];
	v20 =	vadd.f32 v20, v21;
	v19 =	vadd.f32 v19, v29  }
0x47: {  	v17 =	vld [tilespmem:s14+$0xFFFFFFF0];
	v25 =	vmul.bf16 v25, v27;
	v27 =	vshll.u32 v26, $0x10  }
0x48: {  	v21 =	vld [tilespmem:s13+$0xFFFFFFF0];
	v29 =	vand.u32 $0xFFFF0000, v26;
	v23 =	vadd.f32 v23, v20;
	v19 =	vadd.f32 v19, v24  }
0x49: {  	s16 =	simm.s32 $0x11640;
	v20 =	vld [tilespmem:s14+$0x30];
	v26 =	vmul.bf16 v28, v31;
	v24 =	vshll.u32 v25, $0x10;
	v25 =	vand.u32 $0xFFFF0000, v25  }
0x4a: {  	s17 =	simm.s32 $0x0;
	s18 =	simm.s32 $0x4FA0;
	[tilespmem:s16+$0x10] =	vst v63;
	s14 =	simm.s32 $0x100;
	v27 =	vadd.f32 v29, v27;
	v25 =	vadd.f32 v25, v24;
	v24 =	vld [tilespmem:s13+$0x30]  }
.LBB2_3:
0x4b: {  	v28 =	vld [tilespmem:s18+$0x60];
	v18 =	vmul.bf16 v22, v18;
	v22 =	vshll.u32 v26, $0x10;
	v26 =	vand.u32 $0xFFFF0000, v26  }
0x4c: {  	s13 =	sadd.s32 $0x100, s13;
	v29 =	vld [tilespmem:s18+$0x40];
	v23 =	vadd.f32 v27, v23;
	v22 =	vadd.f32 v26, v22  }
0x4d: {  	v26 =	vld [tilespmem:s13+$0x40];
	v27 =	vshll.u32 v18, $0x10;
	v18 =	vand.u32 $0xFFFF0000, v18;
	v17 =	vmul.bf16 v21, v17  }
0x4e: {  	v16 =	vadd.f32 v25, v16;
	v21 =	vld [tilespmem:s18+$0x50];
	v19 =	vadd.f32 v22, v19  }
0x4f: {  	s17 =	sadd.s32 $0x4, s17;
	v22 =	vld [tilespmem:s13+$0x50];
	v25 =	vshll.u32 v17, $0x10;
	v17 =	vand.u32 $0xFFFF0000, v17;
	v20 =	vmul.bf16 v24, v20  }
0x50: {  	p0 =	slt.u32 s17, $0x7C;
	v18 =	vadd.f32 v18, v27;
	v24 =	vld [tilespmem:s13+$0x60];
	v17 =	vadd.f32 v17, v25  }
0x51: {  	v25 =	vld [tilespmem:s13+$0xFFFFFF80];
	v27 =	vshll.u32 v20, $0x10;
	v20 =	vand.u32 $0xFFFF0000, v20  }
0x52: {  	v18 =	vadd.f32 v18, v23;
	v30 =	vld [tilespmem:s18+$0x70];
	v20 =	vadd.f32 v20, v27  }
0x53: {  	v23 =	vmul.bf16 v26, v29;
	v16 =	vadd.f32 v17, v16;
	v26 =	vld [tilespmem:s13+$0x70]  }
0x54: {  	v17 =	vld [tilespmem:s18+$0xFFFFFF90];
	v21 =	vmul.bf16 v22, v21;
	[tilespmem:s16+$0xFFFFFFE0] =	vst v18;
	v18 =	vadd.f32 v20, v19  }
0x55: {  	v20 =	vshll.u32 v23, $0x10;
	v19 =	vld [tilespmem:s13+$0xFFFFFF90];
	v22 =	vmul.bf16 v24, v28;
	[tilespmem:s16+$0xFFFFFFF0] =	vst v16  }
0x56: {  	v23 =	vand.u32 $0xFFFF0000, v23;
	v16 =	vld [tilespmem:s18+$0xFFFFFFC0];
	v24 =	vshll.u32 v21, $0x10;
	v21 =	vand.u32 $0xFFFF0000, v21;
	[tilespmem:s16+$0x0] =	vst v18  }
0x57: {  	v20 =	vadd.f32 v23, v20;
	v18 =	vld [tilespmem:s13+$0xFFFFFFC0];
	v21 =	vadd.f32 v21, v24  }
0x58: {  	v24 =	vshll.u32 v22, $0x10;
	v22 =	vand.u32 $0xFFFF0000, v22;
	v23 =	vld [tilespmem:s18+$0xFFFFFFD0];
	v26 =	vmul.bf16 v26, v30  }
0x59: {  	v27 =	vld [tilespmem:s13+$0xFFFFFFD0];
	v20 =	vadd.f32 v21, v20;
	v21 =	vadd.f32 v22, v24  }
0x5a: {  	v17 =	vmul.bf16 v19, v17;
	v19 =	vld [tilespmem:s18+$0x0];
	v22 =	vshll.u32 v26, $0x10;
	v24 =	vand.u32 $0xFFFF0000, v26  }
0x5b: {  	v26 =	vld [tilespmem:s13+$0x0];
	v20 =	vadd.f32 v21, v20;
	v21 =	vadd.f32 v24, v22  }
0x5c: {  	v22 =	vshll.u32 v17, $0x10;
	v17 =	vand.u32 $0xFFFF0000, v17;
	v16 =	vmul.bf16 v18, v16;
	v18 =	vld [tilespmem:s18+$0x10]  }
0x5d: {  	v24 =	vadd.f32 v17, v22;
	v17 =	vld [tilespmem:s13+$0x10];
	v20 =	vadd.f32 v21, v20  }
0x5e: {  	s16 =	sadd.s32 $0x40, s16;
	v21 =	vld [tilespmem:s18+$0xFFFFFF80];
	v22 =	vshll.u32 v16, $0x10;
	v16 =	vand.u32 $0xFFFF0000, v16;
	v23 =	vmul.bf16 v27, v23  }
0x5f: {  	v27 =	vld [tilespmem:s18+$0xFFFFFFA0];
	v16 =	vadd.f32 v16, v22;
	[tilespmem:s16+$0x10] =	vst v20  }
0x60: {  	v20 =	vld [tilespmem:s13+$0xFFFFFFA0];
	v22 =	vshll.u32 v23, $0x10;
	v23 =	vand.u32 $0xFFFF0000, v23;
	v19 =	vmul.bf16 v26, v19  }
0x61: {  	v22 =	vadd.f32 v23, v22;
	v23 =	vld [tilespmem:s18+$0xFFFFFFE0]  }
0x62: {  	v26 =	vld [tilespmem:s13+$0xFFFFFFE0];
	v28 =	vshll.u32 v19, $0x10;
	v19 =	vand.u32 $0xFFFF0000, v19;
	v17 =	vmul.bf16 v17, v18  }
0x63: {  	v18 =	vmul.bf16 v25, v21;
	v16 =	vadd.f32 v22, v16;
	v19 =	vadd.f32 v19, v28;
	v25 =	vld [tilespmem:s18+$0x20]  }
0x64: {  	v21 =	vshll.u32 v17, $0x10;
	v17 =	vand.u32 $0xFFFF0000, v17;
	v28 =	vld [tilespmem:s13+$0x20]  }
0x65: {  	v22 =	vshll.u32 v18, $0x10;
	v29 =	vand.u32 $0xFFFF0000, v18;
	v20 =	vmul.bf16 v20, v27;
	v18 =	vld [tilespmem:s18+$0xFFFFFFB0]  }
.Ltmp0:
0x66: {  	v27 =	vadd.f32 v29, v22;
	v22 =	vld [tilespmem:s13+$0xFFFFFFB0];
	v29 =	vadd.f32 v17, v21;
	(pc) =	sbr.rel @p0 .LBB2_3-.Ltmp0, $4  }
0x67: {  	v30 =	vshll.u32 v20, $0x10;
	v31 =	vand.u32 $0xFFFF0000, v20;
	v20 =	vmul.bf16 v26, v23;
	v17 =	vld [tilespmem:s18+$0xFFFFFFF0]  }
0x68: {  	v23 =	vadd.f32 v24, v27;
	v21 =	vld [tilespmem:s13+$0xFFFFFFF0];
	v19 =	vadd.f32 v29, v19  }
0x69: {  	v24 =	vshll.u32 v20, $0x10;
	v29 =	vand.u32 $0xFFFF0000, v20;
	v26 =	vmul.bf16 v28, v25;
	v20 =	vld [tilespmem:s18+$0x30]  }
0x6a: {  	v27 =	vadd.f32 v31, v30;
	s18 =	sadd.s32 $0x100, s18;
	v25 =	vadd.f32 v29, v24;
	v24 =	vld [tilespmem:s13+$0x30]  }
0x6b: {  	_ = 	snop  }
0x6c: {  	v18 =	vmul.bf16 v22, v18;
	v22 =	vshll.u32 v26, $0x10;
	v26 =	vand.u32 $0xFFFF0000, v26  }
0x6d: {  	v23 =	vadd.f32 v27, v23;
	v22 =	vadd.f32 v26, v22  }
0x6e: {  	v16 =	vadd.f32 v25, v16;
	v26 =	vshll.u32 v18, $0x10;
	v17 =	vmul.bf16 v21, v17  }
0x6f: {  	v18 =	vand.u32 $0xFFFF0000, v18;
	v19 =	vadd.f32 v22, v19;
	v20 =	vmul.bf16 v24, v20  }
0x70: {  	v18 =	vadd.f32 v18, v26;
	v21 =	vshll.u32 v17, $0x10;
	v17 =	vand.u32 $0xFFFF0000, v17  }
0x71: {  	v17 =	vadd.f32 v17, v21;
	v21 =	vshll.u32 v20, $0x10;
	v20 =	vand.u32 $0xFFFF0000, v20  }
0x72: {  	s13 =	simm.s32 $0x0;
	v18 =	vadd.f32 v18, v23;
	v20 =	vadd.f32 v20, v21;
	v21 =	vor.u32 s14, v0  }
0x73: {  	v16 =	vadd.f32 v17, v16;
	v17 =	vor.u32 s13, v0  }
0x74: {  	v22 =	vor.u32 s13, v3;
	[tilespmem:s16+$0xFFFFFFE0] =	vst v18;
	v18 =	vadd.f32 v20, v19  }
0x75: {  	v23 =	vor.u32 s14, v3;
	[tilespmem:s16+$0xFFFFFFF0] =	vst v16  }
0x76: {  	v24 =	vor.u32 s13, v4;
	[tilespmem:s16+$0x0] =	vst v18  }
0x77: {  	v25 =	vor.u32 s14, v4;
	v21 =	vld.idx.msk [tilespmem:v21+s24+$0x0], $0xffff  }
0x78: {  	v26 =	vor.u32 s13, v5;
	v17 =	vld.idx.msk [tilespmem:v17+s24+$0x0], $0xffff  }
0x79: {  	v27 =	vor.u32 s14, v5;
	v22 =	vld.idx.msk [tilespmem:v22+s24+$0x0], $0xffff  }
0x7a: {  	v28 =	vor.u32 s13, v6;
	v23 =	vld.idx.msk [tilespmem:v23+s24+$0x0], $0xffff  }
0x7b: {  	v29 =	vor.u32 s14, v6;
	v24 =	vld.idx.msk [tilespmem:v24+s24+$0x0], $0xffff  }
0x7c: {  	v30 =	vor.u32 s13, v7;
	v25 =	vld.idx.msk [tilespmem:v25+s24+$0x0], $0xffff  }
0x7d: {  	v31 =	vor.u32 s14, v7;
	v26 =	vld.idx.msk [tilespmem:v26+s24+$0x0], $0xffff  }
0x7e: {  	v32 =	vor.u32 s13, v8;
	v27 =	vld.idx.msk [tilespmem:v27+s24+$0x0], $0xffff  }
0x7f: {  	v33 =	vor.u32 s14, v8;
	v28 =	vld.idx.msk [tilespmem:v28+s24+$0x0], $0xffff  }
0x80: {  	v34 =	vor.u32 s13, v9;
	v29 =	vld.idx.msk [tilespmem:v29+s24+$0x0], $0xffff  }
0x81: {  	v35 =	vor.u32 s14, v9;
	v30 =	vld.idx.msk [tilespmem:v30+s24+$0x0], $0xffff  }
0x82: {  	v36 =	vor.u32 s13, v10;
	v31 =	vld.idx.msk [tilespmem:v31+s24+$0x0], $0xffff  }
0x83: {  	v37 =	vor.u32 s14, v10;
	v32 =	vld.idx.msk [tilespmem:v32+s24+$0x0], $0xffff  }
0x84: {  	v38 =	vor.u32 s13, v11;
	v33 =	vld.idx.msk [tilespmem:v33+s24+$0x0], $0xffff  }
0x85: {  	v39 =	vor.u32 s14, v11;
	v34 =	vld.idx.msk [tilespmem:v34+s24+$0x0], $0xffff  }
0x86: {  	v40 =	vor.u32 s13, v12;
	v35 =	vld.idx.msk [tilespmem:v35+s24+$0x0], $0xffff  }
0x87: {  	v19 =	vor.u32 s13, v1;
	v36 =	vld.idx.msk [tilespmem:v36+s24+$0x0], $0xffff  }
0x88: {  	v16 =	vor.u32 s14, v1;
	v37 =	vld.idx.msk [tilespmem:v37+s24+$0x0], $0xffff  }
0x89: {  	v20 =	vor.u32 s14, v2;
	v38 =	vld.idx.msk [tilespmem:v38+s24+$0x0], $0xffff  }
0x8a: {  	v18 =	vor.u32 s13, v2;
	v39 =	vld.idx.msk [tilespmem:v39+s24+$0x0], $0xffff  }
0x8b: {  	v41 =	vor.u32 s14, v12;
	v40 =	vld.idx.msk [tilespmem:v40+s24+$0x0], $0xffff  }
0x8c: {  	v42 =	vor.u32 s13, v13;
	v19 =	vld.idx.msk [tilespmem:v19+s24+$0x0], $0xffff  }
0x8d: {  	v44 =	vor.u32 s13, v14;
	v16 =	vld.idx.msk [tilespmem:v16+s24+$0x0], $0xffff  }
0x8e: {  	v46 =	vor.u32 s13, v15;
	v20 =	vld.idx.msk [tilespmem:v20+s24+$0x0], $0xffff  }
0x8f: {  	v47 =	vor.u32 s14, v15;
	s17 =	simm.s32 $0x300;
	v18 =	vld.idx.msk [tilespmem:v18+s24+$0x0], $0xffff  }
0x90: {  	v55 =	vor.u32 s17, v4;
	v41 =	vld.idx.msk [tilespmem:v41+s24+$0x0], $0xffff  }
0x91: {  	v58 =	vor.u32 s17, v8;
	v42 =	vld.idx.msk [tilespmem:v42+s24+$0x0], $0xffff  }
0x92: {  	s18 =	simm.s32 $0x200;
	v44 =	vld.idx.msk [tilespmem:v44+s24+$0x0], $0xffff;
	v17 =	vadd.f32 v19, v17;
	v16 =	vadd.f32 v16, v21;
	v19 =	vor.u32 s17, v0  }
0x93: {  	v52 =	vor.u32 s18, v0;
	v46 =	vld.idx.msk [tilespmem:v46+s24+$0x0], $0xffff  }
0x94: {  	v47 =	vld.idx.msk [tilespmem:v47+s24+$0x0], $0xffff;
	v17 =	vadd.f32 v18, v17;
	v16 =	vadd.f32 v20, v16;
	v18 =	vor.u32 s18, v1  }
0x95: {  	v53 =	vor.u32 s17, v1;
	v57 =	vld.idx.msk [tilespmem:v55+s24+$0x0], $0xffff  }
0x96: {  	v60 =	vld.idx.msk [tilespmem:v58+s24+$0x0], $0xffff;
	v17 =	vadd.f32 v22, v17;
	v16 =	vadd.f32 v23, v16;
	v22 =	vor.u32 s18, v2  }
0x97: {  	v23 =	vor.u32 s17, v2;
	v19 =	vld.idx.msk [tilespmem:v19+s24+$0x0], $0xffff  }
0x98: {  	v17 =	vadd.f32 v24, v17;
	v16 =	vadd.f32 v25, v16;
	v24 =	vld.idx.msk [tilespmem:v52+s24+$0x0], $0xffff;
	v25 =	vor.u32 s18, v3  }
0x99: {  	v54 =	vor.u32 s17, v3;
	v18 =	vld.idx.msk [tilespmem:v18+s24+$0x0], $0xffff  }
0x9a: {  	v43 =	vor.u32 s14, v13;
	v17 =	vadd.f32 v26, v17;
	v16 =	vadd.f32 v27, v16;
	v27 =	vld.idx.msk [tilespmem:v53+s24+$0x0], $0xffff  }
0x9b: {  	v26 =	vor.u32 s18, v4;
	v22 =	vld.idx.msk [tilespmem:v22+s24+$0x0], $0xffff  }
0x9c: {  	v23 =	vld.idx.msk [tilespmem:v23+s24+$0x0], $0xffff;
	v17 =	vadd.f32 v28, v17;
	v16 =	vadd.f32 v29, v16;
	v28 =	vor.u32 s18, v5  }
0x9d: {  	v29 =	vor.u32 s17, v5;
	v25 =	vld.idx.msk [tilespmem:v25+s24+$0x0], $0xffff  }
0x9e: {  	v17 =	vadd.f32 v30, v17;
	v16 =	vadd.f32 v31, v16;
	v30 =	vor.u32 s18, v6;
	v31 =	vld.idx.msk [tilespmem:v54+s24+$0x0], $0xffff  }
0x9f: {  	v21 =	vld.idx.msk [tilespmem:v43+s24+$0x0], $0xffff;
	v18 =	vadd.f32 v18, v24;
	v24 =	vor.u32 s17, v6;
	v19 =	vadd.f32 v27, v19  }
0xa0: {  	v56 =	vor.u32 s18, v7;
	v26 =	vld.idx.msk [tilespmem:v26+s24+$0x0], $0xffff;
	v17 =	vadd.f32 v32, v17;
	v16 =	vadd.f32 v33, v16  }
0xa1: {  	v18 =	vadd.f32 v22, v18;
	v22 =	vor.u32 s17, v7;
	v27 =	vld.idx.msk [tilespmem:v28+s24+$0x0], $0xffff;
	v19 =	vadd.f32 v23, v19  }
0xa2: {  	v28 =	vor.u32 s18, v8;
	v29 =	vld.idx.msk [tilespmem:v29+s24+$0x0], $0xffff;
	v17 =	vadd.f32 v34, v17;
	v16 =	vadd.f32 v35, v16  }
0xa3: {  	v45 =	vor.u32 s14, v14;
	v18 =	vadd.f32 v25, v18;
	v23 =	vld.idx.msk [tilespmem:v30+s24+$0x0], $0xffff;
	v19 =	vadd.f32 v31, v19  }
0xa4: {  	v25 =	vor.u32 s18, v9;
	v24 =	vld.idx.msk [tilespmem:v24+s24+$0x0], $0xffff;
	v17 =	vadd.f32 v36, v17;
	v16 =	vadd.f32 v37, v16  }
0xa5: {  	v30 =	vor.u32 s17, v9;
	v18 =	vadd.f32 v26, v18;
	v26 =	vld.idx.msk [tilespmem:v56+s24+$0x0], $0xffff;
	v19 =	vadd.f32 v57, v19  }
0xa6: {  	v31 =	vor.u32 s18, v10;
	v22 =	vld.idx.msk [tilespmem:v22+s24+$0x0], $0xffff;
	v17 =	vadd.f32 v38, v17;
	v16 =	vadd.f32 v39, v16  }
0xa7: {  	v18 =	vadd.f32 v27, v18;
	v27 =	vld.idx.msk [tilespmem:v28+s24+$0x0], $0xffff;
	v28 =	vor.u32 s18, v11;
	v19 =	vadd.f32 v29, v19  }
0xa8: {  	v61 =	vor.u32 s17, v11;
	v20 =	vld.idx.msk [tilespmem:v45+s24+$0x0], $0xffff;
	v17 =	vadd.f32 v40, v17;
	v16 =	vadd.f32 v41, v16  }
0xa9: {  	v59 =	vor.u32 s17, v10;
	v25 =	vld.idx.msk [tilespmem:v25+s24+$0x0], $0xffff;
	v18 =	vadd.f32 v23, v18;
	v19 =	vadd.f32 v24, v19  }
0xaa: {  	v29 =	vld.idx.msk [tilespmem:v30+s24+$0x0], $0xffff;
	v17 =	vadd.f32 v42, v17;
	v16 =	vadd.f32 v21, v16;
	v21 =	vor.u32 s18, v12  }
0xab: {  	v30 =	vor.u32 s17, v12;
	v31 =	vld.idx.msk [tilespmem:v31+s24+$0x0], $0xffff;
	v18 =	vadd.f32 v26, v18  }
0xac: {  	v62 =	vor.u32 s18, v13;
	v22 =	vadd.f32 v22, v19;
	v23 =	vld.idx.msk [tilespmem:v28+s24+$0x0], $0xffff;
	v17 =	vadd.f32 v44, v17  }
0xad: {  	v19 =	vld.idx.msk [tilespmem:v61+s24+$0x0], $0xffff;
	v16 =	vadd.f32 v20, v16;
	v24 =	vadd.f32 v27, v18;
	v18 =	vor.u32 s17, v13  }
0xae: {  	v20 =	vld.idx.msk [tilespmem:v59+s24+$0x0], $0xffff;
	v27 =	vor.u32 s18, v14;
	v63 =	vadd.f32 v60, v22;
	v26 =	vadd.f32 v46, v17  }
0xaf: {  	v28 =	vadd.f32 v47, v16;
	v25 =	vadd.f32 v25, v24;
	v17 =	vor.u32 s17, v14;
	v22 =	vld.idx.msk [tilespmem:v21+s24+$0x0], $0xffff  }
0xb0: {  	v21 =	vld.idx.msk [tilespmem:v30+s24+$0x0], $0xffff;
	[tilespmem:s31+$0xFFFFFFF0] =	vst v26;
	v26 =	vor.u32 s18, v15  }
0xb1: {  	s14 =	simm.s32 $0x2;
	s16 =	simm.s32 $0x500;
	s13 =	smov.u32 s31;
	v16 =	vor.u32 s17, v15;
	v24 =	vadd.f32 v29, v63;
	[tilespmem:s31+$0x0] =	vst v28;
	v28 =	vadd.f32 v31, v25;
	v25 =	vld.idx.msk [tilespmem:v62+s24+$0x0], $0xffff  }
.LBB2_5:
0xb2: {  	s17 =	sadd.s32 $0xFFFFFF00, s16;
	v29 =	vor.u32 s16, v0;
	v30 =	vor.u32 s16, v1;
	v31 =	vor.u32 s16, v2;
	v32 =	vld.idx.msk [tilespmem:v18+s24+$0x0], $0xffff  }
0xb3: {  	v33 =	vor.u32 s16, v3;
	s14 =	sadd.s32 $0x2, s14;
	v18 =	vor.u32 s17, v0;
	v23 =	vadd.f32 v23, v28;
	v27 =	vld.idx.msk [tilespmem:v27+s24+$0x0], $0xffff  }
0xb4: {  	v34 =	vor.u32 s16, v4;
	v35 =	vor.u32 s16, v5;
	v28 =	vor.u32 s17, v1;
	p0 =	slt.u32 s14, $0x6;
	v36 =	vld.idx.msk [tilespmem:v17+s24+$0x0], $0xffff  }
0xb5: {  	v37 =	vor.u32 s16, v6;
	v38 =	vor.u32 s16, v7;
	v17 =	vadd.f32 v22, v23;
	v22 =	vld.idx.msk [tilespmem:v26+s24+$0x0], $0xffff  }
0xb6: {  	v39 =	vor.u32 s16, v9;
	v23 =	vor.u32 s17, v2;
	v26 =	vor.u32 s16, v8;
	v40 =	vld.idx.msk [tilespmem:v16+s24+$0x0], $0xffff  }
0xb7: {  	v41 =	vor.u32 s16, v10;
	v42 =	vor.u32 s16, v11;
	v29 =	vld.idx.msk [tilespmem:v29+s24+$0x0], $0xffff;
	v16 =	vadd.f32 v25, v17  }
0xb8: {  	v44 =	vor.u32 s16, v12;
	v20 =	vadd.f32 v20, v24;
	v43 =	vor.u32 s17, v3;
	v25 =	vld.idx.msk [tilespmem:v18+s24+$0x0], $0xffff  }
0xb9: {  	v17 =	vor.u32 s16, v14;
	v18 =	vor.u32 s16, v13;
	v24 =	vld.idx.msk [tilespmem:v28+s24+$0x0], $0xffff;
	v27 =	vadd.f32 v27, v16  }
0xba: {  	v19 =	vadd.f32 v19, v20;
	v28 =	vor.u32 s17, v4;
	v16 =	vor.u32 s16, v15;
	v30 =	vld.idx.msk [tilespmem:v30+s24+$0x0], $0xffff  }
0xbb: {  	v20 =	vld.idx.msk [tilespmem:v23+s24+$0x0], $0xffff;
	v22 =	vadd.f32 v22, v27  }
0xbc: {  	s13 =	sadd.s32 $0x20, s13;
	v19 =	vadd.f32 v21, v19;
	v23 =	vor.u32 s17, v5;
	v27 =	vld.idx.msk [tilespmem:v31+s24+$0x0], $0xffff  }
0xbd: {  	v21 =	vld.idx.msk [tilespmem:v43+s24+$0x0], $0xffff;
	[tilespmem:s13+$0xFFFFFFF0] =	vst v22  }
0xbe: {  	v19 =	vadd.f32 v32, v19;
	v22 =	vor.u32 s17, v6;
	v31 =	vld.idx.msk [tilespmem:v33+s24+$0x0], $0xffff  }
0xbf: {  	v24 =	vadd.f32 v24, v25;
	v25 =	vld.idx.msk [tilespmem:v28+s24+$0x0], $0xffff  }
0xc0: {  	v19 =	vadd.f32 v36, v19;
	v28 =	vor.u32 s17, v7;
	v29 =	vadd.f32 v30, v29;
	v30 =	vld.idx.msk [tilespmem:v34+s24+$0x0], $0xffff  }
0xc1: {  	v20 =	vadd.f32 v20, v24;
	v23 =	vld.idx.msk [tilespmem:v23+s24+$0x0], $0xffff  }
0xc2: {  	v19 =	vadd.f32 v40, v19;
	v24 =	vor.u32 s17, v8;
	v27 =	vadd.f32 v27, v29;
	v29 =	vld.idx.msk [tilespmem:v35+s24+$0x0], $0xffff  }
0xc3: {  	v20 =	vadd.f32 v21, v20;
	v21 =	vld.idx.msk [tilespmem:v22+s24+$0x0], $0xffff  }
0xc4: {  	v22 =	vor.u32 s17, v9;
	v27 =	vadd.f32 v31, v27;
	v31 =	vld.idx.msk [tilespmem:v37+s24+$0x0], $0xffff;
	[tilespmem:s13+$0x0] =	vst v19  }
0xc5: {  	v19 =	vadd.f32 v25, v20;
	v20 =	vld.idx.msk [tilespmem:v28+s24+$0x0], $0xffff  }
0xc6: {  	v25 =	vor.u32 s17, v10;
	v27 =	vadd.f32 v30, v27;
	v28 =	vld.idx.msk [tilespmem:v38+s24+$0x0], $0xffff  }
0xc7: {  	v19 =	vadd.f32 v23, v19;
	v23 =	vld.idx.msk [tilespmem:v24+s24+$0x0], $0xffff  }
0xc8: {  	v24 =	vor.u32 s17, v11;
	v27 =	vadd.f32 v29, v27;
	v26 =	vld.idx.msk [tilespmem:v26+s24+$0x0], $0xffff  }
0xc9: {  	v19 =	vadd.f32 v21, v19;
	v21 =	vld.idx.msk [tilespmem:v22+s24+$0x0], $0xffff  }
0xca: {  	v22 =	vor.u32 s17, v12;
	v27 =	vadd.f32 v31, v27;
	v29 =	vld.idx.msk [tilespmem:v39+s24+$0x0], $0xffff  }
0xcb: {  	v19 =	vadd.f32 v20, v19;
	v25 =	vld.idx.msk [tilespmem:v25+s24+$0x0], $0xffff  }
0xcc: {  	v30 =	vor.u32 s17, v13;
	v28 =	vadd.f32 v28, v27;
	v20 =	vld.idx.msk [tilespmem:v41+s24+$0x0], $0xffff  }
.Ltmp1:
0xcd: {  	v31 =	vadd.f32 v23, v19;
	v23 =	vld.idx.msk [tilespmem:v24+s24+$0x0], $0xffff;
	(pc) =	sbr.rel @p0 .LBB2_5-.Ltmp1, $4  }
0xce: {  	v27 =	vor.u32 s17, v14;
	v24 =	vadd.f32 v26, v28;
	v19 =	vld.idx.msk [tilespmem:v42+s24+$0x0], $0xffff  }
0xcf: {  	v28 =	vadd.f32 v21, v31;
	v22 =	vld.idx.msk [tilespmem:v22+s24+$0x0], $0xffff  }
0xd0: {  	v26 =	vor.u32 s17, v15;
	v24 =	vadd.f32 v29, v24;
	v21 =	vld.idx.msk [tilespmem:v44+s24+$0x0], $0xffff  }
0xd1: {  	s16 =	sadd.s32 $0x200, s16;
	v28 =	vadd.f32 v25, v28;
	v25 =	vld.idx.msk [tilespmem:v30+s24+$0x0], $0xffff  }
0xd2: {  	_ =	sdelay $0x2  }
0xd3: {  	v20 =	vadd.f32 v20, v24  }
0xd4: {  	v18 =	vld.idx.msk [tilespmem:v18+s24+$0x0], $0xffff;
	v23 =	vadd.f32 v23, v28  }
0xd5: {  	v24 =	vld.idx.msk [tilespmem:v27+s24+$0x0], $0xffff;
	v19 =	vadd.f32 v19, v20  }
0xd6: {  	v17 =	vld.idx.msk [tilespmem:v17+s24+$0x0], $0xffff;
	v20 =	vadd.f32 v22, v23  }
0xd7: {  	v22 =	vld.idx.msk [tilespmem:v26+s24+$0x0], $0xffff;
	v19 =	vadd.f32 v21, v19  }
0xd8: {  	v16 =	vld.idx.msk [tilespmem:v16+s24+$0x0], $0xffff;
	v20 =	vadd.f32 v25, v20  }
0xd9: {  	v18 =	vadd.f32 v18, v19  }
0xda: {  	v19 =	vadd.f32 v24, v20  }
0xdb: {  	v17 =	vadd.f32 v17, v18  }
0xdc: {  	v18 =	vadd.f32 v22, v19  }
0xdd: {  	s13 =	sadd.s32 $0x20, s13;
	v16 =	vadd.f32 v16, v17  }
0xde: {  	p0 =	seq.s32 s11, $0x19;
	[tilespmem:s13+$0xFFFFFFF0] =	vst v18  }
0xdf: {  	s14 =	simm.s32 @!p0 $0x80;
	s16 =	simm.s32 @!p0 $0x4E20;
	[tilespmem:s13+$0x0] =	vst v16;
	s13 =	sadd.s32 @!p0 $0x180, s12  }
0xe0: {  	[tilespmem:s16], [sflag:$0x1] =	stream.indirect.gather @!p0 [hbm4b:s2+s14], $0x40, s13, s14, $0xb8;
	[tilespmem:$0x14530] =	vst v63  }
0xe1: {  	s13 =	sadd.s32 @!p0 $0x2890, s12;
	s16 =	simm.s32 @!p0 $0x6E20  }
0xe2: {  	[tilespmem:s16], [sflag:$0x1] =	stream.indirect.gather @!p0 [hbm4b:s2+s14], $0x40, s13, s14, $0xb8;
	[tilespmem:$0x14530] =	vst v63  }
0xe3: {  	_ =	swait.ge [sflag:s25], $0x2000  }
0xe4: {  	[sflag:s25] =	ssyncset.done $0x0  }
0xe5: {  	[sflag:s25] =	ssyncadd.s32 $0xFFFFE000  }
0xe6: {  	_ =	swait.ge [sflag:s25], $0x2000  }
0xe7: {  	[sflag:s25] =	ssyncset.done $0x0  }
0xe8: {  	s18 =	simm.s32 $0x8EA0;
	[sflag:s25] =	ssyncadd.s32 $0xFFFFE000  }
0xe9: {  	v16 =	vld [tilespmem:s18+$0x60]  }
0xea: {  	s13 =	simm.s32 $0xAEA0;
	v17 =	vld [tilespmem:s18+$0x40]  }
0xeb: {  	v18 =	vld [tilespmem:s13+$0x40]  }
0xec: {  	v19 =	vld [tilespmem:s18+$0x50]  }
0xed: {  	v20 =	vld [tilespmem:s13+$0x50]  }
0xee: {  	v21 =	vld [tilespmem:s13+$0x60]  }
0xef: {  	v23 =	vld [tilespmem:s18+$0x70]  }
0xf0: {  	v24 =	vld [tilespmem:s13+$0x70]  }
0xf1: {  	v25 =	vld [tilespmem:s18+$0xFFFFFF90]  }
0xf2: {  	v26 =	vld [tilespmem:s13+$0xFFFFFF90]  }
0xf3: {  	v29 =	vld [tilespmem:s13+$0xFFFFFFD0];
	v17 =	vmul.bf16 v18, v17  }
0xf4: {  	v18 =	vld [tilespmem:s18+$0xFFFFFFC0];
	v19 =	vmul.bf16 v20, v19  }
0xf5: {  	v20 =	vld [tilespmem:s13+$0xFFFFFFC0];
	v16 =	vmul.bf16 v21, v16;
	v27 =	vshll.u32 v17, $0x10  }
0xf6: {  	v21 =	vld [tilespmem:s18+$0xFFFFFFD0];
	v17 =	vand.u32 $0xFFFF0000, v17;
	v28 =	vshll.u32 v19, $0x10;
	v19 =	vand.u32 $0xFFFF0000, v19  }
0xf7: {  	v22 =	vld [tilespmem:s13+$0xFFFFFF80];
	v17 =	vadd.f32 v17, v27;
	v19 =	vadd.f32 v19, v28  }
0xf8: {  	v23 =	vmul.bf16 v24, v23;
	v24 =	vld [tilespmem:s13+$0x0];
	v28 =	vshll.u32 v16, $0x10;
	v16 =	vand.u32 $0xFFFF0000, v16  }
0xf9: {  	v27 =	vld [tilespmem:s18+$0x0];
	v16 =	vadd.f32 v16, v28;
	v17 =	vadd.f32 v19, v17  }
0xfa: {  	v25 =	vmul.bf16 v26, v25;
	v26 =	vshll.u32 v23, $0x10;
	v23 =	vand.u32 $0xFFFF0000, v23;
	v28 =	vld [tilespmem:s13+$0x10]  }
0xfb: {  	v18 =	vmul.bf16 v20, v18;
	v20 =	vld [tilespmem:s18+$0xFFFFFF80];
	v21 =	vmul.bf16 v29, v21;
	v16 =	vadd.f32 v16, v17  }
0xfc: {  	v19 =	vld [tilespmem:s18+$0x10];
	v17 =	vadd.f32 v23, v26;
	v23 =	vshll.u32 v25, $0x10;
	v25 =	vand.u32 $0xFFFF0000, v25  }
0xfd: {  	v29 =	vld [tilespmem:s13+$0xFFFFFFA0];
	v30 =	vshll.u32 v21, $0x10;
	v21 =	vand.u32 $0xFFFF0000, v21;
	v23 =	vadd.f32 v25, v23  }
0xfe: {  	v26 =	vld [tilespmem:s18+$0xFFFFFFA0];
	v25 =	vshll.u32 v18, $0x10;
	v18 =	vand.u32 $0xFFFF0000, v18;
	v24 =	vmul.bf16 v24, v27  }
0xff: {  	v27 =	vld [tilespmem:s18+$0xFFFFFFE0];
	v21 =	vadd.f32 v21, v30;
	v18 =	vadd.f32 v18, v25  }
0x100: {  	v25 =	vld [tilespmem:s13+$0xFFFFFFE0];
	v63 =	vadd.f32 v17, v16;
	v17 =	vshll.u32 v24, $0x10;
	v20 =	vmul.bf16 v22, v20  }
0x101: {  	v31 =	vld [tilespmem:s18+$0x20];
	v24 =	vand.u32 $0xFFFF0000, v24;
	v19 =	vmul.bf16 v28, v19;
	v16 =	vadd.f32 v21, v18  }
0x102: {  	v28 =	vld [tilespmem:s13+$0x20];
	v32 =	vadd.f32 v24, v17;
	v21 =	vshll.u32 v20, $0x10;
	v20 =	vand.u32 $0xFFFF0000, v20  }
0x103: {  	v22 =	vld [tilespmem:s13+$0xFFFFFFB0];
	v26 =	vmul.bf16 v29, v26;
	v29 =	vshll.u32 v19, $0x10;
	v19 =	vand.u32 $0xFFFF0000, v19  }
0x104: {  	v18 =	vld [tilespmem:s18+$0xFFFFFFB0];
	v20 =	vadd.f32 v20, v21;
	v19 =	vadd.f32 v19, v29  }
0x105: {  	v17 =	vld [tilespmem:s18+$0xFFFFFFF0];
	v25 =	vmul.bf16 v25, v27;
	v27 =	vshll.u32 v26, $0x10  }
0x106: {  	v21 =	vld [tilespmem:s13+$0xFFFFFFF0];
	v29 =	vand.u32 $0xFFFF0000, v26;
	v24 =	vadd.f32 v23, v20;
	v19 =	vadd.f32 v19, v32  }
0x107: {  	s14 =	simm.s32 $0x11640;
	v20 =	vld [tilespmem:s18+$0x30];
	v26 =	vmul.bf16 v28, v31;
	v23 =	vshll.u32 v25, $0x10;
	v25 =	vand.u32 $0xFFFF0000, v25  }
0x108: {  	s17 =	simm.s32 $0x8FA0;
	s16 =	simm.s32 $0x0;
	[tilespmem:s14+$0x10] =	vst v63;
	v27 =	vadd.f32 v29, v27;
	v25 =	vadd.f32 v25, v23;
	v23 =	vld [tilespmem:s13+$0x30]  }
.LBB2_7:
0x109: {  	v28 =	vld [tilespmem:s17+$0x60];
	v18 =	vmul.bf16 v22, v18;
	v22 =	vshll.u32 v26, $0x10;
	v26 =	vand.u32 $0xFFFF0000, v26  }
0x10a: {  	s13 =	sadd.s32 $0x100, s13;
	v29 =	vld [tilespmem:s17+$0x40];
	v24 =	vadd.f32 v27, v24;
	v22 =	vadd.f32 v26, v22  }
0x10b: {  	v26 =	vld [tilespmem:s13+$0x40];
	v27 =	vshll.u32 v18, $0x10;
	v18 =	vand.u32 $0xFFFF0000, v18;
	v17 =	vmul.bf16 v21, v17  }
0x10c: {  	v16 =	vadd.f32 v25, v16;
	v21 =	vld [tilespmem:s17+$0x50];
	v19 =	vadd.f32 v22, v19  }
0x10d: {  	s16 =	sadd.s32 $0x4, s16;
	v22 =	vld [tilespmem:s13+$0x50];
	v25 =	vshll.u32 v17, $0x10;
	v17 =	vand.u32 $0xFFFF0000, v17;
	v20 =	vmul.bf16 v23, v20  }
0x10e: {  	p1 =	slt.u32 s16, $0x7C;
	v18 =	vadd.f32 v18, v27;
	v23 =	vld [tilespmem:s13+$0x60];
	v17 =	vadd.f32 v17, v25  }
0x10f: {  	v25 =	vld [tilespmem:s13+$0xFFFFFF80];
	v27 =	vshll.u32 v20, $0x10;
	v20 =	vand.u32 $0xFFFF0000, v20  }
0x110: {  	v18 =	vadd.f32 v18, v24;
	v30 =	vld [tilespmem:s17+$0x70];
	v20 =	vadd.f32 v20, v27  }
0x111: {  	v24 =	vmul.bf16 v26, v29;
	v16 =	vadd.f32 v17, v16;
	v26 =	vld [tilespmem:s13+$0x70]  }
0x112: {  	v17 =	vld [tilespmem:s17+$0xFFFFFF90];
	v21 =	vmul.bf16 v22, v21;
	[tilespmem:s14+$0xFFFFFFE0] =	vst v18;
	v18 =	vadd.f32 v20, v19  }
0x113: {  	v20 =	vshll.u32 v24, $0x10;
	v19 =	vld [tilespmem:s13+$0xFFFFFF90];
	v22 =	vmul.bf16 v23, v28;
	[tilespmem:s14+$0xFFFFFFF0] =	vst v16  }
0x114: {  	v23 =	vand.u32 $0xFFFF0000, v24;
	v16 =	vld [tilespmem:s17+$0xFFFFFFC0];
	v24 =	vshll.u32 v21, $0x10;
	v21 =	vand.u32 $0xFFFF0000, v21;
	[tilespmem:s14+$0x0] =	vst v18  }
0x115: {  	v20 =	vadd.f32 v23, v20;
	v18 =	vld [tilespmem:s13+$0xFFFFFFC0];
	v21 =	vadd.f32 v21, v24  }
0x116: {  	v24 =	vshll.u32 v22, $0x10;
	v22 =	vand.u32 $0xFFFF0000, v22;
	v23 =	vld [tilespmem:s17+$0xFFFFFFD0];
	v26 =	vmul.bf16 v26, v30  }
0x117: {  	v27 =	vld [tilespmem:s13+$0xFFFFFFD0];
	v20 =	vadd.f32 v21, v20;
	v21 =	vadd.f32 v22, v24  }
0x118: {  	v17 =	vmul.bf16 v19, v17;
	v19 =	vld [tilespmem:s17+$0x0];
	v22 =	vshll.u32 v26, $0x10;
	v24 =	vand.u32 $0xFFFF0000, v26  }
0x119: {  	v26 =	vld [tilespmem:s13+$0x0];
	v20 =	vadd.f32 v21, v20;
	v21 =	vadd.f32 v24, v22  }
0x11a: {  	v22 =	vshll.u32 v17, $0x10;
	v17 =	vand.u32 $0xFFFF0000, v17;
	v16 =	vmul.bf16 v18, v16;
	v18 =	vld [tilespmem:s17+$0x10]  }
0x11b: {  	v24 =	vadd.f32 v17, v22;
	v17 =	vld [tilespmem:s13+$0x10];
	v20 =	vadd.f32 v21, v20  }
0x11c: {  	s14 =	sadd.s32 $0x40, s14;
	v21 =	vld [tilespmem:s17+$0xFFFFFF80];
	v22 =	vshll.u32 v16, $0x10;
	v16 =	vand.u32 $0xFFFF0000, v16;
	v23 =	vmul.bf16 v27, v23  }
0x11d: {  	s18 =	simm.s32 $0x100;
	v27 =	vld [tilespmem:s17+$0xFFFFFFA0];
	v16 =	vadd.f32 v16, v22;
	[tilespmem:s14+$0x10] =	vst v20  }
0x11e: {  	v20 =	vld [tilespmem:s13+$0xFFFFFFA0];
	v22 =	vshll.u32 v23, $0x10;
	v23 =	vand.u32 $0xFFFF0000, v23;
	v19 =	vmul.bf16 v26, v19  }
0x11f: {  	v22 =	vadd.f32 v23, v22;
	v23 =	vld [tilespmem:s17+$0xFFFFFFE0]  }
0x120: {  	v26 =	vld [tilespmem:s13+$0xFFFFFFE0];
	v28 =	vshll.u32 v19, $0x10;
	v19 =	vand.u32 $0xFFFF0000, v19;
	v17 =	vmul.bf16 v17, v18  }
0x121: {  	v18 =	vmul.bf16 v25, v21;
	v16 =	vadd.f32 v22, v16;
	v19 =	vadd.f32 v19, v28;
	v25 =	vld [tilespmem:s17+$0x20]  }
0x122: {  	v21 =	vshll.u32 v17, $0x10;
	v17 =	vand.u32 $0xFFFF0000, v17;
	v28 =	vld [tilespmem:s13+$0x20]  }
0x123: {  	v22 =	vshll.u32 v18, $0x10;
	v29 =	vand.u32 $0xFFFF0000, v18;
	v20 =	vmul.bf16 v20, v27;
	v18 =	vld [tilespmem:s17+$0xFFFFFFB0]  }
.Ltmp2:
0x124: {  	v27 =	vadd.f32 v29, v22;
	v22 =	vld [tilespmem:s13+$0xFFFFFFB0];
	v29 =	vadd.f32 v17, v21;
	(pc) =	sbr.rel @p1 .LBB2_7-.Ltmp2, $4  }
0x125: {  	v30 =	vshll.u32 v20, $0x10;
	v31 =	vand.u32 $0xFFFF0000, v20;
	v20 =	vmul.bf16 v26, v23;
	v17 =	vld [tilespmem:s17+$0xFFFFFFF0]  }
0x126: {  	v24 =	vadd.f32 v24, v27;
	v21 =	vld [tilespmem:s13+$0xFFFFFFF0];
	v19 =	vadd.f32 v29, v19  }
0x127: {  	v23 =	vshll.u32 v20, $0x10;
	v29 =	vand.u32 $0xFFFF0000, v20;
	v26 =	vmul.bf16 v28, v25;
	v20 =	vld [tilespmem:s17+$0x30]  }
0x128: {  	v27 =	vadd.f32 v31, v30;
	s17 =	sadd.s32 $0x100, s17;
	v25 =	vadd.f32 v29, v23;
	v23 =	vld [tilespmem:s13+$0x30]  }
0x129: {  	_ = 	snop  }
0x12a: {  	v18 =	vmul.bf16 v22, v18;
	v22 =	vshll.u32 v26, $0x10;
	v26 =	vand.u32 $0xFFFF0000, v26  }
0x12b: {  	v24 =	vadd.f32 v27, v24;
	v22 =	vadd.f32 v26, v22  }
0x12c: {  	v16 =	vadd.f32 v25, v16;
	v26 =	vshll.u32 v18, $0x10;
	v17 =	vmul.bf16 v21, v17  }
0x12d: {  	v18 =	vand.u32 $0xFFFF0000, v18;
	v19 =	vadd.f32 v22, v19;
	v20 =	vmul.bf16 v23, v20  }
0x12e: {  	v18 =	vadd.f32 v18, v26;
	v21 =	vshll.u32 v17, $0x10;
	v17 =	vand.u32 $0xFFFF0000, v17  }
0x12f: {  	v17 =	vadd.f32 v17, v21;
	v21 =	vshll.u32 v20, $0x10;
	v20 =	vand.u32 $0xFFFF0000, v20  }
0x130: {  	s13 =	simm.s32 $0x0;
	v18 =	vadd.f32 v18, v24;
	v20 =	vadd.f32 v20, v21;
	v21 =	vor.u32 s18, v0  }
0x131: {  	v16 =	vadd.f32 v17, v16;
	v17 =	vor.u32 s13, v0  }
0x132: {  	v22 =	vor.u32 s13, v3;
	[tilespmem:s14+$0xFFFFFFE0] =	vst v18;
	v18 =	vadd.f32 v20, v19  }
0x133: {  	v23 =	vor.u32 s18, v3;
	[tilespmem:s14+$0xFFFFFFF0] =	vst v16  }
0x134: {  	v24 =	vor.u32 s13, v4;
	[tilespmem:s14+$0x0] =	vst v18  }
0x135: {  	v25 =	vor.u32 s18, v4;
	v21 =	vld.idx.msk [tilespmem:v21+s24+$0x0], $0xffff  }
0x136: {  	v26 =	vor.u32 s13, v5;
	v17 =	vld.idx.msk [tilespmem:v17+s24+$0x0], $0xffff  }
0x137: {  	v27 =	vor.u32 s18, v5;
	v22 =	vld.idx.msk [tilespmem:v22+s24+$0x0], $0xffff  }
0x138: {  	v28 =	vor.u32 s13, v6;
	v23 =	vld.idx.msk [tilespmem:v23+s24+$0x0], $0xffff  }
0x139: {  	v29 =	vor.u32 s18, v6;
	v24 =	vld.idx.msk [tilespmem:v24+s24+$0x0], $0xffff  }
0x13a: {  	v30 =	vor.u32 s13, v7;
	v25 =	vld.idx.msk [tilespmem:v25+s24+$0x0], $0xffff  }
0x13b: {  	v31 =	vor.u32 s18, v7;
	v26 =	vld.idx.msk [tilespmem:v26+s24+$0x0], $0xffff  }
0x13c: {  	v32 =	vor.u32 s13, v8;
	v27 =	vld.idx.msk [tilespmem:v27+s24+$0x0], $0xffff  }
0x13d: {  	v33 =	vor.u32 s18, v8;
	v28 =	vld.idx.msk [tilespmem:v28+s24+$0x0], $0xffff  }
0x13e: {  	v34 =	vor.u32 s13, v9;
	v29 =	vld.idx.msk [tilespmem:v29+s24+$0x0], $0xffff  }
0x13f: {  	v35 =	vor.u32 s18, v9;
	v30 =	vld.idx.msk [tilespmem:v30+s24+$0x0], $0xffff  }
0x140: {  	v36 =	vor.u32 s13, v10;
	v31 =	vld.idx.msk [tilespmem:v31+s24+$0x0], $0xffff  }
0x141: {  	v37 =	vor.u32 s18, v10;
	v32 =	vld.idx.msk [tilespmem:v32+s24+$0x0], $0xffff  }
0x142: {  	v38 =	vor.u32 s13, v11;
	v33 =	vld.idx.msk [tilespmem:v33+s24+$0x0], $0xffff  }
0x143: {  	v39 =	vor.u32 s18, v11;
	v34 =	vld.idx.msk [tilespmem:v34+s24+$0x0], $0xffff  }
0x144: {  	v40 =	vor.u32 s13, v12;
	v35 =	vld.idx.msk [tilespmem:v35+s24+$0x0], $0xffff  }
0x145: {  	v19 =	vor.u32 s13, v1;
	v36 =	vld.idx.msk [tilespmem:v36+s24+$0x0], $0xffff  }
0x146: {  	v16 =	vor.u32 s18, v1;
	v37 =	vld.idx.msk [tilespmem:v37+s24+$0x0], $0xffff  }
0x147: {  	v20 =	vor.u32 s18, v2;
	v38 =	vld.idx.msk [tilespmem:v38+s24+$0x0], $0xffff  }
0x148: {  	v18 =	vor.u32 s13, v2;
	v39 =	vld.idx.msk [tilespmem:v39+s24+$0x0], $0xffff  }
0x149: {  	v41 =	vor.u32 s18, v12;
	v40 =	vld.idx.msk [tilespmem:v40+s24+$0x0], $0xffff  }
0x14a: {  	v42 =	vor.u32 s13, v13;
	v19 =	vld.idx.msk [tilespmem:v19+s24+$0x0], $0xffff  }
0x14b: {  	v44 =	vor.u32 s13, v14;
	v16 =	vld.idx.msk [tilespmem:v16+s24+$0x0], $0xffff  }
0x14c: {  	v46 =	vor.u32 s13, v15;
	v20 =	vld.idx.msk [tilespmem:v20+s24+$0x0], $0xffff  }
0x14d: {  	v47 =	vor.u32 s18, v15;
	s17 =	simm.s32 $0x300;
	v18 =	vld.idx.msk [tilespmem:v18+s24+$0x0], $0xffff  }
0x14e: {  	v55 =	vor.u32 s17, v4;
	v41 =	vld.idx.msk [tilespmem:v41+s24+$0x0], $0xffff  }
0x14f: {  	v43 =	vor.u32 s18, v13;
	v45 =	vor.u32 s18, v14;
	v58 =	vor.u32 s17, v8;
	v42 =	vld.idx.msk [tilespmem:v42+s24+$0x0], $0xffff  }
0x150: {  	s18 =	simm.s32 $0x200;
	v44 =	vld.idx.msk [tilespmem:v44+s24+$0x0], $0xffff;
	v17 =	vadd.f32 v19, v17;
	v16 =	vadd.f32 v16, v21;
	v19 =	vor.u32 s17, v0  }
0x151: {  	v52 =	vor.u32 s18, v0;
	v46 =	vld.idx.msk [tilespmem:v46+s24+$0x0], $0xffff  }
0x152: {  	v47 =	vld.idx.msk [tilespmem:v47+s24+$0x0], $0xffff;
	v17 =	vadd.f32 v18, v17;
	v16 =	vadd.f32 v20, v16;
	v18 =	vor.u32 s18, v1  }
0x153: {  	v53 =	vor.u32 s17, v1;
	v57 =	vld.idx.msk [tilespmem:v55+s24+$0x0], $0xffff  }
0x154: {  	v60 =	vld.idx.msk [tilespmem:v58+s24+$0x0], $0xffff;
	v17 =	vadd.f32 v22, v17;
	v16 =	vadd.f32 v23, v16;
	v22 =	vor.u32 s18, v2  }
0x155: {  	v23 =	vor.u32 s17, v2;
	v19 =	vld.idx.msk [tilespmem:v19+s24+$0x0], $0xffff  }
0x156: {  	v17 =	vadd.f32 v24, v17;
	v16 =	vadd.f32 v25, v16;
	v24 =	vld.idx.msk [tilespmem:v52+s24+$0x0], $0xffff;
	v25 =	vor.u32 s18, v3  }
0x157: {  	v54 =	vor.u32 s17, v3;
	v18 =	vld.idx.msk [tilespmem:v18+s24+$0x0], $0xffff  }
0x158: {  	v17 =	vadd.f32 v26, v17;
	v16 =	vadd.f32 v27, v16;
	v27 =	vld.idx.msk [tilespmem:v53+s24+$0x0], $0xffff  }
0x159: {  	v26 =	vor.u32 s18, v4;
	v22 =	vld.idx.msk [tilespmem:v22+s24+$0x0], $0xffff  }
0x15a: {  	v23 =	vld.idx.msk [tilespmem:v23+s24+$0x0], $0xffff;
	v17 =	vadd.f32 v28, v17;
	v16 =	vadd.f32 v29, v16;
	v28 =	vor.u32 s18, v5  }
0x15b: {  	v29 =	vor.u32 s17, v5;
	v25 =	vld.idx.msk [tilespmem:v25+s24+$0x0], $0xffff  }
0x15c: {  	v17 =	vadd.f32 v30, v17;
	v16 =	vadd.f32 v31, v16;
	v30 =	vor.u32 s18, v6;
	v31 =	vld.idx.msk [tilespmem:v54+s24+$0x0], $0xffff  }
0x15d: {  	v21 =	vld.idx.msk [tilespmem:v43+s24+$0x0], $0xffff;
	v18 =	vadd.f32 v18, v24;
	v24 =	vor.u32 s17, v6;
	v19 =	vadd.f32 v27, v19  }
0x15e: {  	v56 =	vor.u32 s18, v7;
	v26 =	vld.idx.msk [tilespmem:v26+s24+$0x0], $0xffff;
	v17 =	vadd.f32 v32, v17;
	v16 =	vadd.f32 v33, v16  }
0x15f: {  	v18 =	vadd.f32 v22, v18;
	v22 =	vor.u32 s17, v7;
	v27 =	vld.idx.msk [tilespmem:v28+s24+$0x0], $0xffff;
	v19 =	vadd.f32 v23, v19  }
0x160: {  	v28 =	vor.u32 s18, v8;
	v29 =	vld.idx.msk [tilespmem:v29+s24+$0x0], $0xffff;
	v17 =	vadd.f32 v34, v17;
	v16 =	vadd.f32 v35, v16  }
0x161: {  	v18 =	vadd.f32 v25, v18;
	v23 =	vld.idx.msk [tilespmem:v30+s24+$0x0], $0xffff;
	v19 =	vadd.f32 v31, v19  }
0x162: {  	v25 =	vor.u32 s18, v9;
	v24 =	vld.idx.msk [tilespmem:v24+s24+$0x0], $0xffff;
	v17 =	vadd.f32 v36, v17;
	v16 =	vadd.f32 v37, v16  }
0x163: {  	v30 =	vor.u32 s17, v9;
	v18 =	vadd.f32 v26, v18;
	v26 =	vld.idx.msk [tilespmem:v56+s24+$0x0], $0xffff;
	v19 =	vadd.f32 v57, v19  }
0x164: {  	v31 =	vor.u32 s18, v10;
	v22 =	vld.idx.msk [tilespmem:v22+s24+$0x0], $0xffff;
	v17 =	vadd.f32 v38, v17;
	v16 =	vadd.f32 v39, v16  }
0x165: {  	v18 =	vadd.f32 v27, v18;
	v27 =	vld.idx.msk [tilespmem:v28+s24+$0x0], $0xffff;
	v28 =	vor.u32 s18, v11;
	v19 =	vadd.f32 v29, v19  }
0x166: {  	v61 =	vor.u32 s17, v11;
	v20 =	vld.idx.msk [tilespmem:v45+s24+$0x0], $0xffff;
	v17 =	vadd.f32 v40, v17;
	v16 =	vadd.f32 v41, v16  }
0x167: {  	v59 =	vor.u32 s17, v10;
	v25 =	vld.idx.msk [tilespmem:v25+s24+$0x0], $0xffff;
	v18 =	vadd.f32 v23, v18;
	v19 =	vadd.f32 v24, v19  }
0x168: {  	v29 =	vld.idx.msk [tilespmem:v30+s24+$0x0], $0xffff;
	v17 =	vadd.f32 v42, v17;
	v16 =	vadd.f32 v21, v16;
	v21 =	vor.u32 s18, v12  }
0x169: {  	v30 =	vor.u32 s17, v12;
	v31 =	vld.idx.msk [tilespmem:v31+s24+$0x0], $0xffff;
	v18 =	vadd.f32 v26, v18  }
0x16a: {  	v62 =	vor.u32 s18, v13;
	v22 =	vadd.f32 v22, v19;
	v23 =	vld.idx.msk [tilespmem:v28+s24+$0x0], $0xffff;
	v17 =	vadd.f32 v44, v17  }
0x16b: {  	v19 =	vld.idx.msk [tilespmem:v61+s24+$0x0], $0xffff;
	v16 =	vadd.f32 v20, v16;
	v24 =	vadd.f32 v27, v18;
	v18 =	vor.u32 s17, v13  }
0x16c: {  	v20 =	vld.idx.msk [tilespmem:v59+s24+$0x0], $0xffff;
	v27 =	vor.u32 s18, v14;
	v63 =	vadd.f32 v60, v22;
	v26 =	vadd.f32 v46, v17  }
0x16d: {  	v28 =	vadd.f32 v47, v16;
	v25 =	vadd.f32 v25, v24;
	v17 =	vor.u32 s17, v14;
	v22 =	vld.idx.msk [tilespmem:v21+s24+$0x0], $0xffff  }
0x16e: {  	v21 =	vld.idx.msk [tilespmem:v30+s24+$0x0], $0xffff;
	[tilespmem:s1+$0xFFFFFFF0] =	vst v26;
	v26 =	vor.u32 s18, v15  }
0x16f: {  	s16 =	simm.s32 $0x500;
	s14 =	simm.s32 $0x2;
	s13 =	smov.u32 s1;
	v16 =	vor.u32 s17, v15;
	v24 =	vadd.f32 v29, v63;
	[tilespmem:s1+$0x0] =	vst v28;
	v28 =	vadd.f32 v31, v25;
	v25 =	vld.idx.msk [tilespmem:v62+s24+$0x0], $0xffff  }
.LBB2_9:
0x170: {  	s17 =	sadd.s32 $0xFFFFFF00, s16;
	v29 =	vor.u32 s16, v0;
	v30 =	vor.u32 s16, v1;
	v31 =	vor.u32 s16, v2;
	v32 =	vld.idx.msk [tilespmem:v18+s24+$0x0], $0xffff  }
0x171: {  	v33 =	vor.u32 s16, v3;
	s14 =	sadd.s32 $0x2, s14;
	v18 =	vor.u32 s17, v0;
	v23 =	vadd.f32 v23, v28;
	v27 =	vld.idx.msk [tilespmem:v27+s24+$0x0], $0xffff  }
0x172: {  	v34 =	vor.u32 s16, v4;
	v35 =	vor.u32 s16, v5;
	v28 =	vor.u32 s17, v1;
	p1 =	slt.u32 s14, $0x6;
	v36 =	vld.idx.msk [tilespmem:v17+s24+$0x0], $0xffff  }
0x173: {  	v37 =	vor.u32 s16, v6;
	v38 =	vor.u32 s16, v7;
	v17 =	vadd.f32 v22, v23;
	v22 =	vld.idx.msk [tilespmem:v26+s24+$0x0], $0xffff  }
0x174: {  	v39 =	vor.u32 s16, v9;
	v23 =	vor.u32 s17, v2;
	v26 =	vor.u32 s16, v8;
	v40 =	vld.idx.msk [tilespmem:v16+s24+$0x0], $0xffff  }
0x175: {  	v41 =	vor.u32 s16, v10;
	v42 =	vor.u32 s16, v11;
	v29 =	vld.idx.msk [tilespmem:v29+s24+$0x0], $0xffff;
	v16 =	vadd.f32 v25, v17  }
0x176: {  	v44 =	vor.u32 s16, v12;
	v20 =	vadd.f32 v20, v24;
	v43 =	vor.u32 s17, v3;
	v25 =	vld.idx.msk [tilespmem:v18+s24+$0x0], $0xffff  }
0x177: {  	v17 =	vor.u32 s16, v14;
	v18 =	vor.u32 s16, v13;
	v24 =	vld.idx.msk [tilespmem:v28+s24+$0x0], $0xffff;
	v27 =	vadd.f32 v27, v16  }
0x178: {  	v19 =	vadd.f32 v19, v20;
	v28 =	vor.u32 s17, v4;
	v16 =	vor.u32 s16, v15;
	v30 =	vld.idx.msk [tilespmem:v30+s24+$0x0], $0xffff  }
0x179: {  	v20 =	vld.idx.msk [tilespmem:v23+s24+$0x0], $0xffff;
	v22 =	vadd.f32 v22, v27  }
0x17a: {  	s13 =	sadd.s32 $0x20, s13;
	v19 =	vadd.f32 v21, v19;
	v23 =	vor.u32 s17, v5;
	v27 =	vld.idx.msk [tilespmem:v31+s24+$0x0], $0xffff  }
0x17b: {  	v21 =	vld.idx.msk [tilespmem:v43+s24+$0x0], $0xffff;
	[tilespmem:s13+$0xFFFFFFF0] =	vst v22  }
0x17c: {  	v19 =	vadd.f32 v32, v19;
	v22 =	vor.u32 s17, v6;
	v31 =	vld.idx.msk [tilespmem:v33+s24+$0x0], $0xffff  }
0x17d: {  	v24 =	vadd.f32 v24, v25;
	v25 =	vld.idx.msk [tilespmem:v28+s24+$0x0], $0xffff  }
0x17e: {  	v19 =	vadd.f32 v36, v19;
	v28 =	vor.u32 s17, v7;
	v29 =	vadd.f32 v30, v29;
	v30 =	vld.idx.msk [tilespmem:v34+s24+$0x0], $0xffff  }
0x17f: {  	v20 =	vadd.f32 v20, v24;
	v23 =	vld.idx.msk [tilespmem:v23+s24+$0x0], $0xffff  }
0x180: {  	v19 =	vadd.f32 v40, v19;
	v24 =	vor.u32 s17, v8;
	v27 =	vadd.f32 v27, v29;
	v29 =	vld.idx.msk [tilespmem:v35+s24+$0x0], $0xffff  }
0x181: {  	v20 =	vadd.f32 v21, v20;
	v21 =	vld.idx.msk [tilespmem:v22+s24+$0x0], $0xffff  }
0x182: {  	v22 =	vor.u32 s17, v9;
	v27 =	vadd.f32 v31, v27;
	v31 =	vld.idx.msk [tilespmem:v37+s24+$0x0], $0xffff;
	[tilespmem:s13+$0x0] =	vst v19  }
0x183: {  	v19 =	vadd.f32 v25, v20;
	v20 =	vld.idx.msk [tilespmem:v28+s24+$0x0], $0xffff  }
0x184: {  	v25 =	vor.u32 s17, v10;
	v27 =	vadd.f32 v30, v27;
	v28 =	vld.idx.msk [tilespmem:v38+s24+$0x0], $0xffff  }
0x185: {  	v19 =	vadd.f32 v23, v19;
	v23 =	vld.idx.msk [tilespmem:v24+s24+$0x0], $0xffff  }
0x186: {  	v24 =	vor.u32 s17, v11;
	v27 =	vadd.f32 v29, v27;
	v26 =	vld.idx.msk [tilespmem:v26+s24+$0x0], $0xffff  }
0x187: {  	v19 =	vadd.f32 v21, v19;
	v21 =	vld.idx.msk [tilespmem:v22+s24+$0x0], $0xffff  }
0x188: {  	v22 =	vor.u32 s17, v12;
	v27 =	vadd.f32 v31, v27;
	v29 =	vld.idx.msk [tilespmem:v39+s24+$0x0], $0xffff  }
0x189: {  	v19 =	vadd.f32 v20, v19;
	v25 =	vld.idx.msk [tilespmem:v25+s24+$0x0], $0xffff  }
0x18a: {  	v30 =	vor.u32 s17, v13;
	v28 =	vadd.f32 v28, v27;
	v20 =	vld.idx.msk [tilespmem:v41+s24+$0x0], $0xffff  }
.Ltmp3:
0x18b: {  	v31 =	vadd.f32 v23, v19;
	v23 =	vld.idx.msk [tilespmem:v24+s24+$0x0], $0xffff;
	(pc) =	sbr.rel @p1 .LBB2_9-.Ltmp3, $4  }
0x18c: {  	v27 =	vor.u32 s17, v14;
	v24 =	vadd.f32 v26, v28;
	v19 =	vld.idx.msk [tilespmem:v42+s24+$0x0], $0xffff  }
0x18d: {  	v28 =	vadd.f32 v21, v31;
	v22 =	vld.idx.msk [tilespmem:v22+s24+$0x0], $0xffff  }
0x18e: {  	v26 =	vor.u32 s17, v15;
	v24 =	vadd.f32 v29, v24;
	v21 =	vld.idx.msk [tilespmem:v44+s24+$0x0], $0xffff  }
0x18f: {  	s16 =	sadd.s32 $0x200, s16;
	v28 =	vadd.f32 v25, v28;
	v25 =	vld.idx.msk [tilespmem:v30+s24+$0x0], $0xffff  }
0x190: {  	_ =	sdelay $0x2  }
0x191: {  	v20 =	vadd.f32 v20, v24  }
0x192: {  	v18 =	vld.idx.msk [tilespmem:v18+s24+$0x0], $0xffff;
	v23 =	vadd.f32 v23, v28  }
0x193: {  	v24 =	vld.idx.msk [tilespmem:v27+s24+$0x0], $0xffff;
	v19 =	vadd.f32 v19, v20  }
0x194: {  	v17 =	vld.idx.msk [tilespmem:v17+s24+$0x0], $0xffff;
	v20 =	vadd.f32 v22, v23  }
0x195: {  	v22 =	vld.idx.msk [tilespmem:v26+s24+$0x0], $0xffff;
	v19 =	vadd.f32 v21, v19  }
0x196: {  	v16 =	vld.idx.msk [tilespmem:v16+s24+$0x0], $0xffff;
	v20 =	vadd.f32 v25, v20  }
0x197: {  	v18 =	vadd.f32 v18, v19  }
0x198: {  	v19 =	vadd.f32 v24, v20  }
0x199: {  	v17 =	vadd.f32 v17, v18  }
0x19a: {  	v18 =	vadd.f32 v22, v19  }
0x19b: {  	s13 =	sadd.s32 $0x20, s13;
	v16 =	vadd.f32 v16, v17  }
0x19c: {  	[tilespmem:s13+$0xFFFFFFF0] =	vst v18  }
0x19d: {  	s14 =	simm.s32 @!p0 $0x80;
	s16 =	simm.s32 @!p0 $0x8E20;
	[tilespmem:s13+$0x0] =	vst v16;
	s13 =	sadd.s32 @!p0 $0x200, s12  }
0x19e: {  	[tilespmem:s16], [sflag:$0x2] =	stream.indirect.gather @!p0 [hbm4b:s2+s14], $0x40, s13, s14, $0xb8;
	[tilespmem:$0x14530] =	vst v63  }
0x19f: {  	s12 =	sadd.s32 @!p0 $0x2910, s12;
	s13 =	simm.s32 @!p0 $0xAE20  }
0x1a0: {  	[tilespmem:s13], [sflag:$0x2] =	stream.indirect.gather @!p0 [hbm4b:s2+s14], $0x40, s12, s14, $0xb8;
	[tilespmem:$0x14530] =	vst v63  }
0x1a1: {  	_ =	swait.ge [sflag:s26], $0x2000  }
0x1a2: {  	[sflag:s26] =	ssyncset.done $0x0  }
0x1a3: {  	[sflag:s26] =	ssyncadd.s32 $0xFFFFE000  }
0x1a4: {  	_ =	swait.ge [sflag:s26], $0x2000  }
0x1a5: {  	[sflag:s26] =	ssyncset.done $0x0  }
0x1a6: {  	s18 =	simm.s32 $0xCEA0;
	[sflag:s26] =	ssyncadd.s32 $0xFFFFE000  }
0x1a7: {  	v16 =	vld [tilespmem:s18+$0x60]  }
0x1a8: {  	s12 =	simm.s32 $0xEEA0;
	v17 =	vld [tilespmem:s18+$0x40]  }
0x1a9: {  	v18 =	vld [tilespmem:s12+$0x40]  }
0x1aa: {  	v19 =	vld [tilespmem:s18+$0x50]  }
0x1ab: {  	v20 =	vld [tilespmem:s12+$0x50]  }
0x1ac: {  	v21 =	vld [tilespmem:s12+$0x60]  }
0x1ad: {  	v23 =	vld [tilespmem:s18+$0x70]  }
0x1ae: {  	v24 =	vld [tilespmem:s12+$0x70]  }
0x1af: {  	v25 =	vld [tilespmem:s18+$0xFFFFFF90]  }
0x1b0: {  	v26 =	vld [tilespmem:s12+$0xFFFFFF90]  }
0x1b1: {  	v29 =	vld [tilespmem:s12+$0xFFFFFFD0];
	v17 =	vmul.bf16 v18, v17  }
0x1b2: {  	v18 =	vld [tilespmem:s18+$0xFFFFFFC0];
	v19 =	vmul.bf16 v20, v19  }
0x1b3: {  	v20 =	vld [tilespmem:s12+$0xFFFFFFC0];
	v16 =	vmul.bf16 v21, v16;
	v27 =	vshll.u32 v17, $0x10  }
0x1b4: {  	v21 =	vld [tilespmem:s18+$0xFFFFFFD0];
	v17 =	vand.u32 $0xFFFF0000, v17;
	v28 =	vshll.u32 v19, $0x10;
	v19 =	vand.u32 $0xFFFF0000, v19  }
0x1b5: {  	v22 =	vld [tilespmem:s12+$0xFFFFFF80];
	v17 =	vadd.f32 v17, v27;
	v19 =	vadd.f32 v19, v28  }
0x1b6: {  	v23 =	vmul.bf16 v24, v23;
	v24 =	vld [tilespmem:s12+$0x0];
	v28 =	vshll.u32 v16, $0x10;
	v16 =	vand.u32 $0xFFFF0000, v16  }
0x1b7: {  	v27 =	vld [tilespmem:s18+$0x0];
	v16 =	vadd.f32 v16, v28;
	v17 =	vadd.f32 v19, v17  }
0x1b8: {  	v25 =	vmul.bf16 v26, v25;
	v26 =	vshll.u32 v23, $0x10;
	v23 =	vand.u32 $0xFFFF0000, v23;
	v28 =	vld [tilespmem:s12+$0x10]  }
0x1b9: {  	v18 =	vmul.bf16 v20, v18;
	v20 =	vld [tilespmem:s18+$0xFFFFFF80];
	v21 =	vmul.bf16 v29, v21;
	v16 =	vadd.f32 v16, v17  }
0x1ba: {  	v19 =	vld [tilespmem:s18+$0x10];
	v17 =	vadd.f32 v23, v26;
	v23 =	vshll.u32 v25, $0x10;
	v25 =	vand.u32 $0xFFFF0000, v25  }
0x1bb: {  	v29 =	vld [tilespmem:s12+$0xFFFFFFA0];
	v30 =	vshll.u32 v21, $0x10;
	v21 =	vand.u32 $0xFFFF0000, v21;
	v23 =	vadd.f32 v25, v23  }
0x1bc: {  	v26 =	vld [tilespmem:s18+$0xFFFFFFA0];
	v25 =	vshll.u32 v18, $0x10;
	v18 =	vand.u32 $0xFFFF0000, v18;
	v24 =	vmul.bf16 v24, v27  }
0x1bd: {  	v27 =	vld [tilespmem:s18+$0xFFFFFFE0];
	v21 =	vadd.f32 v21, v30;
	v18 =	vadd.f32 v18, v25  }
0x1be: {  	v25 =	vld [tilespmem:s12+$0xFFFFFFE0];
	v63 =	vadd.f32 v17, v16;
	v17 =	vshll.u32 v24, $0x10;
	v20 =	vmul.bf16 v22, v20  }
0x1bf: {  	v31 =	vld [tilespmem:s18+$0x20];
	v24 =	vand.u32 $0xFFFF0000, v24;
	v19 =	vmul.bf16 v28, v19;
	v16 =	vadd.f32 v21, v18  }
0x1c0: {  	v28 =	vld [tilespmem:s12+$0x20];
	v32 =	vadd.f32 v24, v17;
	v21 =	vshll.u32 v20, $0x10;
	v20 =	vand.u32 $0xFFFF0000, v20  }
0x1c1: {  	v22 =	vld [tilespmem:s12+$0xFFFFFFB0];
	v26 =	vmul.bf16 v29, v26;
	v29 =	vshll.u32 v19, $0x10;
	v19 =	vand.u32 $0xFFFF0000, v19  }
0x1c2: {  	v18 =	vld [tilespmem:s18+$0xFFFFFFB0];
	v20 =	vadd.f32 v20, v21;
	v19 =	vadd.f32 v19, v29  }
0x1c3: {  	v17 =	vld [tilespmem:s18+$0xFFFFFFF0];
	v25 =	vmul.bf16 v25, v27;
	v27 =	vshll.u32 v26, $0x10  }
0x1c4: {  	v21 =	vld [tilespmem:s12+$0xFFFFFFF0];
	v29 =	vand.u32 $0xFFFF0000, v26;
	v24 =	vadd.f32 v23, v20;
	v19 =	vadd.f32 v19, v32  }
0x1c5: {  	s13 =	simm.s32 $0x11640;
	v20 =	vld [tilespmem:s18+$0x30];
	v26 =	vmul.bf16 v28, v31;
	v23 =	vshll.u32 v25, $0x10;
	v25 =	vand.u32 $0xFFFF0000, v25  }
0x1c6: {  	s16 =	simm.s32 $0xCFA0;
	s14 =	simm.s32 $0x0;
	[tilespmem:s13+$0x10] =	vst v63;
	v27 =	vadd.f32 v29, v27;
	v25 =	vadd.f32 v25, v23;
	v23 =	vld [tilespmem:s12+$0x30]  }
.LBB2_11:
0x1c7: {  	v28 =	vld [tilespmem:s16+$0x60];
	v18 =	vmul.bf16 v22, v18;
	v22 =	vshll.u32 v26, $0x10;
	v26 =	vand.u32 $0xFFFF0000, v26  }
0x1c8: {  	s12 =	sadd.s32 $0x100, s12;
	v29 =	vld [tilespmem:s16+$0x40];
	v24 =	vadd.f32 v27, v24;
	v22 =	vadd.f32 v26, v22  }
0x1c9: {  	v26 =	vld [tilespmem:s12+$0x40];
	v27 =	vshll.u32 v18, $0x10;
	v18 =	vand.u32 $0xFFFF0000, v18;
	v17 =	vmul.bf16 v21, v17  }
0x1ca: {  	v16 =	vadd.f32 v25, v16;
	v21 =	vld [tilespmem:s16+$0x50];
	v19 =	vadd.f32 v22, v19  }
0x1cb: {  	s14 =	sadd.s32 $0x4, s14;
	v22 =	vld [tilespmem:s12+$0x50];
	v25 =	vshll.u32 v17, $0x10;
	v17 =	vand.u32 $0xFFFF0000, v17;
	v20 =	vmul.bf16 v23, v20  }
0x1cc: {  	p0 =	slt.u32 s14, $0x7C;
	v18 =	vadd.f32 v18, v27;
	v23 =	vld [tilespmem:s12+$0x60];
	v17 =	vadd.f32 v17, v25  }
0x1cd: {  	v25 =	vld [tilespmem:s12+$0xFFFFFF80];
	v27 =	vshll.u32 v20, $0x10;
	v20 =	vand.u32 $0xFFFF0000, v20  }
0x1ce: {  	v18 =	vadd.f32 v18, v24;
	v30 =	vld [tilespmem:s16+$0x70];
	v20 =	vadd.f32 v20, v27  }
0x1cf: {  	v24 =	vmul.bf16 v26, v29;
	v16 =	vadd.f32 v17, v16;
	v26 =	vld [tilespmem:s12+$0x70]  }
0x1d0: {  	v17 =	vld [tilespmem:s16+$0xFFFFFF90];
	v21 =	vmul.bf16 v22, v21;
	[tilespmem:s13+$0xFFFFFFE0] =	vst v18;
	v18 =	vadd.f32 v20, v19  }
0x1d1: {  	v20 =	vshll.u32 v24, $0x10;
	v19 =	vld [tilespmem:s12+$0xFFFFFF90];
	v22 =	vmul.bf16 v23, v28;
	[tilespmem:s13+$0xFFFFFFF0] =	vst v16  }
0x1d2: {  	v23 =	vand.u32 $0xFFFF0000, v24;
	v16 =	vld [tilespmem:s16+$0xFFFFFFC0];
	v24 =	vshll.u32 v21, $0x10;
	v21 =	vand.u32 $0xFFFF0000, v21;
	[tilespmem:s13+$0x0] =	vst v18  }
0x1d3: {  	v20 =	vadd.f32 v23, v20;
	v18 =	vld [tilespmem:s12+$0xFFFFFFC0];
	v21 =	vadd.f32 v21, v24  }
0x1d4: {  	v24 =	vshll.u32 v22, $0x10;
	v22 =	vand.u32 $0xFFFF0000, v22;
	v23 =	vld [tilespmem:s16+$0xFFFFFFD0];
	v26 =	vmul.bf16 v26, v30  }
0x1d5: {  	v27 =	vld [tilespmem:s12+$0xFFFFFFD0];
	v20 =	vadd.f32 v21, v20;
	v21 =	vadd.f32 v22, v24  }
0x1d6: {  	v17 =	vmul.bf16 v19, v17;
	v19 =	vld [tilespmem:s16+$0x0];
	v22 =	vshll.u32 v26, $0x10;
	v24 =	vand.u32 $0xFFFF0000, v26  }
0x1d7: {  	v26 =	vld [tilespmem:s12+$0x0];
	v20 =	vadd.f32 v21, v20;
	v21 =	vadd.f32 v24, v22  }
0x1d8: {  	v22 =	vshll.u32 v17, $0x10;
	v17 =	vand.u32 $0xFFFF0000, v17;
	v16 =	vmul.bf16 v18, v16;
	v18 =	vld [tilespmem:s16+$0x10]  }
0x1d9: {  	v24 =	vadd.f32 v17, v22;
	v17 =	vld [tilespmem:s12+$0x10];
	v20 =	vadd.f32 v21, v20  }
0x1da: {  	s13 =	sadd.s32 $0x40, s13;
	v21 =	vld [tilespmem:s16+$0xFFFFFF80];
	v22 =	vshll.u32 v16, $0x10;
	v16 =	vand.u32 $0xFFFF0000, v16;
	v23 =	vmul.bf16 v27, v23  }
0x1db: {  	s17 =	simm.s32 $0x100;
	v27 =	vld [tilespmem:s16+$0xFFFFFFA0];
	v16 =	vadd.f32 v16, v22;
	[tilespmem:s13+$0x10] =	vst v20  }
0x1dc: {  	v20 =	vld [tilespmem:s12+$0xFFFFFFA0];
	v22 =	vshll.u32 v23, $0x10;
	v23 =	vand.u32 $0xFFFF0000, v23;
	v19 =	vmul.bf16 v26, v19  }
0x1dd: {  	v22 =	vadd.f32 v23, v22;
	v23 =	vld [tilespmem:s16+$0xFFFFFFE0]  }
0x1de: {  	v26 =	vld [tilespmem:s12+$0xFFFFFFE0];
	v28 =	vshll.u32 v19, $0x10;
	v19 =	vand.u32 $0xFFFF0000, v19;
	v17 =	vmul.bf16 v17, v18  }
0x1df: {  	v18 =	vmul.bf16 v25, v21;
	v16 =	vadd.f32 v22, v16;
	v19 =	vadd.f32 v19, v28;
	v25 =	vld [tilespmem:s16+$0x20]  }
0x1e0: {  	v21 =	vshll.u32 v17, $0x10;
	v17 =	vand.u32 $0xFFFF0000, v17;
	v28 =	vld [tilespmem:s12+$0x20]  }
0x1e1: {  	v22 =	vshll.u32 v18, $0x10;
	v29 =	vand.u32 $0xFFFF0000, v18;
	v20 =	vmul.bf16 v20, v27;
	v18 =	vld [tilespmem:s16+$0xFFFFFFB0]  }
.Ltmp4:
0x1e2: {  	v27 =	vadd.f32 v29, v22;
	v22 =	vld [tilespmem:s12+$0xFFFFFFB0];
	v29 =	vadd.f32 v17, v21;
	(pc) =	sbr.rel @p0 .LBB2_11-.Ltmp4, $4  }
0x1e3: {  	v30 =	vshll.u32 v20, $0x10;
	v31 =	vand.u32 $0xFFFF0000, v20;
	v20 =	vmul.bf16 v26, v23;
	v17 =	vld [tilespmem:s16+$0xFFFFFFF0]  }
0x1e4: {  	v24 =	vadd.f32 v24, v27;
	v21 =	vld [tilespmem:s12+$0xFFFFFFF0];
	v19 =	vadd.f32 v29, v19  }
0x1e5: {  	v23 =	vshll.u32 v20, $0x10;
	v29 =	vand.u32 $0xFFFF0000, v20;
	v26 =	vmul.bf16 v28, v25;
	v20 =	vld [tilespmem:s16+$0x30]  }
0x1e6: {  	v27 =	vadd.f32 v31, v30;
	s16 =	sadd.s32 $0x100, s16;
	v25 =	vadd.f32 v29, v23;
	v23 =	vld [tilespmem:s12+$0x30]  }
0x1e7: {  	_ = 	snop  }
0x1e8: {  	v18 =	vmul.bf16 v22, v18;
	v22 =	vshll.u32 v26, $0x10;
	v26 =	vand.u32 $0xFFFF0000, v26  }
0x1e9: {  	v24 =	vadd.f32 v27, v24;
	v22 =	vadd.f32 v26, v22  }
0x1ea: {  	v16 =	vadd.f32 v25, v16;
	v26 =	vshll.u32 v18, $0x10;
	v17 =	vmul.bf16 v21, v17  }
0x1eb: {  	v18 =	vand.u32 $0xFFFF0000, v18;
	v19 =	vadd.f32 v22, v19;
	v20 =	vmul.bf16 v23, v20  }
0x1ec: {  	v18 =	vadd.f32 v18, v26;
	v21 =	vshll.u32 v17, $0x10;
	v17 =	vand.u32 $0xFFFF0000, v17  }
0x1ed: {  	v17 =	vadd.f32 v17, v21;
	v21 =	vshll.u32 v20, $0x10;
	v20 =	vand.u32 $0xFFFF0000, v20  }
0x1ee: {  	s12 =	simm.s32 $0x0;
	v18 =	vadd.f32 v18, v24;
	v20 =	vadd.f32 v20, v21;
	v21 =	vor.u32 s17, v0  }
0x1ef: {  	v16 =	vadd.f32 v17, v16;
	v17 =	vor.u32 s12, v0  }
0x1f0: {  	v22 =	vor.u32 s12, v3;
	[tilespmem:s13+$0xFFFFFFE0] =	vst v18;
	v18 =	vadd.f32 v20, v19  }
0x1f1: {  	v23 =	vor.u32 s17, v3;
	[tilespmem:s13+$0xFFFFFFF0] =	vst v16  }
0x1f2: {  	v24 =	vor.u32 s12, v4;
	[tilespmem:s13+$0x0] =	vst v18  }
0x1f3: {  	v25 =	vor.u32 s17, v4;
	v21 =	vld.idx.msk [tilespmem:v21+s24+$0x0], $0xffff  }
0x1f4: {  	v26 =	vor.u32 s12, v5;
	v17 =	vld.idx.msk [tilespmem:v17+s24+$0x0], $0xffff  }
0x1f5: {  	v27 =	vor.u32 s17, v5;
	v22 =	vld.idx.msk [tilespmem:v22+s24+$0x0], $0xffff  }
0x1f6: {  	v28 =	vor.u32 s12, v6;
	v23 =	vld.idx.msk [tilespmem:v23+s24+$0x0], $0xffff  }
0x1f7: {  	v29 =	vor.u32 s17, v6;
	v24 =	vld.idx.msk [tilespmem:v24+s24+$0x0], $0xffff  }
0x1f8: {  	v30 =	vor.u32 s12, v7;
	v25 =	vld.idx.msk [tilespmem:v25+s24+$0x0], $0xffff  }
0x1f9: {  	v31 =	vor.u32 s17, v7;
	v26 =	vld.idx.msk [tilespmem:v26+s24+$0x0], $0xffff  }
0x1fa: {  	v32 =	vor.u32 s12, v8;
	v27 =	vld.idx.msk [tilespmem:v27+s24+$0x0], $0xffff  }
0x1fb: {  	v33 =	vor.u32 s17, v8;
	v28 =	vld.idx.msk [tilespmem:v28+s24+$0x0], $0xffff  }
0x1fc: {  	v34 =	vor.u32 s12, v9;
	v29 =	vld.idx.msk [tilespmem:v29+s24+$0x0], $0xffff  }
0x1fd: {  	v35 =	vor.u32 s17, v9;
	v30 =	vld.idx.msk [tilespmem:v30+s24+$0x0], $0xffff  }
0x1fe: {  	v36 =	vor.u32 s12, v10;
	v31 =	vld.idx.msk [tilespmem:v31+s24+$0x0], $0xffff  }
0x1ff: {  	v37 =	vor.u32 s17, v10;
	v32 =	vld.idx.msk [tilespmem:v32+s24+$0x0], $0xffff  }
0x200: {  	v38 =	vor.u32 s12, v11;
	v33 =	vld.idx.msk [tilespmem:v33+s24+$0x0], $0xffff  }
0x201: {  	v39 =	vor.u32 s17, v11;
	v34 =	vld.idx.msk [tilespmem:v34+s24+$0x0], $0xffff  }
0x202: {  	v40 =	vor.u32 s12, v12;
	v35 =	vld.idx.msk [tilespmem:v35+s24+$0x0], $0xffff  }
0x203: {  	v19 =	vor.u32 s12, v1;
	v36 =	vld.idx.msk [tilespmem:v36+s24+$0x0], $0xffff  }
0x204: {  	v16 =	vor.u32 s17, v1;
	v37 =	vld.idx.msk [tilespmem:v37+s24+$0x0], $0xffff  }
0x205: {  	v20 =	vor.u32 s17, v2;
	v38 =	vld.idx.msk [tilespmem:v38+s24+$0x0], $0xffff  }
0x206: {  	v18 =	vor.u32 s12, v2;
	v39 =	vld.idx.msk [tilespmem:v39+s24+$0x0], $0xffff  }
0x207: {  	v41 =	vor.u32 s17, v12;
	v40 =	vld.idx.msk [tilespmem:v40+s24+$0x0], $0xffff  }
0x208: {  	v42 =	vor.u32 s12, v13;
	v19 =	vld.idx.msk [tilespmem:v19+s24+$0x0], $0xffff  }
0x209: {  	v44 =	vor.u32 s12, v14;
	v16 =	vld.idx.msk [tilespmem:v16+s24+$0x0], $0xffff  }
0x20a: {  	v46 =	vor.u32 s12, v15;
	v20 =	vld.idx.msk [tilespmem:v20+s24+$0x0], $0xffff  }
0x20b: {  	v43 =	vor.u32 s17, v13;
	v45 =	vor.u32 s17, v14;
	v47 =	vor.u32 s17, v15;
	s17 =	simm.s32 $0x300;
	v18 =	vld.idx.msk [tilespmem:v18+s24+$0x0], $0xffff  }
0x20c: {  	v55 =	vor.u32 s17, v4;
	v41 =	vld.idx.msk [tilespmem:v41+s24+$0x0], $0xffff  }
0x20d: {  	v58 =	vor.u32 s17, v8;
	v42 =	vld.idx.msk [tilespmem:v42+s24+$0x0], $0xffff  }
0x20e: {  	s18 =	simm.s32 $0x200;
	v44 =	vld.idx.msk [tilespmem:v44+s24+$0x0], $0xffff;
	v17 =	vadd.f32 v19, v17;
	v16 =	vadd.f32 v16, v21;
	v19 =	vor.u32 s17, v0  }
0x20f: {  	v52 =	vor.u32 s18, v0;
	v46 =	vld.idx.msk [tilespmem:v46+s24+$0x0], $0xffff  }
0x210: {  	v47 =	vld.idx.msk [tilespmem:v47+s24+$0x0], $0xffff;
	v17 =	vadd.f32 v18, v17;
	v16 =	vadd.f32 v20, v16;
	v18 =	vor.u32 s18, v1  }
0x211: {  	v53 =	vor.u32 s17, v1;
	v57 =	vld.idx.msk [tilespmem:v55+s24+$0x0], $0xffff  }
0x212: {  	v60 =	vld.idx.msk [tilespmem:v58+s24+$0x0], $0xffff;
	v17 =	vadd.f32 v22, v17;
	v16 =	vadd.f32 v23, v16;
	v22 =	vor.u32 s18, v2  }
0x213: {  	v23 =	vor.u32 s17, v2;
	v19 =	vld.idx.msk [tilespmem:v19+s24+$0x0], $0xffff  }
0x214: {  	v17 =	vadd.f32 v24, v17;
	v16 =	vadd.f32 v25, v16;
	v24 =	vld.idx.msk [tilespmem:v52+s24+$0x0], $0xffff;
	v25 =	vor.u32 s18, v3  }
0x215: {  	v54 =	vor.u32 s17, v3;
	v18 =	vld.idx.msk [tilespmem:v18+s24+$0x0], $0xffff  }
0x216: {  	v17 =	vadd.f32 v26, v17;
	v16 =	vadd.f32 v27, v16;
	v27 =	vld.idx.msk [tilespmem:v53+s24+$0x0], $0xffff  }
0x217: {  	v26 =	vor.u32 s18, v4;
	v22 =	vld.idx.msk [tilespmem:v22+s24+$0x0], $0xffff  }
0x218: {  	v23 =	vld.idx.msk [tilespmem:v23+s24+$0x0], $0xffff;
	v17 =	vadd.f32 v28, v17;
	v16 =	vadd.f32 v29, v16;
	v28 =	vor.u32 s18, v5  }
0x219: {  	v29 =	vor.u32 s17, v5;
	v25 =	vld.idx.msk [tilespmem:v25+s24+$0x0], $0xffff  }
0x21a: {  	v17 =	vadd.f32 v30, v17;
	v16 =	vadd.f32 v31, v16;
	v30 =	vor.u32 s18, v6;
	v31 =	vld.idx.msk [tilespmem:v54+s24+$0x0], $0xffff  }
0x21b: {  	v21 =	vld.idx.msk [tilespmem:v43+s24+$0x0], $0xffff;
	v18 =	vadd.f32 v18, v24;
	v24 =	vor.u32 s17, v6;
	v19 =	vadd.f32 v27, v19  }
0x21c: {  	v56 =	vor.u32 s18, v7;
	v26 =	vld.idx.msk [tilespmem:v26+s24+$0x0], $0xffff;
	v17 =	vadd.f32 v32, v17;
	v16 =	vadd.f32 v33, v16  }
0x21d: {  	v18 =	vadd.f32 v22, v18;
	v22 =	vor.u32 s17, v7;
	v27 =	vld.idx.msk [tilespmem:v28+s24+$0x0], $0xffff;
	v19 =	vadd.f32 v23, v19  }
0x21e: {  	v28 =	vor.u32 s18, v8;
	v29 =	vld.idx.msk [tilespmem:v29+s24+$0x0], $0xffff;
	v17 =	vadd.f32 v34, v17;
	v16 =	vadd.f32 v35, v16  }
0x21f: {  	v18 =	vadd.f32 v25, v18;
	v23 =	vld.idx.msk [tilespmem:v30+s24+$0x0], $0xffff;
	v19 =	vadd.f32 v31, v19  }
0x220: {  	v25 =	vor.u32 s18, v9;
	v24 =	vld.idx.msk [tilespmem:v24+s24+$0x0], $0xffff;
	v17 =	vadd.f32 v36, v17;
	v16 =	vadd.f32 v37, v16  }
0x221: {  	v30 =	vor.u32 s17, v9;
	v18 =	vadd.f32 v26, v18;
	v26 =	vld.idx.msk [tilespmem:v56+s24+$0x0], $0xffff;
	v19 =	vadd.f32 v57, v19  }
0x222: {  	v31 =	vor.u32 s18, v10;
	v22 =	vld.idx.msk [tilespmem:v22+s24+$0x0], $0xffff;
	v17 =	vadd.f32 v38, v17;
	v16 =	vadd.f32 v39, v16  }
0x223: {  	v18 =	vadd.f32 v27, v18;
	v27 =	vld.idx.msk [tilespmem:v28+s24+$0x0], $0xffff;
	v28 =	vor.u32 s18, v11;
	v19 =	vadd.f32 v29, v19  }
0x224: {  	v61 =	vor.u32 s17, v11;
	v20 =	vld.idx.msk [tilespmem:v45+s24+$0x0], $0xffff;
	v17 =	vadd.f32 v40, v17;
	v16 =	vadd.f32 v41, v16  }
0x225: {  	v59 =	vor.u32 s17, v10;
	v25 =	vld.idx.msk [tilespmem:v25+s24+$0x0], $0xffff;
	v18 =	vadd.f32 v23, v18;
	v19 =	vadd.f32 v24, v19  }
0x226: {  	v29 =	vld.idx.msk [tilespmem:v30+s24+$0x0], $0xffff;
	v17 =	vadd.f32 v42, v17;
	v16 =	vadd.f32 v21, v16;
	v21 =	vor.u32 s18, v12  }
0x227: {  	v30 =	vor.u32 s17, v12;
	v31 =	vld.idx.msk [tilespmem:v31+s24+$0x0], $0xffff;
	v18 =	vadd.f32 v26, v18  }
0x228: {  	v62 =	vor.u32 s18, v13;
	v22 =	vadd.f32 v22, v19;
	v23 =	vld.idx.msk [tilespmem:v28+s24+$0x0], $0xffff;
	v17 =	vadd.f32 v44, v17  }
0x229: {  	v19 =	vld.idx.msk [tilespmem:v61+s24+$0x0], $0xffff;
	v16 =	vadd.f32 v20, v16;
	v24 =	vadd.f32 v27, v18;
	v18 =	vor.u32 s17, v13  }
0x22a: {  	v20 =	vld.idx.msk [tilespmem:v59+s24+$0x0], $0xffff;
	v27 =	vor.u32 s18, v14;
	v63 =	vadd.f32 v60, v22;
	v26 =	vadd.f32 v46, v17  }
0x22b: {  	v28 =	vadd.f32 v47, v16;
	v25 =	vadd.f32 v25, v24;
	v17 =	vor.u32 s17, v14;
	v22 =	vld.idx.msk [tilespmem:v21+s24+$0x0], $0xffff  }
0x22c: {  	v21 =	vld.idx.msk [tilespmem:v30+s24+$0x0], $0xffff;
	[tilespmem:s0+$0xFFFFFFF0] =	vst v26;
	v26 =	vor.u32 s18, v15  }
0x22d: {  	s14 =	simm.s32 $0x500;
	s13 =	simm.s32 $0x2;
	s12 =	smov.u32 s0;
	v16 =	vor.u32 s17, v15;
	v24 =	vadd.f32 v29, v63;
	[tilespmem:s0+$0x0] =	vst v28;
	v28 =	vadd.f32 v31, v25;
	v25 =	vld.idx.msk [tilespmem:v62+s24+$0x0], $0xffff  }
.LBB2_13:
0x22e: {  	s16 =	sadd.s32 $0xFFFFFF00, s14;
	v29 =	vor.u32 s14, v0;
	v30 =	vor.u32 s14, v1;
	v31 =	vor.u32 s14, v2;
	v32 =	vld.idx.msk [tilespmem:v18+s24+$0x0], $0xffff  }
0x22f: {  	v33 =	vor.u32 s14, v3;
	s13 =	sadd.s32 $0x2, s13;
	v18 =	vor.u32 s16, v0;
	v23 =	vadd.f32 v23, v28;
	v27 =	vld.idx.msk [tilespmem:v27+s24+$0x0], $0xffff  }
0x230: {  	v34 =	vor.u32 s14, v4;
	v35 =	vor.u32 s14, v5;
	v28 =	vor.u32 s16, v1;
	p0 =	slt.u32 s13, $0x6;
	v36 =	vld.idx.msk [tilespmem:v17+s24+$0x0], $0xffff  }
0x231: {  	v37 =	vor.u32 s14, v6;
	v38 =	vor.u32 s14, v7;
	v17 =	vadd.f32 v22, v23;
	v22 =	vld.idx.msk [tilespmem:v26+s24+$0x0], $0xffff  }
0x232: {  	v39 =	vor.u32 s14, v9;
	v23 =	vor.u32 s16, v2;
	v26 =	vor.u32 s14, v8;
	v40 =	vld.idx.msk [tilespmem:v16+s24+$0x0], $0xffff  }
0x233: {  	v41 =	vor.u32 s14, v10;
	v42 =	vor.u32 s14, v11;
	v29 =	vld.idx.msk [tilespmem:v29+s24+$0x0], $0xffff;
	v16 =	vadd.f32 v25, v17  }
0x234: {  	v44 =	vor.u32 s14, v12;
	v20 =	vadd.f32 v20, v24;
	v43 =	vor.u32 s16, v3;
	v25 =	vld.idx.msk [tilespmem:v18+s24+$0x0], $0xffff  }
0x235: {  	v17 =	vor.u32 s14, v14;
	v18 =	vor.u32 s14, v13;
	v24 =	vld.idx.msk [tilespmem:v28+s24+$0x0], $0xffff;
	v27 =	vadd.f32 v27, v16  }
0x236: {  	v19 =	vadd.f32 v19, v20;
	v28 =	vor.u32 s16, v4;
	v16 =	vor.u32 s14, v15;
	v30 =	vld.idx.msk [tilespmem:v30+s24+$0x0], $0xffff  }
0x237: {  	v20 =	vld.idx.msk [tilespmem:v23+s24+$0x0], $0xffff;
	v22 =	vadd.f32 v22, v27  }
0x238: {  	s12 =	sadd.s32 $0x20, s12;
	v19 =	vadd.f32 v21, v19;
	v23 =	vor.u32 s16, v5;
	v27 =	vld.idx.msk [tilespmem:v31+s24+$0x0], $0xffff  }
0x239: {  	v21 =	vld.idx.msk [tilespmem:v43+s24+$0x0], $0xffff;
	[tilespmem:s12+$0xFFFFFFF0] =	vst v22  }
0x23a: {  	v19 =	vadd.f32 v32, v19;
	v22 =	vor.u32 s16, v6;
	v31 =	vld.idx.msk [tilespmem:v33+s24+$0x0], $0xffff  }
0x23b: {  	v24 =	vadd.f32 v24, v25;
	v25 =	vld.idx.msk [tilespmem:v28+s24+$0x0], $0xffff  }
0x23c: {  	v19 =	vadd.f32 v36, v19;
	v28 =	vor.u32 s16, v7;
	v29 =	vadd.f32 v30, v29;
	v30 =	vld.idx.msk [tilespmem:v34+s24+$0x0], $0xffff  }
0x23d: {  	v20 =	vadd.f32 v20, v24;
	v23 =	vld.idx.msk [tilespmem:v23+s24+$0x0], $0xffff  }
0x23e: {  	v19 =	vadd.f32 v40, v19;
	v24 =	vor.u32 s16, v8;
	v27 =	vadd.f32 v27, v29;
	v29 =	vld.idx.msk [tilespmem:v35+s24+$0x0], $0xffff  }
0x23f: {  	v20 =	vadd.f32 v21, v20;
	v21 =	vld.idx.msk [tilespmem:v22+s24+$0x0], $0xffff  }
0x240: {  	v22 =	vor.u32 s16, v9;
	v27 =	vadd.f32 v31, v27;
	v31 =	vld.idx.msk [tilespmem:v37+s24+$0x0], $0xffff;
	[tilespmem:s12+$0x0] =	vst v19  }
0x241: {  	v19 =	vadd.f32 v25, v20;
	v20 =	vld.idx.msk [tilespmem:v28+s24+$0x0], $0xffff  }
0x242: {  	v25 =	vor.u32 s16, v10;
	v27 =	vadd.f32 v30, v27;
	v28 =	vld.idx.msk [tilespmem:v38+s24+$0x0], $0xffff  }
0x243: {  	v19 =	vadd.f32 v23, v19;
	v23 =	vld.idx.msk [tilespmem:v24+s24+$0x0], $0xffff  }
0x244: {  	v24 =	vor.u32 s16, v11;
	v27 =	vadd.f32 v29, v27;
	v26 =	vld.idx.msk [tilespmem:v26+s24+$0x0], $0xffff  }
0x245: {  	v19 =	vadd.f32 v21, v19;
	v21 =	vld.idx.msk [tilespmem:v22+s24+$0x0], $0xffff  }
0x246: {  	v22 =	vor.u32 s16, v12;
	v27 =	vadd.f32 v31, v27;
	v29 =	vld.idx.msk [tilespmem:v39+s24+$0x0], $0xffff  }
0x247: {  	v19 =	vadd.f32 v20, v19;
	v25 =	vld.idx.msk [tilespmem:v25+s24+$0x0], $0xffff  }
0x248: {  	v30 =	vor.u32 s16, v13;
	v28 =	vadd.f32 v28, v27;
	v20 =	vld.idx.msk [tilespmem:v41+s24+$0x0], $0xffff  }
.Ltmp5:
0x249: {  	v31 =	vadd.f32 v23, v19;
	v23 =	vld.idx.msk [tilespmem:v24+s24+$0x0], $0xffff;
	(pc) =	sbr.rel @p0 .LBB2_13-.Ltmp5, $4  }
0x24a: {  	v27 =	vor.u32 s16, v14;
	v24 =	vadd.f32 v26, v28;
	v19 =	vld.idx.msk [tilespmem:v42+s24+$0x0], $0xffff  }
0x24b: {  	v28 =	vadd.f32 v21, v31;
	v22 =	vld.idx.msk [tilespmem:v22+s24+$0x0], $0xffff  }
0x24c: {  	v26 =	vor.u32 s16, v15;
	v24 =	vadd.f32 v29, v24;
	v21 =	vld.idx.msk [tilespmem:v44+s24+$0x0], $0xffff  }
0x24d: {  	s14 =	sadd.s32 $0x200, s14;
	v28 =	vadd.f32 v25, v28;
	v25 =	vld.idx.msk [tilespmem:v30+s24+$0x0], $0xffff  }
0x24e: {  	_ =	sdelay $0x2  }
0x24f: {  	v20 =	vadd.f32 v20, v24  }
0x250: {  	v18 =	vld.idx.msk [tilespmem:v18+s24+$0x0], $0xffff;
	v23 =	vadd.f32 v23, v28  }
0x251: {  	v59 =	vld.idx.msk [tilespmem:v27+s24+$0x0], $0xffff;
	v19 =	vadd.f32 v19, v20  }
0x252: {  	v17 =	vld.idx.msk [tilespmem:v17+s24+$0x0], $0xffff;
	v60 =	vadd.f32 v22, v23  }
0x253: {  	v61 =	vld.idx.msk [tilespmem:v26+s24+$0x0], $0xffff;
	v19 =	vadd.f32 v21, v19  }
0x254: {  	v16 =	vld.idx.msk [tilespmem:v16+s24+$0x0], $0xffff;
	v20 =	vadd.f32 v25, v60  }
0x255: {  	s11 =	sadd.s32 $0x1, s11;
	v18 =	vadd.f32 v18, v19  }
0x256: {  	p0 =	sne.s32 s11, $0x1A;
	v62 =	vadd.f32 v59, v20  }
.Ltmp6:
0x257: {  	v17 =	vadd.f32 v17, v18;
	(pc) =	sbr.rel @p0 .LBB2_2-.Ltmp6, $4  }
0x258: {  	v63 =	vadd.f32 v61, v62  }
0x259: {  	s12 =	sadd.s32 $0x20, s12;
	v16 =	vadd.f32 v16, v17  }
0x25a: {  	[tilespmem:s12+$0xFFFFFFF0] =	vst v63  }
0x25b: {  	s31 =	sadd.s32 $0x180, s31;
	s1 =	sadd.s32 $0x180, s1;
	s0 =	sadd.s32 $0x180, s0;
	[tilespmem:s12+$0x0] =	vst v16  }
0x25c: {  	_ =	swait.ge [sflag:s28], $0x400  }
0x25d: {  	[sflag:s28] =	ssyncset.done $0x0  }
0x25e: {  	[sflag:s28] =	ssyncadd.s32 $0xFFFFFC00  }
0x25f: {  	_ =	swait.ge [sflag:s28], $0x400  }
0x260: {  	[sflag:s28] =	ssyncset.done $0x0  }
0x261: {  	[sflag:s28] =	ssyncadd.s32 $0xFFFFFC00  }
0x262: {  	v16 =	vld [tilespmem:$0x10E20]  }
0x263: {  	v17 =	vld [tilespmem:$0x11220]  }
0x264: {  	v18 =	vld [tilespmem:$0x10E30]  }
0x265: {  	v19 =	vld [tilespmem:$0x11230]  }
0x266: {  	v20 =	vld [tilespmem:$0x10E40]  }
0x267: {  	v21 =	vld [tilespmem:$0x11240]  }
0x268: {  	v22 =	vld [tilespmem:$0x10E50]  }
0x269: {  	v23 =	vld [tilespmem:$0x11250]  }
0x26a: {  	v24 =	vld [tilespmem:$0x10E60]  }
0x26b: {  	v25 =	vld [tilespmem:$0x11260]  }
0x26c: {  	v26 =	vld [tilespmem:$0x10E70]  }
0x26d: {  	v27 =	vld [tilespmem:$0x11270]  }
0x26e: {  	v28 =	vld [tilespmem:$0x10E80]  }
0x26f: {  	v29 =	vld [tilespmem:$0x11280]  }
0x270: {  	v30 =	vld [tilespmem:$0x10E90]  }
0x271: {  	v31 =	vld [tilespmem:$0x11290]  }
0x272: {  	v32 =	vld [tilespmem:$0x10EA0]  }
0x273: {  	v33 =	vld [tilespmem:$0x112A0]  }
0x274: {  	v34 =	vld [tilespmem:$0x10EB0]  }
0x275: {  	v35 =	vld [tilespmem:$0x112B0]  }
0x276: {  	v36 =	vld [tilespmem:$0x10EC0]  }
0x277: {  	v37 =	vld [tilespmem:$0x112C0]  }
0x278: {  	v38 =	vld [tilespmem:$0x10ED0]  }
0x279: {  	v39 =	vld [tilespmem:$0x112D0]  }
0x27a: {  	v40 =	vld [tilespmem:$0x10EE0]  }
0x27b: {  	v41 =	vld [tilespmem:$0x112E0]  }
0x27c: {  	v42 =	vld [tilespmem:$0x10EF0]  }
0x27d: {  	v43 =	vld [tilespmem:$0x112F0]  }
0x27e: {  	v44 =	vld [tilespmem:$0x10F00]  }
0x27f: {  	v45 =	vld [tilespmem:$0x10F10]  }
0x280: {  	v47 =	vld [tilespmem:$0x11310]  }
0x281: {  	v16 =	vmul.bf16 v17, v16;
	v17 =	vmul.bf16 v19, v18;
	v18 =	vld [tilespmem:$0x11300]  }
0x282: {  	v19 =	vld [tilespmem:$0x10F20]  }
0x283: {  	v20 =	vmul.bf16 v21, v20;
	v21 =	vld [tilespmem:$0x11320]  }
0x284: {  	v26 =	vmul.bf16 v27, v26;
	v27 =	vld [tilespmem:$0x11330]  }
0x285: {  	v28 =	vmul.bf16 v29, v28;
	v29 =	vld [tilespmem:$0x11340]  }
0x286: {  	v22 =	vmul.bf16 v23, v22;
	v23 =	vld [tilespmem:$0x10F60]  }
0x287: {  	v59 =	vmul.bf16 v31, v30;
	v60 =	vmul.bf16 v33, v32;
	v31 =	vld [tilespmem:$0x11360]  }
0x288: {  	v32 =	vld [tilespmem:$0x10F70];
	v36 =	vmul.bf16 v37, v36;
	v38 =	vmul.bf16 v39, v38;
	v52 =	vshll.u32 v16, $0x10  }
0x289: {  	v37 =	vld [tilespmem:$0x10F80];
	v16 =	vand.u32 $0xFFFF0000, v16;
	v46 =	vshll.u32 v17, $0x10;
	v17 =	vand.u32 $0xFFFF0000, v17  }
0x28a: {  	v53 =	vshll.u32 v20, $0x10;
	v56 =	vshll.u32 v28, $0x10;
	v57 =	vand.u32 $0xFFFF0000, v28;
	v28 =	vld [tilespmem:$0x11350]  }
0x28b: {  	v62 =	vshll.u32 v60, $0x10;
	v30 =	vand.u32 $0xFFFF0000, v60;
	v60 =	vmul.bf16 v47, v45;
	v47 =	vld [tilespmem:$0x11020]  }
0x28c: {  	v48 =	vshll.u32 v26, $0x10;
	v26 =	vand.u32 $0xFFFF0000, v26;
	v17 =	vadd.f32 v17, v46;
	v46 =	vld [tilespmem:$0x10F40]  }
0x28d: {  	v20 =	vand.u32 $0xFFFF0000, v20;
	v61 =	vshll.u32 v59, $0x10;
	v55 =	vadd.f32 v26, v48;
	v48 =	vld [tilespmem:$0x10F90]  }
0x28e: {  	v16 =	vadd.f32 v16, v52;
	v20 =	vadd.f32 v20, v53;
	v53 =	vmul.bf16 v41, v40;
	v40 =	vld [tilespmem:$0x11390]  }
0x28f: {  	v26 =	vand.u32 $0xFFFF0000, v59;
	v52 =	vshll.u32 v36, $0x10;
	v36 =	vand.u32 $0xFFFF0000, v36;
	v41 =	vld [tilespmem:$0x10FC0]  }
0x290: {  	v59 =	vshll.u32 v38, $0x10;
	v38 =	vand.u32 $0xFFFF0000, v38;
	v33 =	vadd.f32 v36, v52;
	v36 =	vld [tilespmem:$0x113A0]  }
0x291: {  	v58 =	vshll.u32 v22, $0x10;
	v30 =	vadd.f32 v30, v62;
	v38 =	vadd.f32 v38, v59;
	v59 =	vld [tilespmem:$0x11030]  }
0x292: {  	v26 =	vadd.f32 v26, v61;
	v61 =	vshll.u32 v60, $0x10;
	v62 =	vand.u32 $0xFFFF0000, v60;
	v60 =	vld [tilespmem:$0x11430]  }
0x293: {  	v22 =	vand.u32 $0xFFFF0000, v22;
	v16 =	vadd.f32 v17, v16;
	v17 =	vmul.bf16 v25, v24;
	v24 =	vld [tilespmem:$0x10F30]  }
0x294: {  	v22 =	vadd.f32 v22, v58;
	v25 =	vld [tilespmem:$0x10F50];
	v18 =	vmul.bf16 v18, v44;
	v19 =	vmul.bf16 v21, v19  }
0x295: {  	v44 =	vld [tilespmem:$0x10FD0];
	v39 =	vadd.f32 v62, v61;
	v23 =	vmul.bf16 v31, v23;
	v54 =	vshll.u32 v17, $0x10  }
0x296: {  	v21 =	vld [tilespmem:$0x113D0];
	v17 =	vand.u32 $0xFFFF0000, v17;
	v16 =	vadd.f32 v20, v16;
	v20 =	vadd.f32 v57, v56  }
0x297: {  	v31 =	vld [tilespmem:$0x11410];
	v58 =	vshll.u32 v18, $0x10;
	v18 =	vand.u32 $0xFFFF0000, v18;
	v17 =	vadd.f32 v17, v54  }
0x298: {  	v56 =	vand.u32 $0xFFFF0000, v53;
	v54 =	vmul.bf16 v43, v42;
	v42 =	vld [tilespmem:$0x10FB0];
	v18 =	vadd.f32 v18, v58  }
0x299: {  	v43 =	vld [tilespmem:$0x113E0];
	v29 =	vmul.bf16 v29, v46;
	v40 =	vmul.bf16 v40, v48;
	v17 =	vadd.f32 v55, v17  }
0x29a: {  	v46 =	vld [tilespmem:$0x10FF0];
	v55 =	vshll.u32 v53, $0x10;
	v57 =	vshll.u32 v54, $0x10;
	v24 =	vmul.bf16 v27, v24  }
0x29b: {  	v27 =	vld [tilespmem:$0x10FE0];
	v51 =	vshll.u32 v29, $0x10;
	v29 =	vand.u32 $0xFFFF0000, v29;
	v25 =	vmul.bf16 v28, v25  }
0x29c: {  	v28 =	vld [tilespmem:$0x11000];
	v21 =	vmul.bf16 v21, v44;
	v20 =	vadd.f32 v20, v17;
	v17 =	vmul.bf16 v35, v34  }
0x29d: {  	v52 =	vadd.f32 v29, v51;
	v29 =	vld [tilespmem:$0x11400];
	v49 =	vshll.u32 v24, $0x10;
	v24 =	vand.u32 $0xFFFF0000, v24  }
0x29e: {  	v35 =	vld [tilespmem:$0x11370];
	v53 =	vshll.u32 v25, $0x10;
	v63 =	vshll.u32 v17, $0x10;
	v17 =	vand.u32 $0xFFFF0000, v17  }
0x29f: {  	v34 =	vld [tilespmem:$0x11380];
	v25 =	vand.u32 $0xFFFF0000, v25;
	v50 =	vadd.f32 v24, v49;
	v17 =	vadd.f32 v17, v63  }
0x2a0: {  	v44 =	vld [tilespmem:$0x11080];
	v25 =	vadd.f32 v25, v53;
	v63 =	vshll.u32 v19, $0x10;
	v19 =	vand.u32 $0xFFFF0000, v19  }
0x2a1: {  	v24 =	vld [tilespmem:$0x113F0];
	v27 =	vmul.bf16 v43, v27;
	v19 =	vadd.f32 v19, v63;
	v30 =	vadd.f32 v17, v30  }
0x2a2: {  	v63 =	vld [tilespmem:$0x11440];
	v28 =	vmul.bf16 v29, v28;
	v17 =	vadd.f32 v22, v16;
	v16 =	vadd.f32 v26, v20  }
0x2a3: {  	v22 =	vld [tilespmem:$0x10FA0];
	v20 =	vand.u32 $0xFFFF0000, v54;
	v32 =	vmul.bf16 v35, v32;
	v54 =	vshll.u32 v23, $0x10  }
0x2a4: {  	v35 =	vld [tilespmem:$0x11010];
	v58 =	vmul.bf16 v34, v37;
	v43 =	vshll.u32 v27, $0x10;
	v27 =	vand.u32 $0xFFFF0000, v27  }
0x2a5: {  	v37 =	vld [tilespmem:$0x11040];
	v20 =	vadd.f32 v20, v57;
	v19 =	vadd.f32 v50, v19;
	v50 =	vand.u32 $0xFFFF0000, v40  }
0x2a6: {  	v57 =	vld [tilespmem:$0x11420];
	v51 =	vmul.bf16 v24, v46;
	v27 =	vadd.f32 v27, v43;
	v26 =	vadd.f32 v33, v30  }
0x2a7: {  	v24 =	vld [tilespmem:$0x11470];
	v30 =	vadd.f32 v56, v55;
	v55 =	vand.u32 $0xFFFF0000, v23;
	v56 =	vshll.u32 v32, $0x10  }
0x2a8: {  	v43 =	vld [tilespmem:$0x11090];
	v32 =	vand.u32 $0xFFFF0000, v32;
	v61 =	vshll.u32 v58, $0x10;
	v45 =	vadd.f32 v52, v19  }
0x2a9: {  	v33 =	vld [tilespmem:$0x113B0];
	v49 =	vadd.f32 v55, v54;
	v23 =	vadd.f32 v32, v56;
	v52 =	vshll.u32 v21, $0x10  }
0x2aa: {  	v53 =	vshll.u32 v51, $0x10;
	v54 =	vld [tilespmem:$0x11480];
	v21 =	vand.u32 $0xFFFF0000, v21;
	v55 =	vshll.u32 v28, $0x10  }
0x2ab: {  	v28 =	vand.u32 $0xFFFF0000, v28;
	v56 =	vld [tilespmem:$0x11490];
	v20 =	vadd.f32 v20, v30;
	v21 =	vadd.f32 v21, v52  }
0x2ac: {  	v30 =	vld [tilespmem:$0x113C0];
	v28 =	vadd.f32 v28, v55;
	v23 =	vadd.f32 v23, v49;
	v22 =	vmul.bf16 v36, v22  }
0x2ad: {  	v36 =	vld [tilespmem:$0x11450];
	v49 =	vshll.u32 v40, $0x10;
	v31 =	vmul.bf16 v31, v35;
	v18 =	vadd.f32 v18, v20  }
0x2ae: {  	v40 =	vld [tilespmem:$0x11070];
	v20 =	vadd.f32 v38, v26;
	v26 =	vand.u32 $0xFFFF0000, v58;
	v32 =	vmul.bf16 v57, v47  }
0x2af: {  	v35 =	vld [tilespmem:$0x114C0];
	v57 =	vmul.bf16 v60, v59;
	v33 =	vmul.bf16 v33, v42;
	v26 =	vadd.f32 v26, v61  }
0x2b0: {  	v60 =	vld [tilespmem:$0x110B0];
	v62 =	vshll.u32 v22, $0x10;
	v22 =	vand.u32 $0xFFFF0000, v22;
	v19 =	vadd.f32 v39, v18  }
0x2b1: {  	v38 =	vld [tilespmem:$0x114D0];
	v18 =	vadd.f32 v25, v45;
	v22 =	vadd.f32 v22, v62;
	v58 =	vshll.u32 v32, $0x10  }
0x2b2: {  	v42 =	vld [tilespmem:$0x110A0];
	v59 =	vand.u32 $0xFFFF0000, v32;
	v61 =	vshll.u32 v57, $0x10;
	v62 =	vmul.bf16 v63, v37  }
0x2b3: {  	v39 =	vld [tilespmem:$0x11060];
	v29 =	vmul.bf16 v54, v44;
	v43 =	vmul.bf16 v56, v43;
	v45 =	vshll.u32 v33, $0x10  }
0x2b4: {  	v25 =	vld [tilespmem:$0x114A0];
	v33 =	vand.u32 $0xFFFF0000, v33;
	v30 =	vmul.bf16 v30, v41;
	v23 =	vadd.f32 v26, v23  }
0x2b5: {  	v63 =	vld [tilespmem:$0x114B0];
	v33 =	vadd.f32 v33, v45;
	v47 =	vshll.u32 v62, $0x10;
	v34 =	vand.u32 $0xFFFF0000, v62  }
0x2b6: {  	v41 =	vld [tilespmem:$0x11050];
	v24 =	vmul.bf16 v24, v40;
	v48 =	vshll.u32 v30, $0x10;
	v30 =	vand.u32 $0xFFFF0000, v30  }
0x2b7: {  	v54 =	vld [tilespmem:$0x114F0];
	v55 =	vshll.u32 v29, $0x10;
	v22 =	vadd.f32 v33, v22;
	v26 =	vadd.f32 v30, v48  }
0x2b8: {  	v56 =	vld [tilespmem:$0x11500];
	v33 =	vadd.f32 v50, v49;
	v49 =	vshll.u32 v31, $0x10;
	v31 =	vand.u32 $0xFFFF0000, v31  }
0x2b9: {  	v37 =	vld [tilespmem:$0x11510];
	v29 =	vand.u32 $0xFFFF0000, v29;
	v48 =	vadd.f32 v34, v47;
	v31 =	vadd.f32 v31, v49  }
0x2ba: {  	v40 =	vld [tilespmem:$0x110F0];
	v25 =	vmul.bf16 v25, v42;
	v26 =	vadd.f32 v26, v22;
	v22 =	vand.u32 $0xFFFF0000, v51  }
0x2bb: {  	v30 =	vld [tilespmem:$0x11460];
	v32 =	vmul.bf16 v63, v60;
	v36 =	vmul.bf16 v36, v41;
	v22 =	vadd.f32 v22, v53  }
0x2bc: {  	v62 =	vld [tilespmem:$0x11520];
	v53 =	vshll.u32 v24, $0x10;
	v24 =	vand.u32 $0xFFFF0000, v24;
	v60 =	vshll.u32 v25, $0x10  }
0x2bd: {  	v47 =	vld [tilespmem:$0x111E0];
	v25 =	vand.u32 $0xFFFF0000, v25;
	v21 =	vadd.f32 v21, v26;
	v51 =	vshll.u32 v36, $0x10  }
0x2be: {  	v42 =	vld [tilespmem:$0x11120];
	v36 =	vand.u32 $0xFFFF0000, v36;
	v24 =	vadd.f32 v24, v53;
	v63 =	vadd.f32 v25, v60  }
0x2bf: {  	v53 =	vmul.bf16 v54, v40;
	v27 =	vadd.f32 v22, v27;
	v22 =	vadd.f32 v33, v23;
	v33 =	vld [tilespmem:$0x110D0]  }
0x2c0: {  	v23 =	vand.u32 $0xFFFF0000, v57;
	v50 =	vmul.bf16 v30, v39;
	v30 =	vld [tilespmem:$0x110E0];
	v34 =	vadd.f32 v36, v51  }
0x2c1: {  	v39 =	vld [tilespmem:$0x114E0];
	v57 =	vadd.f32 v29, v55;
	v23 =	vadd.f32 v23, v61  }
0x2c2: {  	v36 =	vld [tilespmem:$0x11100];
	v61 =	vshll.u32 v32, $0x10;
	v32 =	vand.u32 $0xFFFF0000, v32;
	v40 =	vshll.u32 v53, $0x10  }
0x2c3: {  	v29 =	vld [tilespmem:$0x11110];
	v62 =	vmul.bf16 v62, v42;
	v26 =	vadd.f32 v28, v27;
	v27 =	vadd.f32 v59, v58  }
0x2c4: {  	v28 =	vld [tilespmem:$0x110C0];
	v58 =	vshll.u32 v43, $0x10;
	v59 =	vand.u32 $0xFFFF0000, v43;
	v32 =	vadd.f32 v32, v61  }
0x2c5: {  	v54 =	vld [tilespmem:$0x11540];
	v52 =	vshll.u32 v50, $0x10;
	v41 =	vadd.f32 v59, v58;
	v23 =	vadd.f32 v23, v27  }
0x2c6: {  	v61 =	vld [tilespmem:$0x11170];
	v27 =	vand.u32 $0xFFFF0000, v50;
	v25 =	vadd.f32 v31, v26;
	v51 =	vadd.f32 v32, v63  }
0x2c7: {  	v59 =	vld [tilespmem:$0x11560];
	v27 =	vadd.f32 v27, v52;
	v30 =	vmul.bf16 v39, v30;
	v36 =	vmul.bf16 v56, v36  }
0x2c8: {  	v50 =	vld [tilespmem:$0x11530];
	v33 =	vmul.bf16 v38, v33;
	v29 =	vmul.bf16 v37, v29;
	v23 =	vadd.f32 v48, v23  }
0x2c9: {  	v31 =	vld [tilespmem:$0x11140];
	v24 =	vadd.f32 v24, v27;
	v49 =	vmul.bf16 v35, v28;
	v55 =	vshll.u32 v30, $0x10  }
0x2ca: {  	v63 =	vld [tilespmem:$0x11570];
	v30 =	vand.u32 $0xFFFF0000, v30;
	v60 =	vshll.u32 v33, $0x10;
	v33 =	vand.u32 $0xFFFF0000, v33  }
0x2cb: {  	v39 =	vld [tilespmem:$0x11150];
	v58 =	vshll.u32 v36, $0x10;
	v30 =	vadd.f32 v30, v55;
	v33 =	vadd.f32 v33, v60  }
0x2cc: {  	v48 =	vld [tilespmem:$0x11130];
	v36 =	vand.u32 $0xFFFF0000, v36;
	v27 =	vadd.f32 v57, v24;
	v24 =	vadd.f32 v34, v23  }
0x2cd: {  	v55 =	vld [tilespmem:$0x111A0];
	v52 =	vshll.u32 v49, $0x10;
	v26 =	vand.u32 $0xFFFF0000, v49;
	v34 =	vand.u32 $0xFFFF0000, v53  }
0x2ce: {  	v57 =	vld [tilespmem:$0x11160];
	v49 =	vshll.u32 v29, $0x10;
	v29 =	vand.u32 $0xFFFF0000, v29;
	v26 =	vadd.f32 v26, v52  }
0x2cf: {  	v31 =	vmul.bf16 v54, v31;
	v53 =	vld [tilespmem:$0x11590];
	v56 =	vadd.f32 v34, v40;
	v29 =	vadd.f32 v29, v49  }
0x2d0: {  	v42 =	vshll.u32 v62, $0x10;
	v52 =	vld [tilespmem:$0x11190];
	v23 =	vadd.f32 v41, v27;
	v27 =	vadd.f32 v36, v58  }
0x2d1: {  	v41 =	vld [tilespmem:$0x11550];
	v28 =	vmul.bf16 v50, v48;
	v36 =	vand.u32 $0xFFFF0000, v62;
	v54 =	vshll.u32 v31, $0x10  }
0x2d2: {  	v48 =	vld [tilespmem:$0x11180];
	v31 =	vand.u32 $0xFFFF0000, v31;
	v26 =	vadd.f32 v26, v51;
	v30 =	vadd.f32 v56, v30  }
0x2d3: {  	v50 =	vld [tilespmem:$0x11580];
	v36 =	vadd.f32 v36, v42;
	v51 =	vshll.u32 v28, $0x10;
	v28 =	vand.u32 $0xFFFF0000, v28  }
0x2d4: {  	v31 =	vadd.f32 v31, v54;
	v56 =	vld [tilespmem:$0x115A0];
	v28 =	vadd.f32 v28, v51  }
0x2d5: {  	v58 =	vld [tilespmem:$0x111B0];
	v27 =	vadd.f32 v27, v30;
	v34 =	vmul.bf16 v59, v57;
	v26 =	vadd.f32 v33, v26  }
0x2d6: {  	v62 =	vld [tilespmem:$0x111C0];
	v57 =	vmul.bf16 v63, v61;
	v35 =	vmul.bf16 v53, v52;
	v28 =	vadd.f32 v28, v36  }
0x2d7: {  	v61 =	vld [tilespmem:$0x115B0];
	v27 =	vadd.f32 v29, v27;
	v59 =	vshll.u32 v34, $0x10;
	v60 =	vand.u32 $0xFFFF0000, v34  }
0x2d8: {  	v63 =	vld [tilespmem:$0x115C0];
	v37 =	vshll.u32 v57, $0x10;
	v29 =	vand.u32 $0xFFFF0000, v57;
	v30 =	vmul.bf16 v50, v48  }
0x2d9: {  	v52 =	vld [tilespmem:$0x115F0];
	v45 =	vmul.bf16 v41, v39;
	v29 =	vadd.f32 v29, v37;
	v51 =	vmul.bf16 v56, v55  }
0x2da: {  	v48 =	vld [tilespmem:$0x115E0];
	v53 =	vshll.u32 v35, $0x10;
	v35 =	vand.u32 $0xFFFF0000, v35;
	v28 =	vadd.f32 v31, v28  }
0x2db: {  	v50 =	vld [tilespmem:$0x111F0];
	v31 =	vadd.f32 v60, v59;
	v46 =	vshll.u32 v30, $0x10;
	v30 =	vand.u32 $0xFFFF0000, v30  }
0x2dc: {  	v40 =	vld [tilespmem:$0x11610];
	v49 =	vshll.u32 v45, $0x10;
	v37 =	vand.u32 $0xFFFF0000, v45;
	v35 =	vadd.f32 v35, v53  }
0x2dd: {  	v54 =	vld [tilespmem:$0x111D0];
	v30 =	vadd.f32 v30, v46;
	v37 =	vadd.f32 v37, v49;
	v32 =	vmul.bf16 v61, v58  }
0x2de: {  	v57 =	vld [tilespmem:$0x11200];
	v55 =	vshll.u32 v51, $0x10;
	v33 =	vmul.bf16 v63, v62;
	v29 =	vadd.f32 v29, v31  }
0x2df: {  	[tilespmem:$0x11620] =	vst v17;
	v56 =	vld [tilespmem:$0x115D0];
	v17 =	vshll.u32 v32, $0x10;
	v32 =	vand.u32 $0xFFFF0000, v32;
	v58 =	vmul.bf16 v48, v47  }
0x2e0: {  	[tilespmem:$0x11630] =	vst v16;
	v59 =	vld [tilespmem:$0x11600];
	v60 =	vshll.u32 v33, $0x10;
	v61 =	vand.u32 $0xFFFF0000, v33;
	v62 =	vmul.bf16 v52, v50  }
0x2e1: {  	[tilespmem:$0x11640] =	vst v20;
	v63 =	vld [tilespmem:$0x11210];
	v29 =	vadd.f32 v30, v29;
	v30 =	vand.u32 $0xFFFF0000, v51;
	v17 =	vadd.f32 v32, v17  }
0x2e2: {  	[tilespmem:$0x11650] =	vst v19;
	v16 =	vadd.f32 v30, v55;
	v39 =	vshll.u32 v58, $0x10;
	v41 =	vand.u32 $0xFFFF0000, v58  }
0x2e3: {  	[tilespmem:$0x11660] =	vst v18;
	v46 =	vadd.f32 v37, v28;
	v43 =	vshll.u32 v62, $0x10;
	v18 =	vadd.f32 v41, v39  }
0x2e4: {  	[tilespmem:$0x11680] =	vst v21;
	v44 =	vand.u32 $0xFFFF0000, v62;
	v16 =	vadd.f32 v17, v16;
	v17 =	vadd.f32 v61, v60  }
0x2e5: {  	[tilespmem:$0x11670] =	vst v22;
	v48 =	vmul.bf16 v59, v57;
	v45 =	vadd.f32 v44, v43;
	v47 =	vadd.f32 v35, v29  }
0x2e6: {  	[tilespmem:$0x11690] =	vst v25;
	v49 =	vmul.bf16 v40, v63;
	v16 =	vadd.f32 v17, v16;
	v17 =	vmul.bf16 v56, v54  }
0x2e7: {  	[tilespmem:$0x116A0] =	vst v24;
	v50 =	vshll.u32 v48, $0x10;
	v51 =	vand.u32 $0xFFFF0000, v48;
	v18 =	vadd.f32 v45, v18  }
0x2e8: {  	[tilespmem:$0x116B0] =	vst v23;
	v20 =	vadd.f32 v51, v50;
	v52 =	vshll.u32 v17, $0x10;
	v17 =	vand.u32 $0xFFFF0000, v17  }
0x2e9: {  	[tilespmem:$0x116C0] =	vst v26;
	v53 =	vshll.u32 v49, $0x10;
	v19 =	vand.u32 $0xFFFF0000, v49;
	v17 =	vadd.f32 v17, v52  }
0x2ea: {  	[tilespmem:$0x116D0] =	vst v27;
	v19 =	vadd.f32 v19, v53;
	v18 =	vadd.f32 v20, v18  }
0x2eb: {  	[tilespmem:$0x116E0] =	vst v46;
	v16 =	vadd.f32 v17, v16  }
0x2ec: {  	[tilespmem:$0x116F0] =	vst v47;
	v17 =	vadd.f32 v19, v18  }
0x2ed: {  	[tilespmem:$0x11700] =	vst v16  }
0x2ee: {  	[tilespmem:$0x11710] =	vst v17  }
0x2ef: {  	v16 =	vld.idx.msk [tilespmem:v0+s24+$0x0], $0xffff  }
0x2f0: {  	v17 =	vld.idx.msk [tilespmem:v1+s24+$0x0], $0xffff;
	_ =	sdelay $0x1  }
0x2f1: {  	v54 =	vld.idx.msk [tilespmem:v2+s24+$0x0], $0xffff;
	_ =	sdelay $0x1  }
0x2f2: {  	v55 =	vld.idx.msk [tilespmem:v3+s24+$0x0], $0xffff  }
0x2f3: {  	v16 =	vadd.f32 v17, v16  }
0x2f4: {  	v17 =	vld.idx.msk [tilespmem:v4+s24+$0x0], $0xffff  }
0x2f5: {  	v16 =	vadd.f32 v54, v16  }
0x2f6: {  	v56 =	vld.idx.msk [tilespmem:v5+s24+$0x0], $0xffff  }
0x2f7: {  	v16 =	vadd.f32 v55, v16  }
0x2f8: {  	v57 =	vld.idx.msk [tilespmem:v6+s24+$0x0], $0xffff  }
0x2f9: {  	v16 =	vadd.f32 v17, v16  }
0x2fa: {  	v17 =	vld.idx.msk [tilespmem:v7+s24+$0x0], $0xffff  }
0x2fb: {  	v16 =	vadd.f32 v56, v16  }
0x2fc: {  	v58 =	vld.idx.msk [tilespmem:v8+s24+$0x0], $0xffff  }
0x2fd: {  	v16 =	vadd.f32 v57, v16  }
0x2fe: {  	v59 =	vld.idx.msk [tilespmem:v9+s24+$0x0], $0xffff  }
0x2ff: {  	v16 =	vadd.f32 v17, v16  }
0x300: {  	v17 =	vld.idx.msk [tilespmem:v10+s24+$0x0], $0xffff  }
0x301: {  	v16 =	vadd.f32 v58, v16  }
0x302: {  	v60 =	vld.idx.msk [tilespmem:v11+s24+$0x0], $0xffff  }
0x303: {  	v16 =	vadd.f32 v59, v16  }
0x304: {  	v61 =	vld.idx.msk [tilespmem:v12+s24+$0x0], $0xffff  }
0x305: {  	v16 =	vadd.f32 v17, v16  }
0x306: {  	v17 =	vld.idx.msk [tilespmem:v13+s24+$0x0], $0xffff  }
0x307: {  	v16 =	vadd.f32 v60, v16  }
0x308: {  	v62 =	vld.idx.msk [tilespmem:v14+s24+$0x0], $0xffff  }
0x309: {  	v16 =	vadd.f32 v61, v16  }
0x30a: {  	v63 =	vld.idx.msk [tilespmem:v15+s24+$0x0], $0xffff  }
0x30b: {  	v16 =	vadd.f32 v17, v16;
	_ =	sdelay $0x1  }
0x30c: {  	v16 =	vadd.f32 v62, v16;
	_ =	sdelay $0x1  }
0x30d: {  	s30 =	sadd.s32 $0x1, s30;
	v16 =	vadd.f32 v63, v16  }
0x30e: {  	p0 =	sne.s32 s30, s7  }
.Ltmp7:
0x30f: {  	[tilespmem:$0x14520] =	vst v16;
	(pc) =	sbr.rel @p0 .LBB2_1-.Ltmp7, $4  }
0x310: {  	[hbm4b:s6+s3] =	stream.linear.scatter [tilespmem:s29], [sflag:$0x5], $0x2710, $0x38;
	[tilespmem:$0x14530] =	vst v63  }
0x311: {  	_ =	swait.ge [sflag:s8], $0x2710  }
0x312: {  	[sflag:s8] =	ssyncset.done $0x0  }
0x313: {  	[sflag:s8] =	ssyncadd.s32 $0xFFFFD8F0  }
0x314: {  	_ =	sfence.sel $0x180000  }
0x315: {  	[bflag:$0x0] =	sbarrier.arrive $0xFFFF  }
0x316: {  	_ =	strace $0x90000047  }
0x317: {  	s0 =	stileid.u32;
	[bflag:$0x2] =	sbarrier.arrive $0xFFFF  }
0x318: {  	p0 =	sne.s32 s0, $0x0;
	s0 =	rddreg [dreg:$0x2]  }
0x319: {  	s0 =	sadd.s32 @!p0 $0x100000, s0  }
0x31a: {  	[sflag:s0] =	ssyncadd.tile.s32 @!p0 $0x1;
	_ =	shalt  }
.Lfunc_end2:
_tile_overlayer_lowered:
.L_overlay_start_2:
0x31b: {  	(tag) =	ssettag $0x2  }
0x31c: {  	s0 =	rddreg [dreg:$0x0];
	s2 =	stileid.u32  }
0x31d: {  	s1 =	rddreg [dreg:$0x1];
	p0 =	sne.s32 s2, $0x0  }
0x31e: {  	s3 =	rddreg [dreg:$0x2];
	[bflag:$0x3] =	sbarrier.arrive $0xFFFF;
	s2 =	simm.s32 @!p0 $0x1C05  }
0x31f: {  	[timem:s3], [sflag:s2] =	dma.local @!p0 [hbm:s0], s1  }
0x320: {  	s0 =	simm.s32 @!p0 $0x5  }
0x321: {  	_ =	swait.ge @!p0 [sflag:s0], s1  }
0x322: {  	s1 =	ssub.s32 @!p0 $0x0, s1;
	[sflag:s0] =	ssyncset.done @!p0 $0x0  }
0x323: {  	[sflag:s0] =	ssyncadd.s32 @!p0 s1  }
0x324: {  	[bflag:$0x3] =	sbarrier.arrive $0xFFFF  }
0x325: {  	_ =	shalt  }

</sc_bundles>
